<compile_context>
chip_gen: v7x
topology: tpu7x:2x2x1
jax: 0.10.2.dev20260603
libtpu: 0.0.44.dev20260713+nightly
codegen_flags: <defaults>
</compile_context>

<pallas_src>
import functools

import jax
import jax.numpy as jnp
from jax import lax
from jax.experimental import pallas as pl
from jax.experimental.pallas import tpu as pltpu
from jax.experimental.pallas import tpu_sc as plsc

D = 128
BATCH = 4096
TOKENS = 204800
STEPS = 10
OUT = 10
BETA = 0.95
THR = 1.0
TAIL_COUNT = TOKENS - (BATCH - 1)

NW = 32
SING_W = BATCH // NW
FULL_W = TOKENS // NW
CHUNK = 128
NCHUNK = FULL_W // CHUNK
NLC = D // 16


def _row_add(rows_v, r, acc):
    return tuple(acc[c] + rows_v[r, pl.ds(16 * c, 16)] for c in range(NLC))


def _sc_embed_body(x_hbm, tab_hbm, emb_hbm, part_hbm,
                   idx0_v, rows0_v, idx1_v, rows1_v, idx2_v, rows2_v,
                   idx3_v, rows3_v, idx4_v, rows4_v, idx5_v, rows5_v,
                   acc_v, sem0, sem1, sem2, sem3, sem4, sem5):
    wid = lax.axis_index("s") * 2 + lax.axis_index("c")
    zero = tuple(jnp.zeros((16,), jnp.float32) for _ in range(NLC))
    fbase = wid * FULL_W
    bufs = ((idx0_v, rows0_v, sem0), (idx1_v, rows1_v, sem1),
            (idx2_v, rows2_v, sem2), (idx3_v, rows3_v, sem3),
            (idx4_v, rows4_v, sem4), (idx5_v, rows5_v, sem5))

    def start(k, b, add):
        idx_v, rows_v, sem = bufs[b]
        off = pl.multiple_of(fbase + k * CHUNK, 8)
        pltpu.sync_copy(x_hbm.at[pl.ds(off, CHUNK)], idx_v)
        pltpu.async_copy(tab_hbm.at[idx_v], rows_v, sem, add=add)

    def drain(b):
        idx_v, rows_v, sem = bufs[b]
        pltpu.make_async_copy(tab_hbm.at[idx_v], rows_v, sem).wait()

    sbase = pl.multiple_of(wid * SING_W, 8)
    pltpu.sync_copy(x_hbm.at[pl.ds(sbase, SING_W)], idx0_v)
    pltpu.async_copy(tab_hbm.at[idx0_v], rows0_v, sem0).wait()
    pltpu.sync_copy(rows0_v, emb_hbm.at[pl.ds(sbase, SING_W)])

    start(0, 1, False)
    sing = lax.fori_loop(0, SING_W, lambda r, a: _row_add(rows0_v, r, a), zero)
    last = jnp.where(wid == NW - 1, 1.0, 0.0)
    sing = tuple(sing[c] - last * rows0_v[SING_W - 1, pl.ds(16 * c, 16)]
                 for c in range(NLC))
    start(1, 2, False)
    start(2, 3, False)
    start(3, 4, False)
    start(4, 5, False)
    start(5, 0, False)

    def hex_body(g, _):
        k0 = 6 * g + 6
        for j in range(6):
            b = (j + 1) % 6
            drain(b)
            start(k0 + j, b, True)
        return 0

    lax.fori_loop(0, (NCHUNK - 8) // 6, hex_body, 0)
    drain(1)
    start(NCHUNK - 2, 1, True)
    drain(2)
    start(NCHUNK - 1, 2, True)
    for b in (3, 4, 5, 0, 1, 2):
        drain(b)

    def hex_red(r, a):
        return tuple(a[c] + rows0_v[r, pl.ds(16 * c, 16)]
                     + rows1_v[r, pl.ds(16 * c, 16)]
                     + rows2_v[r, pl.ds(16 * c, 16)]
                     + rows3_v[r, pl.ds(16 * c, 16)]
                     + rows4_v[r, pl.ds(16 * c, 16)]
                     + rows5_v[r, pl.ds(16 * c, 16)] for c in range(NLC))

    full = lax.fori_loop(0, CHUNK, hex_red, zero)

    for c in range(NLC):
        acc_v[pl.ds(16 * c, 16)] = full[c] - sing[c]
    pltpu.sync_copy(acc_v, part_hbm.at[wid])


@functools.cache
def _get_sc_embed():
    return functools.partial(
        pl.kernel,
        mesh=plsc.VectorSubcoreMesh(core_axis_name="c", subcore_axis_name="s"),
        out_type=[
            jax.ShapeDtypeStruct((BATCH, D), jnp.float32),
            jax.ShapeDtypeStruct((NW, D), jnp.float32),
        ],
        scratch_types=[
            pltpu.VMEM((CHUNK,), jnp.int32),
            pltpu.VMEM((CHUNK, D), jnp.float32),
            pltpu.VMEM((CHUNK,), jnp.int32),
            pltpu.VMEM((CHUNK, D), jnp.float32),
            pltpu.VMEM((CHUNK,), jnp.int32),
            pltpu.VMEM((CHUNK, D), jnp.float32),
            pltpu.VMEM((CHUNK,), jnp.int32),
            pltpu.VMEM((CHUNK, D), jnp.float32),
            pltpu.VMEM((CHUNK,), jnp.int32),
            pltpu.VMEM((CHUNK, D), jnp.float32),
            pltpu.VMEM((CHUNK,), jnp.int32),
            pltpu.VMEM((CHUNK, D), jnp.float32),
            pltpu.VMEM((D,), jnp.float32),
            pltpu.SemaphoreType.DMA,
            pltpu.SemaphoreType.DMA,
            pltpu.SemaphoreType.DMA,
            pltpu.SemaphoreType.DMA,
            pltpu.SemaphoreType.DMA,
            pltpu.SemaphoreType.DMA,
        ],
    )(_sc_embed_body)


BB = 1024
GRID = BATCH // BB


def _snn_body(emb_ref, part_ref, w1_ref, b1_ref, w2_ref, b2_ref,
              w3_ref, b3_ref, spk_ref, mem_ref):
    i = pl.program_id(0)
    tail = jnp.sum(part_ref[...], axis=0, keepdims=True) / float(TAIL_COUNT)
    rows = lax.broadcasted_iota(jnp.int32, (BB, 1), 0) + i * BB
    m = (rows == BATCH - 1).astype(jnp.float32)
    emb = emb_ref[...] * (1.0 - m) + tail * m

    cur1 = jnp.dot(emb, w1_ref[...], preferred_element_type=jnp.float32) + b1_ref[...]
    mem1 = jnp.zeros((BB, 64), jnp.float32)
    mem2 = jnp.zeros((BB, 32), jnp.float32)
    mem3 = jnp.zeros((BB, OUT), jnp.float32)
    for t in range(STEPS):
        mem1 = BETA * mem1 + cur1 - (mem1 > THR).astype(jnp.float32) * THR
        spk1 = (mem1 > THR).astype(jnp.float32)
        cur2 = jnp.dot(spk1, w2_ref[...], preferred_element_type=jnp.float32) + b2_ref[...]
        mem2 = BETA * mem2 + cur2 - (mem2 > THR).astype(jnp.float32) * THR
        spk2 = (mem2 > THR).astype(jnp.float32)
        cur3 = jnp.dot(spk2, w3_ref[...], preferred_element_type=jnp.float32) + b3_ref[...]
        mem3 = BETA * mem3 + cur3 - (mem3 > THR).astype(jnp.float32) * THR
        spk_ref[t] = (mem3 > THR).astype(jnp.float32)
        mem_ref[t] = mem3


_tc_snn = pl.pallas_call(
    _snn_body,
    grid=(GRID,),
    in_specs=[
        pl.BlockSpec((BB, D), lambda i: (i, 0)),
        pl.BlockSpec((NW, D), lambda i: (0, 0)),
        pl.BlockSpec((D, 64), lambda i: (0, 0)),
        pl.BlockSpec((1, 64), lambda i: (0, 0)),
        pl.BlockSpec((64, 32), lambda i: (0, 0)),
        pl.BlockSpec((1, 32), lambda i: (0, 0)),
        pl.BlockSpec((32, OUT), lambda i: (0, 0)),
        pl.BlockSpec((1, OUT), lambda i: (0, 0)),
    ],
    out_specs=[
        pl.BlockSpec((STEPS, BB, OUT), lambda i: (0, i, 0)),
        pl.BlockSpec((STEPS, BB, OUT), lambda i: (0, i, 0)),
    ],
    out_shape=[jax.ShapeDtypeStruct((STEPS, BATCH, OUT), jnp.float32)] * 2,
)


def kernel(x, offsets, emb_weight, fc1_w, fc1_b, fc2_w, fc2_b, fc3_w, fc3_b):
    del offsets
    emb, parts = _get_sc_embed()(x, emb_weight)
    spk, mem = _tc_snn(
        emb, parts,
        fc1_w.T, fc1_b.reshape(1, 64),
        fc2_w.T, fc2_b.reshape(1, 32),
        fc3_w.T, fc3_b.reshape(1, OUT),
    )
    return spk, mem

# --- scband reference (transcript-rebuilt; emitter-appended) ---
"""Pipeline reference for scband-net-19026705121908 (READ-ONLY COPY).

The authoritative reference and input builder live on the scoring server;
editing this copy changes nothing except your own understanding.
"""

import jax, jax.numpy as jnp
import numpy as np

VOCAB = 100000
EMBED_DIM = 128
BATCH = 4096
TOTAL_TOKENS = 204800
NUM_STEPS = 10
OUTPUT_NUM = 10
BETA = 0.95
THRESHOLD = 1.0
SLOPE = 25.0


@jax.custom_vjp
def spike_fn(u):
    return (u > THRESHOLD).astype(u.dtype)


def _spike_fwd(u):
    return spike_fn(u), u


def _spike_bwd(u, g):
    sg = 1.0 / (SLOPE * jnp.abs(u - THRESHOLD) + 1.0) ** 2
    return (g * sg,)


spike_fn.defvjp(_spike_fwd, _spike_bwd)


def setup_inputs(seed: int = 0):
    key = jax.random.key(seed)
    ks = jax.random.split(key, 10)
    x = jax.random.randint(ks[0], (TOTAL_TOKENS,), 0, VOCAB, dtype=jnp.int32)
    offsets = jnp.arange(BATCH, dtype=jnp.int32)
    emb_weight = jax.random.uniform(ks[1], (VOCAB, EMBED_DIM), minval=-0.5, maxval=0.5, dtype=jnp.float32)
    fc1_w = jax.random.uniform(ks[2], (64, EMBED_DIM), minval=-0.5, maxval=0.5, dtype=jnp.float32)
    fc1_b = jnp.zeros((64,), jnp.float32)
    fc2_w = jax.random.normal(ks[3], (32, 64), jnp.float32) * (1.0 / np.sqrt(64))
    fc2_b = jnp.zeros((32,), jnp.float32)
    fc3_w = jax.random.normal(ks[4], (OUTPUT_NUM, 32), jnp.float32) * (1.0 / np.sqrt(32))
    fc3_b = jnp.zeros((OUTPUT_NUM,), jnp.float32)
    return {"x": x, "offsets": offsets, "emb_weight": emb_weight,
            "fc1_w": fc1_w, "fc1_b": fc1_b, "fc2_w": fc2_w, "fc2_b": fc2_b,
            "fc3_w": fc3_w, "fc3_b": fc3_b}


def embedding_bag_mean(table, x, offsets):
    # torch.nn.EmbeddingBag default mode='mean': bag i covers [offsets[i], offsets[i+1])
    seg = jnp.searchsorted(offsets, jnp.arange(x.shape[0], dtype=offsets.dtype), side='right') - 1
    gathered = jnp.take(table, x, axis=0)
    sums = jax.ops.segment_sum(gathered, seg, num_segments=BATCH)
    counts = jax.ops.segment_sum(jnp.ones((x.shape[0],), table.dtype), seg, num_segments=BATCH)
    return sums / jnp.clip(counts, 1.0, None)[:, None]


def leaky_step(cur, mem):
    # snntorch snn.Leaky: reset (detached) from previous mem, then decay+input, then fire
    reset = jax.lax.stop_gradient(spike_fn(mem))
    mem_new = BETA * mem + cur - reset * THRESHOLD
    spk = spike_fn(mem_new)
    return spk, mem_new


def reference(x, offsets, emb_weight, fc1_w, fc1_b, fc2_w, fc2_b, fc3_w, fc3_b):
    mem1 = jnp.zeros((BATCH, 64), jnp.float32)
    mem2 = jnp.zeros((BATCH, 32), jnp.float32)
    mem3 = jnp.zeros((BATCH, OUTPUT_NUM), jnp.float32)
    spk3_rec = []
    mem3_rec = []
    for _ in range(NUM_STEPS):
        embedded = embedding_bag_mean(emb_weight, x, offsets)
        cur1 = embedded @ fc1_w.T + fc1_b
        spk1, mem1 = leaky_step(cur1, mem1)
        cur2 = spk1 @ fc2_w.T + fc2_b
        spk2, mem2 = leaky_step(cur2, mem2)
        cur3 = spk2 @ fc3_w.T + fc3_b
        spk3, mem3 = leaky_step(cur3, mem3)
        spk3_rec.append(spk3)
        mem3_rec.append(mem3)
    return (jnp.stack(spk3_rec, axis=0), jnp.stack(mem3_rec, axis=0))

if __name__ == "__main__":
    import jax
    _d = setup_inputs()
    print(jax.jit(kernel)(*tuple(_d.values())))

</pallas_src>

<mosaic_0001>
#map = affine_map<(d0, d1) -> (0)>
#map1 = affine_map<(d0, d1) -> (0, 0)>
module attributes {stable_mosaic.version = 14 : i64} {
  func.func @_sc_embed_body(%arg0: i32, %arg1: i32, %arg2: memref<204800xi32, #tpu.memory_space<hbm>>, %arg3: memref<100000x128xf32, #tpu.memory_space<hbm>>, %arg4: memref<4096x128xf32, #tpu.memory_space<hbm>>, %arg5: memref<32x128xf32, #tpu.memory_space<hbm>>, %arg6: memref<128xi32, #tpu.memory_space<vmem>>, %arg7: memref<128x128xf32, #tpu.memory_space<vmem>>, %arg8: memref<128xi32, #tpu.memory_space<vmem>>, %arg9: memref<128x128xf32, #tpu.memory_space<vmem>>, %arg10: memref<128xi32, #tpu.memory_space<vmem>>, %arg11: memref<128x128xf32, #tpu.memory_space<vmem>>, %arg12: memref<128xi32, #tpu.memory_space<vmem>>, %arg13: memref<128x128xf32, #tpu.memory_space<vmem>>, %arg14: memref<128xi32, #tpu.memory_space<vmem>>, %arg15: memref<128x128xf32, #tpu.memory_space<vmem>>, %arg16: memref<128xi32, #tpu.memory_space<vmem>>, %arg17: memref<128x128xf32, #tpu.memory_space<vmem>>, %arg18: memref<128xf32, #tpu.memory_space<vmem>>, %arg19: memref<!tpu.dma_semaphore, #tpu.memory_space<semaphore_mem>>, %arg20: memref<!tpu.dma_semaphore, #tpu.memory_space<semaphore_mem>>, %arg21: memref<!tpu.dma_semaphore, #tpu.memory_space<semaphore_mem>>, %arg22: memref<!tpu.dma_semaphore, #tpu.memory_space<semaphore_mem>>, %arg23: memref<!tpu.dma_semaphore, #tpu.memory_space<semaphore_mem>>, %arg24: memref<!tpu.dma_semaphore, #tpu.memory_space<semaphore_mem>>) attributes {dimension_semantics = [#tpu.dimension_semantics<core_parallel>, #tpu.dimension_semantics<subcore_parallel>], iteration_bounds = array<i64: 2, 16>, scalar_prefetch = 0 : i64, scratch_operands = 19 : i64, tpu.core_type = #tpu.core_type<sc_vector_subcore>, window_params = [{transform_indices = #map}, {transform_indices = #map1}, {transform_indices = #map1}, {transform_indices = #map1}]} {
    %mul3A = arith.constant 2 : i32
    %mul3A_0 = arith.muli %arg1, %mul3A : i32
    %add3A = arith.addi %mul3A_0, %arg0 : i32
    %broadcast_in_dim3A = arith.constant 0.000000e+00 : f32
    %broadcast_in_dim3A_1 = vector.broadcast %broadcast_in_dim3A : f32 to vector<16xf32>
    %broadcast_in_dim3A_2 = arith.constant 0.000000e+00 : f32
    %broadcast_in_dim3A_3 = vector.broadcast %broadcast_in_dim3A_2 : f32 to vector<16xf32>
    %broadcast_in_dim3A_4 = arith.constant 0.000000e+00 : f32
    %broadcast_in_dim3A_5 = vector.broadcast %broadcast_in_dim3A_4 : f32 to vector<16xf32>
    %broadcast_in_dim3A_6 = arith.constant 0.000000e+00 : f32
    %broadcast_in_dim3A_7 = vector.broadcast %broadcast_in_dim3A_6 : f32 to vector<16xf32>
    %broadcast_in_dim3A_8 = arith.constant 0.000000e+00 : f32
    %broadcast_in_dim3A_9 = vector.broadcast %broadcast_in_dim3A_8 : f32 to vector<16xf32>
    %broadcast_in_dim3A_10 = arith.constant 0.000000e+00 : f32
    %broadcast_in_dim3A_11 = vector.broadcast %broadcast_in_dim3A_10 : f32 to vector<16xf32>
    %broadcast_in_dim3A_12 = arith.constant 0.000000e+00 : f32
    %broadcast_in_dim3A_13 = vector.broadcast %broadcast_in_dim3A_12 : f32 to vector<16xf32>
    %broadcast_in_dim3A_14 = arith.constant 0.000000e+00 : f32
    %broadcast_in_dim3A_15 = vector.broadcast %broadcast_in_dim3A_14 : f32 to vector<16xf32>
    %mul3A_16 = arith.constant 6400 : i32
    %mul3A_17 = arith.muli %add3A, %mul3A_16 : i32
    %mul3A_18 = arith.constant 128 : i32
    %mul3A_19 = arith.muli %add3A, %mul3A_18 : i32
    %multiple_of3A = tpu.assume_multiple %mul3A_19, 8 : i32
    "tpu.region"() ({
      %run_scoped3A = tpu.sem_alloc : memref<!tpu.dma_semaphore, #tpu.memory_space<semaphore_mem>>
      %dma_start3A_217 = tpu.memref_slice %arg2[%multiple_of3A] : memref<204800xi32, #tpu.memory_space<hbm>> -> memref<128xi32, #tpu.memory_space<hbm>>
      %dma_start3A_218 = tpu.memref_slice %arg2[%multiple_of3A] : memref<204800xi32, #tpu.memory_space<hbm>> -> memref<128xi32, #tpu.memory_space<hbm>>
      tpu.enqueue_dma source(%dma_start3A_218 : memref<128xi32, #tpu.memory_space<hbm>>) target(%arg6 : memref<128xi32, #tpu.memory_space<vmem>>) target_semaphore(%run_scoped3A : memref<!tpu.dma_semaphore, #tpu.memory_space<semaphore_mem>>)
      %dma_wait3A_219 = tpu.memref_slice %arg2[%multiple_of3A] : memref<204800xi32, #tpu.memory_space<hbm>> -> memref<128xi32, #tpu.memory_space<hbm>>
      %dma_wait3A_220 = tpu.memref_slice %arg2[%multiple_of3A] : memref<204800xi32, #tpu.memory_space<hbm>> -> memref<128xi32, #tpu.memory_space<hbm>>
      tpu.wait_dma2 semaphore(%run_scoped3A : memref<!tpu.dma_semaphore, #tpu.memory_space<semaphore_mem>>) src(%dma_wait3A_220 : memref<128xi32, #tpu.memory_space<hbm>>) dst(%arg6 : memref<128xi32, #tpu.memory_space<vmem>>)
      tpu.yield
    }) : () -> ()
    %dma_start3A = arith.constant 0 : i32
    %dma_start3A_20 = arith.constant 0 : i32
    %dma_start3A_21 = tpu.memref_slice %arg3[%dma_start3A, %dma_start3A_20] : memref<100000x128xf32, #tpu.memory_space<hbm>> -> memref<100000x128xf32, #tpu.memory_space<hbm>>
    tpu.enqueue_indirect_dma source(%dma_start3A_21 : memref<100000x128xf32, #tpu.memory_space<hbm>>) target(%arg7 : memref<128x128xf32, #tpu.memory_space<vmem>>) offsets(%arg6 : memref<128xi32, #tpu.memory_space<vmem>>) semaphore(%arg19 : memref<!tpu.dma_semaphore, #tpu.memory_space<semaphore_mem>>)
    %dma_wait3A = arith.constant 0 : i32
    %dma_wait3A_22 = arith.constant 0 : i32
    %dma_wait3A_23 = tpu.memref_slice %arg3[%dma_wait3A, %dma_wait3A_22] : memref<100000x128xf32, #tpu.memory_space<hbm>> -> memref<100000x128xf32, #tpu.memory_space<hbm>>
    tpu.wait_indirect_dma semaphore(%arg19 : memref<!tpu.dma_semaphore, #tpu.memory_space<semaphore_mem>>) src(%dma_wait3A_23 : memref<100000x128xf32, #tpu.memory_space<hbm>>) dst(%arg7 : memref<128x128xf32, #tpu.memory_space<vmem>>)
    "tpu.region"() ({
      %run_scoped3A = tpu.sem_alloc : memref<!tpu.dma_semaphore, #tpu.memory_space<semaphore_mem>>
      %dma_start3A_217 = arith.constant 0 : i32
      %dma_start3A_218 = tpu.memref_slice %arg4[%multiple_of3A, %dma_start3A_217] : memref<4096x128xf32, #tpu.memory_space<hbm>> -> memref<128x128xf32, #tpu.memory_space<hbm>>
      %dma_start3A_219 = arith.constant 0 : i32
      %dma_start3A_220 = tpu.memref_slice %arg4[%multiple_of3A, %dma_start3A_219] : memref<4096x128xf32, #tpu.memory_space<hbm>> -> memref<128x128xf32, #tpu.memory_space<hbm>>
      tpu.enqueue_dma source(%arg7 : memref<128x128xf32, #tpu.memory_space<vmem>>) target(%dma_start3A_220 : memref<128x128xf32, #tpu.memory_space<hbm>>) target_semaphore(%run_scoped3A : memref<!tpu.dma_semaphore, #tpu.memory_space<semaphore_mem>>)
      %dma_wait3A_221 = arith.constant 0 : i32
      %dma_wait3A_222 = tpu.memref_slice %arg4[%multiple_of3A, %dma_wait3A_221] : memref<4096x128xf32, #tpu.memory_space<hbm>> -> memref<128x128xf32, #tpu.memory_space<hbm>>
      %dma_wait3A_223 = arith.constant 0 : i32
      %dma_wait3A_224 = tpu.memref_slice %arg4[%multiple_of3A, %dma_wait3A_223] : memref<4096x128xf32, #tpu.memory_space<hbm>> -> memref<128x128xf32, #tpu.memory_space<hbm>>
      tpu.wait_dma2 semaphore(%run_scoped3A : memref<!tpu.dma_semaphore, #tpu.memory_space<semaphore_mem>>) src(%arg7 : memref<128x128xf32, #tpu.memory_space<vmem>>) dst(%dma_wait3A_224 : memref<128x128xf32, #tpu.memory_space<hbm>>)
      tpu.yield
    }) : () -> ()
    %add3A_24 = arith.constant 0 : i32
    %add3A_25 = arith.addi %mul3A_17, %add3A_24 : i32
    %multiple_of3A_26 = tpu.assume_multiple %add3A_25, 8 : i32
    "tpu.region"() ({
      %run_scoped3A = tpu.sem_alloc : memref<!tpu.dma_semaphore, #tpu.memory_space<semaphore_mem>>
      %dma_start3A_217 = tpu.memref_slice %arg2[%multiple_of3A_26] : memref<204800xi32, #tpu.memory_space<hbm>> -> memref<128xi32, #tpu.memory_space<hbm>>
      %dma_start3A_218 = tpu.memref_slice %arg2[%multiple_of3A_26] : memref<204800xi32, #tpu.memory_space<hbm>> -> memref<128xi32, #tpu.memory_space<hbm>>
      tpu.enqueue_dma source(%dma_start3A_218 : memref<128xi32, #tpu.memory_space<hbm>>) target(%arg8 : memref<128xi32, #tpu.memory_space<vmem>>) target_semaphore(%run_scoped3A : memref<!tpu.dma_semaphore, #tpu.memory_space<semaphore_mem>>)
      %dma_wait3A_219 = tpu.memref_slice %arg2[%multiple_of3A_26] : memref<204800xi32, #tpu.memory_space<hbm>> -> memref<128xi32, #tpu.memory_space<hbm>>
      %dma_wait3A_220 = tpu.memref_slice %arg2[%multiple_of3A_26] : memref<204800xi32, #tpu.memory_space<hbm>> -> memref<128xi32, #tpu.memory_space<hbm>>
      tpu.wait_dma2 semaphore(%run_scoped3A : memref<!tpu.dma_semaphore, #tpu.memory_space<semaphore_mem>>) src(%dma_wait3A_220 : memref<128xi32, #tpu.memory_space<hbm>>) dst(%arg8 : memref<128xi32, #tpu.memory_space<vmem>>)
      tpu.yield
    }) : () -> ()
    %dma_start3A_27 = arith.constant 0 : i32
    %dma_start3A_28 = arith.constant 0 : i32
    %dma_start3A_29 = tpu.memref_slice %arg3[%dma_start3A_27, %dma_start3A_28] : memref<100000x128xf32, #tpu.memory_space<hbm>> -> memref<100000x128xf32, #tpu.memory_space<hbm>>
    tpu.enqueue_indirect_dma source(%dma_start3A_29 : memref<100000x128xf32, #tpu.memory_space<hbm>>) target(%arg9 : memref<128x128xf32, #tpu.memory_space<vmem>>) offsets(%arg8 : memref<128xi32, #tpu.memory_space<vmem>>) semaphore(%arg20 : memref<!tpu.dma_semaphore, #tpu.memory_space<semaphore_mem>>)
    %scan3A = arith.constant 0 : i32
    %scan3A_30 = arith.constant 128 : i32
    %scan3A_31 = arith.addi %scan3A, %scan3A_30 : i32
    %scan3A_32 = arith.constant 1 : i32
    %scan3A_33:8 = scf.for %scan3A_217 = %scan3A to %scan3A_31 step %scan3A_32 iter_args(%scan3A_218 = %broadcast_in_dim3A_1, %scan3A_219 = %broadcast_in_dim3A_3, %scan3A_220 = %broadcast_in_dim3A_5, %scan3A_221 = %broadcast_in_dim3A_7, %scan3A_222 = %broadcast_in_dim3A_9, %scan3A_223 = %broadcast_in_dim3A_11, %scan3A_224 = %broadcast_in_dim3A_13, %scan3A_225 = %broadcast_in_dim3A_15) -> (vector<16xf32>, vector<16xf32>, vector<16xf32>, vector<16xf32>, vector<16xf32>, vector<16xf32>, vector<16xf32>, vector<16xf32>)  : i32 {
      %get3A_226 = arith.index_cast %scan3A_217 : i32 to index
      %get3A_227 = arith.constant 0 : index
      %get3A_228 = tpu.vector_load %arg7[%get3A_226, %get3A_227] {strides = array<i32>} : memref<128x128xf32, #tpu.memory_space<vmem>>, vector<1x16xf32>,
      %get3A_229 = vector.shape_cast %get3A_228 : vector<1x16xf32> to vector<16xf32>
      %add3A_230 = arith.addf %scan3A_218, %get3A_229 : vector<16xf32>
      %get3A_231 = arith.index_cast %scan3A_217 : i32 to index
      %get3A_232 = arith.constant 16 : index
      %get3A_233 = tpu.vector_load %arg7[%get3A_231, %get3A_232] {strides = array<i32>} : memref<128x128xf32, #tpu.memory_space<vmem>>, vector<1x16xf32>,
      %get3A_234 = vector.shape_cast %get3A_233 : vector<1x16xf32> to vector<16xf32>
      %add3A_235 = arith.addf %scan3A_219, %get3A_234 : vector<16xf32>
      %get3A_236 = arith.index_cast %scan3A_217 : i32 to index
      %get3A_237 = arith.constant 32 : index
      %get3A_238 = tpu.vector_load %arg7[%get3A_236, %get3A_237] {strides = array<i32>} : memref<128x128xf32, #tpu.memory_space<vmem>>, vector<1x16xf32>,
      %get3A_239 = vector.shape_cast %get3A_238 : vector<1x16xf32> to vector<16xf32>
      %add3A_240 = arith.addf %scan3A_220, %get3A_239 : vector<16xf32>
      %get3A_241 = arith.index_cast %scan3A_217 : i32 to index
      %get3A_242 = arith.constant 48 : index
      %get3A_243 = tpu.vector_load %arg7[%get3A_241, %get3A_242] {strides = array<i32>} : memref<128x128xf32, #tpu.memory_space<vmem>>, vector<1x16xf32>,
      %get3A_244 = vector.shape_cast %get3A_243 : vector<1x16xf32> to vector<16xf32>
      %add3A_245 = arith.addf %scan3A_221, %get3A_244 : vector<16xf32>
      %get3A_246 = arith.index_cast %scan3A_217 : i32 to index
      %get3A_247 = arith.constant 64 : index
      %get3A_248 = tpu.vector_load %arg7[%get3A_246, %get3A_247] {strides = array<i32>} : memref<128x128xf32, #tpu.memory_space<vmem>>, vector<1x16xf32>,
      %get3A_249 = vector.shape_cast %get3A_248 : vector<1x16xf32> to vector<16xf32>
      %add3A_250 = arith.addf %scan3A_222, %get3A_249 : vector<16xf32>
      %get3A_251 = arith.index_cast %scan3A_217 : i32 to index
      %get3A_252 = arith.constant 80 : index
      %get3A_253 = tpu.vector_load %arg7[%get3A_251, %get3A_252] {strides = array<i32>} : memref<128x128xf32, #tpu.memory_space<vmem>>, vector<1x16xf32>,
      %get3A_254 = vector.shape_cast %get3A_253 : vector<1x16xf32> to vector<16xf32>
      %add3A_255 = arith.addf %scan3A_223, %get3A_254 : vector<16xf32>
      %get3A_256 = arith.index_cast %scan3A_217 : i32 to index
      %get3A_257 = arith.constant 96 : index
      %get3A_258 = tpu.vector_load %arg7[%get3A_256, %get3A_257] {strides = array<i32>} : memref<128x128xf32, #tpu.memory_space<vmem>>, vector<1x16xf32>,
      %get3A_259 = vector.shape_cast %get3A_258 : vector<1x16xf32> to vector<16xf32>
      %add3A_260 = arith.addf %scan3A_224, %get3A_259 : vector<16xf32>
      %get3A_261 = arith.index_cast %scan3A_217 : i32 to index
      %get3A_262 = arith.constant 112 : index
      %get3A_263 = tpu.vector_load %arg7[%get3A_261, %get3A_262] {strides = array<i32>} : memref<128x128xf32, #tpu.memory_space<vmem>>, vector<1x16xf32>,
      %get3A_264 = vector.shape_cast %get3A_263 : vector<1x16xf32> to vector<16xf32>
      %add3A_265 = arith.addf %scan3A_225, %get3A_264 : vector<16xf32>
      scf.yield %add3A_230, %add3A_235, %add3A_240, %add3A_245, %add3A_250, %add3A_255, %add3A_260, %add3A_265 : vector<16xf32>, vector<16xf32>, vector<16xf32>, vector<16xf32>, vector<16xf32>, vector<16xf32>, vector<16xf32>, vector<16xf32>
    }
    %scan3A_34 = arith.constant 128 : i32
    %eq3A = arith.constant 31 : i32
    %eq3A_35 = arith.cmpi eq, %add3A, %eq3A : i32
    %jit3A = arith.constant 1.000000e+00 : f32
    %jit3A_36 = arith.constant 0.000000e+00 : f32
    %select_n3A = arith.select %eq3A_35, %jit3A, %jit3A_36 : f32
    %get3A = arith.constant 127 : i32
    %get3A_37 = arith.index_cast %get3A : i32 to index
    %get3A_38 = arith.constant 0 : index
    %get3A_39 = tpu.vector_load %arg7[%get3A_37, %get3A_38] {strides = array<i32>} : memref<128x128xf32, #tpu.memory_space<vmem>>, vector<1x16xf32>,
    %get3A_40 = vector.shape_cast %get3A_39 : vector<1x16xf32> to vector<16xf32>
    %mul3A_41 = vector.broadcast %select_n3A : f32 to vector<16xf32>
    %mul3A_42 = arith.mulf %mul3A_41, %get3A_40 : vector<16xf32>
    %sub3A = arith.subf %scan3A_33#0, %mul3A_42 : vector<16xf32>
    %get3A_43 = arith.constant 127 : i32
    %get3A_44 = arith.index_cast %get3A_43 : i32 to index
    %get3A_45 = arith.constant 16 : index
    %get3A_46 = tpu.vector_load %arg7[%get3A_44, %get3A_45] {strides = array<i32>} : memref<128x128xf32, #tpu.memory_space<vmem>>, vector<1x16xf32>,
    %get3A_47 = vector.shape_cast %get3A_46 : vector<1x16xf32> to vector<16xf32>
    %mul3A_48 = vector.broadcast %select_n3A : f32 to vector<16xf32>
    %mul3A_49 = arith.mulf %mul3A_48, %get3A_47 : vector<16xf32>
    %sub3A_50 = arith.subf %scan3A_33#1, %mul3A_49 : vector<16xf32>
    %get3A_51 = arith.constant 127 : i32
    %get3A_52 = arith.index_cast %get3A_51 : i32 to index
    %get3A_53 = arith.constant 32 : index
    %get3A_54 = tpu.vector_load %arg7[%get3A_52, %get3A_53] {strides = array<i32>} : memref<128x128xf32, #tpu.memory_space<vmem>>, vector<1x16xf32>,
    %get3A_55 = vector.shape_cast %get3A_54 : vector<1x16xf32> to vector<16xf32>
    %mul3A_56 = vector.broadcast %select_n3A : f32 to vector<16xf32>
    %mul3A_57 = arith.mulf %mul3A_56, %get3A_55 : vector<16xf32>
    %sub3A_58 = arith.subf %scan3A_33#2, %mul3A_57 : vector<16xf32>
    %get3A_59 = arith.constant 127 : i32
    %get3A_60 = arith.index_cast %get3A_59 : i32 to index
    %get3A_61 = arith.constant 48 : index
    %get3A_62 = tpu.vector_load %arg7[%get3A_60, %get3A_61] {strides = array<i32>} : memref<128x128xf32, #tpu.memory_space<vmem>>, vector<1x16xf32>,
    %get3A_63 = vector.shape_cast %get3A_62 : vector<1x16xf32> to vector<16xf32>
    %mul3A_64 = vector.broadcast %select_n3A : f32 to vector<16xf32>
    %mul3A_65 = arith.mulf %mul3A_64, %get3A_63 : vector<16xf32>
    %sub3A_66 = arith.subf %scan3A_33#3, %mul3A_65 : vector<16xf32>
    %get3A_67 = arith.constant 127 : i32
    %get3A_68 = arith.index_cast %get3A_67 : i32 to index
    %get3A_69 = arith.constant 64 : index
    %get3A_70 = tpu.vector_load %arg7[%get3A_68, %get3A_69] {strides = array<i32>} : memref<128x128xf32, #tpu.memory_space<vmem>>, vector<1x16xf32>,
    %get3A_71 = vector.shape_cast %get3A_70 : vector<1x16xf32> to vector<16xf32>
    %mul3A_72 = vector.broadcast %select_n3A : f32 to vector<16xf32>
    %mul3A_73 = arith.mulf %mul3A_72, %get3A_71 : vector<16xf32>
    %sub3A_74 = arith.subf %scan3A_33#4, %mul3A_73 : vector<16xf32>
    %get3A_75 = arith.constant 127 : i32
    %get3A_76 = arith.index_cast %get3A_75 : i32 to index
    %get3A_77 = arith.constant 80 : index
    %get3A_78 = tpu.vector_load %arg7[%get3A_76, %get3A_77] {strides = array<i32>} : memref<128x128xf32, #tpu.memory_space<vmem>>, vector<1x16xf32>,
    %get3A_79 = vector.shape_cast %get3A_78 : vector<1x16xf32> to vector<16xf32>
    %mul3A_80 = vector.broadcast %select_n3A : f32 to vector<16xf32>
    %mul3A_81 = arith.mulf %mul3A_80, %get3A_79 : vector<16xf32>
    %sub3A_82 = arith.subf %scan3A_33#5, %mul3A_81 : vector<16xf32>
    %get3A_83 = arith.constant 127 : i32
    %get3A_84 = arith.index_cast %get3A_83 : i32 to index
    %get3A_85 = arith.constant 96 : index
    %get3A_86 = tpu.vector_load %arg7[%get3A_84, %get3A_85] {strides = array<i32>} : memref<128x128xf32, #tpu.memory_space<vmem>>, vector<1x16xf32>,
    %get3A_87 = vector.shape_cast %get3A_86 : vector<1x16xf32> to vector<16xf32>
    %mul3A_88 = vector.broadcast %select_n3A : f32 to vector<16xf32>
    %mul3A_89 = arith.mulf %mul3A_88, %get3A_87 : vector<16xf32>
    %sub3A_90 = arith.subf %scan3A_33#6, %mul3A_89 : vector<16xf32>
    %get3A_91 = arith.constant 127 : i32
    %get3A_92 = arith.index_cast %get3A_91 : i32 to index
    %get3A_93 = arith.constant 112 : index
    %get3A_94 = tpu.vector_load %arg7[%get3A_92, %get3A_93] {strides = array<i32>} : memref<128x128xf32, #tpu.memory_space<vmem>>, vector<1x16xf32>,
    %get3A_95 = vector.shape_cast %get3A_94 : vector<1x16xf32> to vector<16xf32>
    %mul3A_96 = vector.broadcast %select_n3A : f32 to vector<16xf32>
    %mul3A_97 = arith.mulf %mul3A_96, %get3A_95 : vector<16xf32>
    %sub3A_98 = arith.subf %scan3A_33#7, %mul3A_97 : vector<16xf32>
    %add3A_99 = arith.constant 128 : i32
    %add3A_100 = arith.addi %mul3A_17, %add3A_99 : i32
    %multiple_of3A_101 = tpu.assume_multiple %add3A_100, 8 : i32
    "tpu.region"() ({
      %run_scoped3A = tpu.sem_alloc : memref<!tpu.dma_semaphore, #tpu.memory_space<semaphore_mem>>
      %dma_start3A_217 = tpu.memref_slice %arg2[%multiple_of3A_101] : memref<204800xi32, #tpu.memory_space<hbm>> -> memref<128xi32, #tpu.memory_space<hbm>>
      %dma_start3A_218 = tpu.memref_slice %arg2[%multiple_of3A_101] : memref<204800xi32, #tpu.memory_space<hbm>> -> memref<128xi32, #tpu.memory_space<hbm>>
      tpu.enqueue_dma source(%dma_start3A_218 : memref<128xi32, #tpu.memory_space<hbm>>) target(%arg10 : memref<128xi32, #tpu.memory_space<vmem>>) target_semaphore(%run_scoped3A : memref<!tpu.dma_semaphore, #tpu.memory_space<semaphore_mem>>)
      %dma_wait3A_219 = tpu.memref_slice %arg2[%multiple_of3A_101] : memref<204800xi32, #tpu.memory_space<hbm>> -> memref<128xi32, #tpu.memory_space<hbm>>
      %dma_wait3A_220 = tpu.memref_slice %arg2[%multiple_of3A_101] : memref<204800xi32, #tpu.memory_space<hbm>> -> memref<128xi32, #tpu.memory_space<hbm>>
      tpu.wait_dma2 semaphore(%run_scoped3A : memref<!tpu.dma_semaphore, #tpu.memory_space<semaphore_mem>>) src(%dma_wait3A_220 : memref<128xi32, #tpu.memory_space<hbm>>) dst(%arg10 : memref<128xi32, #tpu.memory_space<vmem>>)
      tpu.yield
    }) : () -> ()
    %dma_start3A_102 = arith.constant 0 : i32
    %dma_start3A_103 = arith.constant 0 : i32
    %dma_start3A_104 = tpu.memref_slice %arg3[%dma_start3A_102, %dma_start3A_103] : memref<100000x128xf32, #tpu.memory_space<hbm>> -> memref<100000x128xf32, #tpu.memory_space<hbm>>
    tpu.enqueue_indirect_dma source(%dma_start3A_104 : memref<100000x128xf32, #tpu.memory_space<hbm>>) target(%arg11 : memref<128x128xf32, #tpu.memory_space<vmem>>) offsets(%arg10 : memref<128xi32, #tpu.memory_space<vmem>>) semaphore(%arg21 : memref<!tpu.dma_semaphore, #tpu.memory_space<semaphore_mem>>)
    %add3A_105 = arith.constant 256 : i32
    %add3A_106 = arith.addi %mul3A_17, %add3A_105 : i32
    %multiple_of3A_107 = tpu.assume_multiple %add3A_106, 8 : i32
    "tpu.region"() ({
      %run_scoped3A = tpu.sem_alloc : memref<!tpu.dma_semaphore, #tpu.memory_space<semaphore_mem>>
      %dma_start3A_217 = tpu.memref_slice %arg2[%multiple_of3A_107] : memref<204800xi32, #tpu.memory_space<hbm>> -> memref<128xi32, #tpu.memory_space<hbm>>
      %dma_start3A_218 = tpu.memref_slice %arg2[%multiple_of3A_107] : memref<204800xi32, #tpu.memory_space<hbm>> -> memref<128xi32, #tpu.memory_space<hbm>>
      tpu.enqueue_dma source(%dma_start3A_218 : memref<128xi32, #tpu.memory_space<hbm>>) target(%arg12 : memref<128xi32, #tpu.memory_space<vmem>>) target_semaphore(%run_scoped3A : memref<!tpu.dma_semaphore, #tpu.memory_space<semaphore_mem>>)
      %dma_wait3A_219 = tpu.memref_slice %arg2[%multiple_of3A_107] : memref<204800xi32, #tpu.memory_space<hbm>> -> memref<128xi32, #tpu.memory_space<hbm>>
      %dma_wait3A_220 = tpu.memref_slice %arg2[%multiple_of3A_107] : memref<204800xi32, #tpu.memory_space<hbm>> -> memref<128xi32, #tpu.memory_space<hbm>>
      tpu.wait_dma2 semaphore(%run_scoped3A : memref<!tpu.dma_semaphore, #tpu.memory_space<semaphore_mem>>) src(%dma_wait3A_220 : memref<128xi32, #tpu.memory_space<hbm>>) dst(%arg12 : memref<128xi32, #tpu.memory_space<vmem>>)
      tpu.yield
    }) : () -> ()
    %dma_start3A_108 = arith.constant 0 : i32
    %dma_start3A_109 = arith.constant 0 : i32
    %dma_start3A_110 = tpu.memref_slice %arg3[%dma_start3A_108, %dma_start3A_109] : memref<100000x128xf32, #tpu.memory_space<hbm>> -> memref<100000x128xf32, #tpu.memory_space<hbm>>
    tpu.enqueue_indirect_dma source(%dma_start3A_110 : memref<100000x128xf32, #tpu.memory_space<hbm>>) target(%arg13 : memref<128x128xf32, #tpu.memory_space<vmem>>) offsets(%arg12 : memref<128xi32, #tpu.memory_space<vmem>>) semaphore(%arg22 : memref<!tpu.dma_semaphore, #tpu.memory_space<semaphore_mem>>)
    %add3A_111 = arith.constant 384 : i32
    %add3A_112 = arith.addi %mul3A_17, %add3A_111 : i32
    %multiple_of3A_113 = tpu.assume_multiple %add3A_112, 8 : i32
    "tpu.region"() ({
      %run_scoped3A = tpu.sem_alloc : memref<!tpu.dma_semaphore, #tpu.memory_space<semaphore_mem>>
      %dma_start3A_217 = tpu.memref_slice %arg2[%multiple_of3A_113] : memref<204800xi32, #tpu.memory_space<hbm>> -> memref<128xi32, #tpu.memory_space<hbm>>
      %dma_start3A_218 = tpu.memref_slice %arg2[%multiple_of3A_113] : memref<204800xi32, #tpu.memory_space<hbm>> -> memref<128xi32, #tpu.memory_space<hbm>>
      tpu.enqueue_dma source(%dma_start3A_218 : memref<128xi32, #tpu.memory_space<hbm>>) target(%arg14 : memref<128xi32, #tpu.memory_space<vmem>>) target_semaphore(%run_scoped3A : memref<!tpu.dma_semaphore, #tpu.memory_space<semaphore_mem>>)
      %dma_wait3A_219 = tpu.memref_slice %arg2[%multiple_of3A_113] : memref<204800xi32, #tpu.memory_space<hbm>> -> memref<128xi32, #tpu.memory_space<hbm>>
      %dma_wait3A_220 = tpu.memref_slice %arg2[%multiple_of3A_113] : memref<204800xi32, #tpu.memory_space<hbm>> -> memref<128xi32, #tpu.memory_space<hbm>>
      tpu.wait_dma2 semaphore(%run_scoped3A : memref<!tpu.dma_semaphore, #tpu.memory_space<semaphore_mem>>) src(%dma_wait3A_220 : memref<128xi32, #tpu.memory_space<hbm>>) dst(%arg14 : memref<128xi32, #tpu.memory_space<vmem>>)
      tpu.yield
    }) : () -> ()
    %dma_start3A_114 = arith.constant 0 : i32
    %dma_start3A_115 = arith.constant 0 : i32
    %dma_start3A_116 = tpu.memref_slice %arg3[%dma_start3A_114, %dma_start3A_115] : memref<100000x128xf32, #tpu.memory_space<hbm>> -> memref<100000x128xf32, #tpu.memory_space<hbm>>
    tpu.enqueue_indirect_dma source(%dma_start3A_116 : memref<100000x128xf32, #tpu.memory_space<hbm>>) target(%arg15 : memref<128x128xf32, #tpu.memory_space<vmem>>) offsets(%arg14 : memref<128xi32, #tpu.memory_space<vmem>>) semaphore(%arg23 : memref<!tpu.dma_semaphore, #tpu.memory_space<semaphore_mem>>)
    %add3A_117 = arith.constant 512 : i32
    %add3A_118 = arith.addi %mul3A_17, %add3A_117 : i32
    %multiple_of3A_119 = tpu.assume_multiple %add3A_118, 8 : i32
    "tpu.region"() ({
      %run_scoped3A = tpu.sem_alloc : memref<!tpu.dma_semaphore, #tpu.memory_space<semaphore_mem>>
      %dma_start3A_217 = tpu.memref_slice %arg2[%multiple_of3A_119] : memref<204800xi32, #tpu.memory_space<hbm>> -> memref<128xi32, #tpu.memory_space<hbm>>
      %dma_start3A_218 = tpu.memref_slice %arg2[%multiple_of3A_119] : memref<204800xi32, #tpu.memory_space<hbm>> -> memref<128xi32, #tpu.memory_space<hbm>>
      tpu.enqueue_dma source(%dma_start3A_218 : memref<128xi32, #tpu.memory_space<hbm>>) target(%arg16 : memref<128xi32, #tpu.memory_space<vmem>>) target_semaphore(%run_scoped3A : memref<!tpu.dma_semaphore, #tpu.memory_space<semaphore_mem>>)
      %dma_wait3A_219 = tpu.memref_slice %arg2[%multiple_of3A_119] : memref<204800xi32, #tpu.memory_space<hbm>> -> memref<128xi32, #tpu.memory_space<hbm>>
      %dma_wait3A_220 = tpu.memref_slice %arg2[%multiple_of3A_119] : memref<204800xi32, #tpu.memory_space<hbm>> -> memref<128xi32, #tpu.memory_space<hbm>>
      tpu.wait_dma2 semaphore(%run_scoped3A : memref<!tpu.dma_semaphore, #tpu.memory_space<semaphore_mem>>) src(%dma_wait3A_220 : memref<128xi32, #tpu.memory_space<hbm>>) dst(%arg16 : memref<128xi32, #tpu.memory_space<vmem>>)
      tpu.yield
    }) : () -> ()
    %dma_start3A_120 = arith.constant 0 : i32
    %dma_start3A_121 = arith.constant 0 : i32
    %dma_start3A_122 = tpu.memref_slice %arg3[%dma_start3A_120, %dma_start3A_121] : memref<100000x128xf32, #tpu.memory_space<hbm>> -> memref<100000x128xf32, #tpu.memory_space<hbm>>
    tpu.enqueue_indirect_dma source(%dma_start3A_122 : memref<100000x128xf32, #tpu.memory_space<hbm>>) target(%arg17 : memref<128x128xf32, #tpu.memory_space<vmem>>) offsets(%arg16 : memref<128xi32, #tpu.memory_space<vmem>>) semaphore(%arg24 : memref<!tpu.dma_semaphore, #tpu.memory_space<semaphore_mem>>)
    %add3A_123 = arith.constant 640 : i32
    %add3A_124 = arith.addi %mul3A_17, %add3A_123 : i32
    %multiple_of3A_125 = tpu.assume_multiple %add3A_124, 8 : i32
    "tpu.region"() ({
      %run_scoped3A = tpu.sem_alloc : memref<!tpu.dma_semaphore, #tpu.memory_space<semaphore_mem>>
      %dma_start3A_217 = tpu.memref_slice %arg2[%multiple_of3A_125] : memref<204800xi32, #tpu.memory_space<hbm>> -> memref<128xi32, #tpu.memory_space<hbm>>
      %dma_start3A_218 = tpu.memref_slice %arg2[%multiple_of3A_125] : memref<204800xi32, #tpu.memory_space<hbm>> -> memref<128xi32, #tpu.memory_space<hbm>>
      tpu.enqueue_dma source(%dma_start3A_218 : memref<128xi32, #tpu.memory_space<hbm>>) target(%arg6 : memref<128xi32, #tpu.memory_space<vmem>>) target_semaphore(%run_scoped3A : memref<!tpu.dma_semaphore, #tpu.memory_space<semaphore_mem>>)
      %dma_wait3A_219 = tpu.memref_slice %arg2[%multiple_of3A_125] : memref<204800xi32, #tpu.memory_space<hbm>> -> memref<128xi32, #tpu.memory_space<hbm>>
      %dma_wait3A_220 = tpu.memref_slice %arg2[%multiple_of3A_125] : memref<204800xi32, #tpu.memory_space<hbm>> -> memref<128xi32, #tpu.memory_space<hbm>>
      tpu.wait_dma2 semaphore(%run_scoped3A : memref<!tpu.dma_semaphore, #tpu.memory_space<semaphore_mem>>) src(%dma_wait3A_220 : memref<128xi32, #tpu.memory_space<hbm>>) dst(%arg6 : memref<128xi32, #tpu.memory_space<vmem>>)
      tpu.yield
    }) : () -> ()
    %dma_start3A_126 = arith.constant 0 : i32
    %dma_start3A_127 = arith.constant 0 : i32
    %dma_start3A_128 = tpu.memref_slice %arg3[%dma_start3A_126, %dma_start3A_127] : memref<100000x128xf32, #tpu.memory_space<hbm>> -> memref<100000x128xf32, #tpu.memory_space<hbm>>
    tpu.enqueue_indirect_dma source(%dma_start3A_128 : memref<100000x128xf32, #tpu.memory_space<hbm>>) target(%arg7 : memref<128x128xf32, #tpu.memory_space<vmem>>) offsets(%arg6 : memref<128xi32, #tpu.memory_space<vmem>>) semaphore(%arg19 : memref<!tpu.dma_semaphore, #tpu.memory_space<semaphore_mem>>)
    %scan3A_129 = arith.constant 0 : i32
    %scan3A_130 = arith.constant 0 : i32
    %scan3A_131 = arith.constant 7 : i32
    %scan3A_132 = arith.addi %scan3A_130, %scan3A_131 : i32
    %scan3A_133 = arith.constant 1 : i32
    %scan3A_134 = scf.for %scan3A_217 = %scan3A_130 to %scan3A_132 step %scan3A_133 iter_args(%scan3A_218 = %scan3A_129) -> (i32)  : i32 {
      %mul3A_219 = arith.constant 6 : i32
      %mul3A_220 = arith.muli %mul3A_219, %scan3A_217 : i32
      %add3A_221 = arith.constant 6 : i32
      %add3A_222 = arith.addi %mul3A_220, %add3A_221 : i32
      %dma_wait3A_223 = arith.constant 0 : i32
      %dma_wait3A_224 = arith.constant 0 : i32
      %dma_wait3A_225 = tpu.memref_slice %arg3[%dma_wait3A_223, %dma_wait3A_224] : memref<100000x128xf32, #tpu.memory_space<hbm>> -> memref<100000x128xf32, #tpu.memory_space<hbm>>
      tpu.wait_indirect_dma semaphore(%arg20 : memref<!tpu.dma_semaphore, #tpu.memory_space<semaphore_mem>>) src(%dma_wait3A_225 : memref<100000x128xf32, #tpu.memory_space<hbm>>) dst(%arg9 : memref<128x128xf32, #tpu.memory_space<vmem>>)
      %add3A_226 = arith.constant 0 : i32
      %add3A_227 = arith.addi %add3A_222, %add3A_226 : i32
      %mul3A_228 = arith.constant 128 : i32
      %mul3A_229 = arith.muli %add3A_227, %mul3A_228 : i32
      %add3A_230 = arith.addi %mul3A_17, %mul3A_229 : i32
      %multiple_of3A_231 = tpu.assume_multiple %add3A_230, 8 : i32
      "tpu.region"() ({
        %run_scoped3A = tpu.sem_alloc : memref<!tpu.dma_semaphore, #tpu.memory_space<semaphore_mem>>
        %dma_start3A_296 = tpu.memref_slice %arg2[%multiple_of3A_231] : memref<204800xi32, #tpu.memory_space<hbm>> -> memref<128xi32, #tpu.memory_space<hbm>>
        %dma_start3A_297 = tpu.memref_slice %arg2[%multiple_of3A_231] : memref<204800xi32, #tpu.memory_space<hbm>> -> memref<128xi32, #tpu.memory_space<hbm>>
        tpu.enqueue_dma source(%dma_start3A_297 : memref<128xi32, #tpu.memory_space<hbm>>) target(%arg8 : memref<128xi32, #tpu.memory_space<vmem>>) target_semaphore(%run_scoped3A : memref<!tpu.dma_semaphore, #tpu.memory_space<semaphore_mem>>)
        %dma_wait3A_298 = tpu.memref_slice %arg2[%multiple_of3A_231] : memref<204800xi32, #tpu.memory_space<hbm>> -> memref<128xi32, #tpu.memory_space<hbm>>
        %dma_wait3A_299 = tpu.memref_slice %arg2[%multiple_of3A_231] : memref<204800xi32, #tpu.memory_space<hbm>> -> memref<128xi32, #tpu.memory_space<hbm>>
        tpu.wait_dma2 semaphore(%run_scoped3A : memref<!tpu.dma_semaphore, #tpu.memory_space<semaphore_mem>>) src(%dma_wait3A_299 : memref<128xi32, #tpu.memory_space<hbm>>) dst(%arg8 : memref<128xi32, #tpu.memory_space<vmem>>)
        tpu.yield
      }) : () -> ()
      %dma_start3A_232 = arith.constant 0 : i32
      %dma_start3A_233 = arith.constant 0 : i32
      %dma_start3A_234 = tpu.memref_slice %arg3[%dma_start3A_232, %dma_start3A_233] : memref<100000x128xf32, #tpu.memory_space<hbm>> -> memref<100000x128xf32, #tpu.memory_space<hbm>>
      tpu.enqueue_indirect_dma source(%dma_start3A_234 : memref<100000x128xf32, #tpu.memory_space<hbm>>) target(%arg9 : memref<128x128xf32, #tpu.memory_space<vmem>>) offsets(%arg8 : memref<128xi32, #tpu.memory_space<vmem>>) semaphore(%arg20 : memref<!tpu.dma_semaphore, #tpu.memory_space<semaphore_mem>>) {add = true}
      %dma_wait3A_235 = arith.constant 0 : i32
      %dma_wait3A_236 = arith.constant 0 : i32
      %dma_wait3A_237 = tpu.memref_slice %arg3[%dma_wait3A_235, %dma_wait3A_236] : memref<100000x128xf32, #tpu.memory_space<hbm>> -> memref<100000x128xf32, #tpu.memory_space<hbm>>
      tpu.wait_indirect_dma semaphore(%arg21 : memref<!tpu.dma_semaphore, #tpu.memory_space<semaphore_mem>>) src(%dma_wait3A_237 : memref<100000x128xf32, #tpu.memory_space<hbm>>) dst(%arg11 : memref<128x128xf32, #tpu.memory_space<vmem>>)
      %add3A_238 = arith.constant 1 : i32
      %add3A_239 = arith.addi %add3A_222, %add3A_238 : i32
      %mul3A_240 = arith.constant 128 : i32
      %mul3A_241 = arith.muli %add3A_239, %mul3A_240 : i32
      %add3A_242 = arith.addi %mul3A_17, %mul3A_241 : i32
      %multiple_of3A_243 = tpu.assume_multiple %add3A_242, 8 : i32
      "tpu.region"() ({
        %run_scoped3A = tpu.sem_alloc : memref<!tpu.dma_semaphore, #tpu.memory_space<semaphore_mem>>
        %dma_start3A_296 = tpu.memref_slice %arg2[%multiple_of3A_243] : memref<204800xi32, #tpu.memory_space<hbm>> -> memref<128xi32, #tpu.memory_space<hbm>>
        %dma_start3A_297 = tpu.memref_slice %arg2[%multiple_of3A_243] : memref<204800xi32, #tpu.memory_space<hbm>> -> memref<128xi32, #tpu.memory_space<hbm>>
        tpu.enqueue_dma source(%dma_start3A_297 : memref<128xi32, #tpu.memory_space<hbm>>) target(%arg10 : memref<128xi32, #tpu.memory_space<vmem>>) target_semaphore(%run_scoped3A : memref<!tpu.dma_semaphore, #tpu.memory_space<semaphore_mem>>)
        %dma_wait3A_298 = tpu.memref_slice %arg2[%multiple_of3A_243] : memref<204800xi32, #tpu.memory_space<hbm>> -> memref<128xi32, #tpu.memory_space<hbm>>
        %dma_wait3A_299 = tpu.memref_slice %arg2[%multiple_of3A_243] : memref<204800xi32, #tpu.memory_space<hbm>> -> memref<128xi32, #tpu.memory_space<hbm>>
        tpu.wait_dma2 semaphore(%run_scoped3A : memref<!tpu.dma_semaphore, #tpu.memory_space<semaphore_mem>>) src(%dma_wait3A_299 : memref<128xi32, #tpu.memory_space<hbm>>) dst(%arg10 : memref<128xi32, #tpu.memory_space<vmem>>)
        tpu.yield
      }) : () -> ()
      %dma_start3A_244 = arith.constant 0 : i32
      %dma_start3A_245 = arith.constant 0 : i32
      %dma_start3A_246 = tpu.memref_slice %arg3[%dma_start3A_244, %dma_start3A_245] : memref<100000x128xf32, #tpu.memory_space<hbm>> -> memref<100000x128xf32, #tpu.memory_space<hbm>>
      tpu.enqueue_indirect_dma source(%dma_start3A_246 : memref<100000x128xf32, #tpu.memory_space<hbm>>) target(%arg11 : memref<128x128xf32, #tpu.memory_space<vmem>>) offsets(%arg10 : memref<128xi32, #tpu.memory_space<vmem>>) semaphore(%arg21 : memref<!tpu.dma_semaphore, #tpu.memory_space<semaphore_mem>>) {add = true}
      %dma_wait3A_247 = arith.constant 0 : i32
      %dma_wait3A_248 = arith.constant 0 : i32
      %dma_wait3A_249 = tpu.memref_slice %arg3[%dma_wait3A_247, %dma_wait3A_248] : memref<100000x128xf32, #tpu.memory_space<hbm>> -> memref<100000x128xf32, #tpu.memory_space<hbm>>
      tpu.wait_indirect_dma semaphore(%arg22 : memref<!tpu.dma_semaphore, #tpu.memory_space<semaphore_mem>>) src(%dma_wait3A_249 : memref<100000x128xf32, #tpu.memory_space<hbm>>) dst(%arg13 : memref<128x128xf32, #tpu.memory_space<vmem>>)
      %add3A_250 = arith.constant 2 : i32
      %add3A_251 = arith.addi %add3A_222, %add3A_250 : i32
      %mul3A_252 = arith.constant 128 : i32
      %mul3A_253 = arith.muli %add3A_251, %mul3A_252 : i32
      %add3A_254 = arith.addi %mul3A_17, %mul3A_253 : i32
      %multiple_of3A_255 = tpu.assume_multiple %add3A_254, 8 : i32
      "tpu.region"() ({
        %run_scoped3A = tpu.sem_alloc : memref<!tpu.dma_semaphore, #tpu.memory_space<semaphore_mem>>
        %dma_start3A_296 = tpu.memref_slice %arg2[%multiple_of3A_255] : memref<204800xi32, #tpu.memory_space<hbm>> -> memref<128xi32, #tpu.memory_space<hbm>>
        %dma_start3A_297 = tpu.memref_slice %arg2[%multiple_of3A_255] : memref<204800xi32, #tpu.memory_space<hbm>> -> memref<128xi32, #tpu.memory_space<hbm>>
        tpu.enqueue_dma source(%dma_start3A_297 : memref<128xi32, #tpu.memory_space<hbm>>) target(%arg12 : memref<128xi32, #tpu.memory_space<vmem>>) target_semaphore(%run_scoped3A : memref<!tpu.dma_semaphore, #tpu.memory_space<semaphore_mem>>)
        %dma_wait3A_298 = tpu.memref_slice %arg2[%multiple_of3A_255] : memref<204800xi32, #tpu.memory_space<hbm>> -> memref<128xi32, #tpu.memory_space<hbm>>
        %dma_wait3A_299 = tpu.memref_slice %arg2[%multiple_of3A_255] : memref<204800xi32, #tpu.memory_space<hbm>> -> memref<128xi32, #tpu.memory_space<hbm>>
        tpu.wait_dma2 semaphore(%run_scoped3A : memref<!tpu.dma_semaphore, #tpu.memory_space<semaphore_mem>>) src(%dma_wait3A_299 : memref<128xi32, #tpu.memory_space<hbm>>) dst(%arg12 : memref<128xi32, #tpu.memory_space<vmem>>)
        tpu.yield
      }) : () -> ()
      %dma_start3A_256 = arith.constant 0 : i32
      %dma_start3A_257 = arith.constant 0 : i32
      %dma_start3A_258 = tpu.memref_slice %arg3[%dma_start3A_256, %dma_start3A_257] : memref<100000x128xf32, #tpu.memory_space<hbm>> -> memref<100000x128xf32, #tpu.memory_space<hbm>>
      tpu.enqueue_indirect_dma source(%dma_start3A_258 : memref<100000x128xf32, #tpu.memory_space<hbm>>) target(%arg13 : memref<128x128xf32, #tpu.memory_space<vmem>>) offsets(%arg12 : memref<128xi32, #tpu.memory_space<vmem>>) semaphore(%arg22 : memref<!tpu.dma_semaphore, #tpu.memory_space<semaphore_mem>>) {add = true}
      %dma_wait3A_259 = arith.constant 0 : i32
      %dma_wait3A_260 = arith.constant 0 : i32
      %dma_wait3A_261 = tpu.memref_slice %arg3[%dma_wait3A_259, %dma_wait3A_260] : memref<100000x128xf32, #tpu.memory_space<hbm>> -> memref<100000x128xf32, #tpu.memory_space<hbm>>
      tpu.wait_indirect_dma semaphore(%arg23 : memref<!tpu.dma_semaphore, #tpu.memory_space<semaphore_mem>>) src(%dma_wait3A_261 : memref<100000x128xf32, #tpu.memory_space<hbm>>) dst(%arg15 : memref<128x128xf32, #tpu.memory_space<vmem>>)
      %add3A_262 = arith.constant 3 : i32
      %add3A_263 = arith.addi %add3A_222, %add3A_262 : i32
      %mul3A_264 = arith.constant 128 : i32
      %mul3A_265 = arith.muli %add3A_263, %mul3A_264 : i32
      %add3A_266 = arith.addi %mul3A_17, %mul3A_265 : i32
      %multiple_of3A_267 = tpu.assume_multiple %add3A_266, 8 : i32
      "tpu.region"() ({
        %run_scoped3A = tpu.sem_alloc : memref<!tpu.dma_semaphore, #tpu.memory_space<semaphore_mem>>
        %dma_start3A_296 = tpu.memref_slice %arg2[%multiple_of3A_267] : memref<204800xi32, #tpu.memory_space<hbm>> -> memref<128xi32, #tpu.memory_space<hbm>>
        %dma_start3A_297 = tpu.memref_slice %arg2[%multiple_of3A_267] : memref<204800xi32, #tpu.memory_space<hbm>> -> memref<128xi32, #tpu.memory_space<hbm>>
        tpu.enqueue_dma source(%dma_start3A_297 : memref<128xi32, #tpu.memory_space<hbm>>) target(%arg14 : memref<128xi32, #tpu.memory_space<vmem>>) target_semaphore(%run_scoped3A : memref<!tpu.dma_semaphore, #tpu.memory_space<semaphore_mem>>)
        %dma_wait3A_298 = tpu.memref_slice %arg2[%multiple_of3A_267] : memref<204800xi32, #tpu.memory_space<hbm>> -> memref<128xi32, #tpu.memory_space<hbm>>
        %dma_wait3A_299 = tpu.memref_slice %arg2[%multiple_of3A_267] : memref<204800xi32, #tpu.memory_space<hbm>> -> memref<128xi32, #tpu.memory_space<hbm>>
        tpu.wait_dma2 semaphore(%run_scoped3A : memref<!tpu.dma_semaphore, #tpu.memory_space<semaphore_mem>>) src(%dma_wait3A_299 : memref<128xi32, #tpu.memory_space<hbm>>) dst(%arg14 : memref<128xi32, #tpu.memory_space<vmem>>)
        tpu.yield
      }) : () -> ()
      %dma_start3A_268 = arith.constant 0 : i32
      %dma_start3A_269 = arith.constant 0 : i32
      %dma_start3A_270 = tpu.memref_slice %arg3[%dma_start3A_268, %dma_start3A_269] : memref<100000x128xf32, #tpu.memory_space<hbm>> -> memref<100000x128xf32, #tpu.memory_space<hbm>>
      tpu.enqueue_indirect_dma source(%dma_start3A_270 : memref<100000x128xf32, #tpu.memory_space<hbm>>) target(%arg15 : memref<128x128xf32, #tpu.memory_space<vmem>>) offsets(%arg14 : memref<128xi32, #tpu.memory_space<vmem>>) semaphore(%arg23 : memref<!tpu.dma_semaphore, #tpu.memory_space<semaphore_mem>>) {add = true}
      %dma_wait3A_271 = arith.constant 0 : i32
      %dma_wait3A_272 = arith.constant 0 : i32
      %dma_wait3A_273 = tpu.memref_slice %arg3[%dma_wait3A_271, %dma_wait3A_272] : memref<100000x128xf32, #tpu.memory_space<hbm>> -> memref<100000x128xf32, #tpu.memory_space<hbm>>
      tpu.wait_indirect_dma semaphore(%arg24 : memref<!tpu.dma_semaphore, #tpu.memory_space<semaphore_mem>>) src(%dma_wait3A_273 : memref<100000x128xf32, #tpu.memory_space<hbm>>) dst(%arg17 : memref<128x128xf32, #tpu.memory_space<vmem>>)
      %add3A_274 = arith.constant 4 : i32
      %add3A_275 = arith.addi %add3A_222, %add3A_274 : i32
      %mul3A_276 = arith.constant 128 : i32
      %mul3A_277 = arith.muli %add3A_275, %mul3A_276 : i32
      %add3A_278 = arith.addi %mul3A_17, %mul3A_277 : i32
      %multiple_of3A_279 = tpu.assume_multiple %add3A_278, 8 : i32
      "tpu.region"() ({
        %run_scoped3A = tpu.sem_alloc : memref<!tpu.dma_semaphore, #tpu.memory_space<semaphore_mem>>
        %dma_start3A_296 = tpu.memref_slice %arg2[%multiple_of3A_279] : memref<204800xi32, #tpu.memory_space<hbm>> -> memref<128xi32, #tpu.memory_space<hbm>>
        %dma_start3A_297 = tpu.memref_slice %arg2[%multiple_of3A_279] : memref<204800xi32, #tpu.memory_space<hbm>> -> memref<128xi32, #tpu.memory_space<hbm>>
        tpu.enqueue_dma source(%dma_start3A_297 : memref<128xi32, #tpu.memory_space<hbm>>) target(%arg16 : memref<128xi32, #tpu.memory_space<vmem>>) target_semaphore(%run_scoped3A : memref<!tpu.dma_semaphore, #tpu.memory_space<semaphore_mem>>)
        %dma_wait3A_298 = tpu.memref_slice %arg2[%multiple_of3A_279] : memref<204800xi32, #tpu.memory_space<hbm>> -> memref<128xi32, #tpu.memory_space<hbm>>
        %dma_wait3A_299 = tpu.memref_slice %arg2[%multiple_of3A_279] : memref<204800xi32, #tpu.memory_space<hbm>> -> memref<128xi32, #tpu.memory_space<hbm>>
        tpu.wait_dma2 semaphore(%run_scoped3A : memref<!tpu.dma_semaphore, #tpu.memory_space<semaphore_mem>>) src(%dma_wait3A_299 : memref<128xi32, #tpu.memory_space<hbm>>) dst(%arg16 : memref<128xi32, #tpu.memory_space<vmem>>)
        tpu.yield
      }) : () -> ()
      %dma_start3A_280 = arith.constant 0 : i32
      %dma_start3A_281 = arith.constant 0 : i32
      %dma_start3A_282 = tpu.memref_slice %arg3[%dma_start3A_280, %dma_start3A_281] : memref<100000x128xf32, #tpu.memory_space<hbm>> -> memref<100000x128xf32, #tpu.memory_space<hbm>>
      tpu.enqueue_indirect_dma source(%dma_start3A_282 : memref<100000x128xf32, #tpu.memory_space<hbm>>) target(%arg17 : memref<128x128xf32, #tpu.memory_space<vmem>>) offsets(%arg16 : memref<128xi32, #tpu.memory_space<vmem>>) semaphore(%arg24 : memref<!tpu.dma_semaphore, #tpu.memory_space<semaphore_mem>>) {add = true}
      %dma_wait3A_283 = arith.constant 0 : i32
      %dma_wait3A_284 = arith.constant 0 : i32
      %dma_wait3A_285 = tpu.memref_slice %arg3[%dma_wait3A_283, %dma_wait3A_284] : memref<100000x128xf32, #tpu.memory_space<hbm>> -> memref<100000x128xf32, #tpu.memory_space<hbm>>
      tpu.wait_indirect_dma semaphore(%arg19 : memref<!tpu.dma_semaphore, #tpu.memory_space<semaphore_mem>>) src(%dma_wait3A_285 : memref<100000x128xf32, #tpu.memory_space<hbm>>) dst(%arg7 : memref<128x128xf32, #tpu.memory_space<vmem>>)
      %add3A_286 = arith.constant 5 : i32
      %add3A_287 = arith.addi %add3A_222, %add3A_286 : i32
      %mul3A_288 = arith.constant 128 : i32
      %mul3A_289 = arith.muli %add3A_287, %mul3A_288 : i32
      %add3A_290 = arith.addi %mul3A_17, %mul3A_289 : i32
      %multiple_of3A_291 = tpu.assume_multiple %add3A_290, 8 : i32
      "tpu.region"() ({
        %run_scoped3A = tpu.sem_alloc : memref<!tpu.dma_semaphore, #tpu.memory_space<semaphore_mem>>
        %dma_start3A_296 = tpu.memref_slice %arg2[%multiple_of3A_291] : memref<204800xi32, #tpu.memory_space<hbm>> -> memref<128xi32, #tpu.memory_space<hbm>>
        %dma_start3A_297 = tpu.memref_slice %arg2[%multiple_of3A_291] : memref<204800xi32, #tpu.memory_space<hbm>> -> memref<128xi32, #tpu.memory_space<hbm>>
        tpu.enqueue_dma source(%dma_start3A_297 : memref<128xi32, #tpu.memory_space<hbm>>) target(%arg6 : memref<128xi32, #tpu.memory_space<vmem>>) target_semaphore(%run_scoped3A : memref<!tpu.dma_semaphore, #tpu.memory_space<semaphore_mem>>)
        %dma_wait3A_298 = tpu.memref_slice %arg2[%multiple_of3A_291] : memref<204800xi32, #tpu.memory_space<hbm>> -> memref<128xi32, #tpu.memory_space<hbm>>
        %dma_wait3A_299 = tpu.memref_slice %arg2[%multiple_of3A_291] : memref<204800xi32, #tpu.memory_space<hbm>> -> memref<128xi32, #tpu.memory_space<hbm>>
        tpu.wait_dma2 semaphore(%run_scoped3A : memref<!tpu.dma_semaphore, #tpu.memory_space<semaphore_mem>>) src(%dma_wait3A_299 : memref<128xi32, #tpu.memory_space<hbm>>) dst(%arg6 : memref<128xi32, #tpu.memory_space<vmem>>)
        tpu.yield
      }) : () -> ()
      %dma_start3A_292 = arith.constant 0 : i32
      %dma_start3A_293 = arith.constant 0 : i32
      %dma_start3A_294 = tpu.memref_slice %arg3[%dma_start3A_292, %dma_start3A_293] : memref<100000x128xf32, #tpu.memory_space<hbm>> -> memref<100000x128xf32, #tpu.memory_space<hbm>>
      tpu.enqueue_indirect_dma source(%dma_start3A_294 : memref<100000x128xf32, #tpu.memory_space<hbm>>) target(%arg7 : memref<128x128xf32, #tpu.memory_space<vmem>>) offsets(%arg6 : memref<128xi32, #tpu.memory_space<vmem>>) semaphore(%arg19 : memref<!tpu.dma_semaphore, #tpu.memory_space<semaphore_mem>>) {add = true}
      %scan3A_295 = arith.constant 0 : i32
      scf.yield %scan3A_295 : i32
    }
    %scan3A_135 = arith.constant 7 : i32
    %dma_wait3A_136 = arith.constant 0 : i32
    %dma_wait3A_137 = arith.constant 0 : i32
    %dma_wait3A_138 = tpu.memref_slice %arg3[%dma_wait3A_136, %dma_wait3A_137] : memref<100000x128xf32, #tpu.memory_space<hbm>> -> memref<100000x128xf32, #tpu.memory_space<hbm>>
    tpu.wait_indirect_dma semaphore(%arg20 : memref<!tpu.dma_semaphore, #tpu.memory_space<semaphore_mem>>) src(%dma_wait3A_138 : memref<100000x128xf32, #tpu.memory_space<hbm>>) dst(%arg9 : memref<128x128xf32, #tpu.memory_space<vmem>>)
    %add3A_139 = arith.constant 6144 : i32
    %add3A_140 = arith.addi %mul3A_17, %add3A_139 : i32
    %multiple_of3A_141 = tpu.assume_multiple %add3A_140, 8 : i32
    "tpu.region"() ({
      %run_scoped3A = tpu.sem_alloc : memref<!tpu.dma_semaphore, #tpu.memory_space<semaphore_mem>>
      %dma_start3A_217 = tpu.memref_slice %arg2[%multiple_of3A_141] : memref<204800xi32, #tpu.memory_space<hbm>> -> memref<128xi32, #tpu.memory_space<hbm>>
      %dma_start3A_218 = tpu.memref_slice %arg2[%multiple_of3A_141] : memref<204800xi32, #tpu.memory_space<hbm>> -> memref<128xi32, #tpu.memory_space<hbm>>
      tpu.enqueue_dma source(%dma_start3A_218 : memref<128xi32, #tpu.memory_space<hbm>>) target(%arg8 : memref<128xi32, #tpu.memory_space<vmem>>) target_semaphore(%run_scoped3A : memref<!tpu.dma_semaphore, #tpu.memory_space<semaphore_mem>>)
      %dma_wait3A_219 = tpu.memref_slice %arg2[%multiple_of3A_141] : memref<204800xi32, #tpu.memory_space<hbm>> -> memref<128xi32, #tpu.memory_space<hbm>>
      %dma_wait3A_220 = tpu.memref_slice %arg2[%multiple_of3A_141] : memref<204800xi32, #tpu.memory_space<hbm>> -> memref<128xi32, #tpu.memory_space<hbm>>
      tpu.wait_dma2 semaphore(%run_scoped3A : memref<!tpu.dma_semaphore, #tpu.memory_space<semaphore_mem>>) src(%dma_wait3A_220 : memref<128xi32, #tpu.memory_space<hbm>>) dst(%arg8 : memref<128xi32, #tpu.memory_space<vmem>>)
      tpu.yield
    }) : () -> ()
    %dma_start3A_142 = arith.constant 0 : i32
    %dma_start3A_143 = arith.constant 0 : i32
    %dma_start3A_144 = tpu.memref_slice %arg3[%dma_start3A_142, %dma_start3A_143] : memref<100000x128xf32, #tpu.memory_space<hbm>> -> memref<100000x128xf32, #tpu.memory_space<hbm>>
    tpu.enqueue_indirect_dma source(%dma_start3A_144 : memref<100000x128xf32, #tpu.memory_space<hbm>>) target(%arg9 : memref<128x128xf32, #tpu.memory_space<vmem>>) offsets(%arg8 : memref<128xi32, #tpu.memory_space<vmem>>) semaphore(%arg20 : memref<!tpu.dma_semaphore, #tpu.memory_space<semaphore_mem>>) {add = true}
    %dma_wait3A_145 = arith.constant 0 : i32
    %dma_wait3A_146 = arith.constant 0 : i32
    %dma_wait3A_147 = tpu.memref_slice %arg3[%dma_wait3A_145, %dma_wait3A_146] : memref<100000x128xf32, #tpu.memory_space<hbm>> -> memref<100000x128xf32, #tpu.memory_space<hbm>>
    tpu.wait_indirect_dma semaphore(%arg21 : memref<!tpu.dma_semaphore, #tpu.memory_space<semaphore_mem>>) src(%dma_wait3A_147 : memref<100000x128xf32, #tpu.memory_space<hbm>>) dst(%arg11 : memref<128x128xf32, #tpu.memory_space<vmem>>)
    %add3A_148 = arith.constant 6272 : i32
    %add3A_149 = arith.addi %mul3A_17, %add3A_148 : i32
    %multiple_of3A_150 = tpu.assume_multiple %add3A_149, 8 : i32
    "tpu.region"() ({
      %run_scoped3A = tpu.sem_alloc : memref<!tpu.dma_semaphore, #tpu.memory_space<semaphore_mem>>
      %dma_start3A_217 = tpu.memref_slice %arg2[%multiple_of3A_150] : memref<204800xi32, #tpu.memory_space<hbm>> -> memref<128xi32, #tpu.memory_space<hbm>>
      %dma_start3A_218 = tpu.memref_slice %arg2[%multiple_of3A_150] : memref<204800xi32, #tpu.memory_space<hbm>> -> memref<128xi32, #tpu.memory_space<hbm>>
      tpu.enqueue_dma source(%dma_start3A_218 : memref<128xi32, #tpu.memory_space<hbm>>) target(%arg10 : memref<128xi32, #tpu.memory_space<vmem>>) target_semaphore(%run_scoped3A : memref<!tpu.dma_semaphore, #tpu.memory_space<semaphore_mem>>)
      %dma_wait3A_219 = tpu.memref_slice %arg2[%multiple_of3A_150] : memref<204800xi32, #tpu.memory_space<hbm>> -> memref<128xi32, #tpu.memory_space<hbm>>
      %dma_wait3A_220 = tpu.memref_slice %arg2[%multiple_of3A_150] : memref<204800xi32, #tpu.memory_space<hbm>> -> memref<128xi32, #tpu.memory_space<hbm>>
      tpu.wait_dma2 semaphore(%run_scoped3A : memref<!tpu.dma_semaphore, #tpu.memory_space<semaphore_mem>>) src(%dma_wait3A_220 : memref<128xi32, #tpu.memory_space<hbm>>) dst(%arg10 : memref<128xi32, #tpu.memory_space<vmem>>)
      tpu.yield
    }) : () -> ()
    %dma_start3A_151 = arith.constant 0 : i32
    %dma_start3A_152 = arith.constant 0 : i32
    %dma_start3A_153 = tpu.memref_slice %arg3[%dma_start3A_151, %dma_start3A_152] : memref<100000x128xf32, #tpu.memory_space<hbm>> -> memref<100000x128xf32, #tpu.memory_space<hbm>>
    tpu.enqueue_indirect_dma source(%dma_start3A_153 : memref<100000x128xf32, #tpu.memory_space<hbm>>) target(%arg11 : memref<128x128xf32, #tpu.memory_space<vmem>>) offsets(%arg10 : memref<128xi32, #tpu.memory_space<vmem>>) semaphore(%arg21 : memref<!tpu.dma_semaphore, #tpu.memory_space<semaphore_mem>>) {add = true}
    %dma_wait3A_154 = arith.constant 0 : i32
    %dma_wait3A_155 = arith.constant 0 : i32
    %dma_wait3A_156 = tpu.memref_slice %arg3[%dma_wait3A_154, %dma_wait3A_155] : memref<100000x128xf32, #tpu.memory_space<hbm>> -> memref<100000x128xf32, #tpu.memory_space<hbm>>
    tpu.wait_indirect_dma semaphore(%arg22 : memref<!tpu.dma_semaphore, #tpu.memory_space<semaphore_mem>>) src(%dma_wait3A_156 : memref<100000x128xf32, #tpu.memory_space<hbm>>) dst(%arg13 : memref<128x128xf32, #tpu.memory_space<vmem>>)
    %dma_wait3A_157 = arith.constant 0 : i32
    %dma_wait3A_158 = arith.constant 0 : i32
    %dma_wait3A_159 = tpu.memref_slice %arg3[%dma_wait3A_157, %dma_wait3A_158] : memref<100000x128xf32, #tpu.memory_space<hbm>> -> memref<100000x128xf32, #tpu.memory_space<hbm>>
    tpu.wait_indirect_dma semaphore(%arg23 : memref<!tpu.dma_semaphore, #tpu.memory_space<semaphore_mem>>) src(%dma_wait3A_159 : memref<100000x128xf32, #tpu.memory_space<hbm>>) dst(%arg15 : memref<128x128xf32, #tpu.memory_space<vmem>>)
    %dma_wait3A_160 = arith.constant 0 : i32
    %dma_wait3A_161 = arith.constant 0 : i32
    %dma_wait3A_162 = tpu.memref_slice %arg3[%dma_wait3A_160, %dma_wait3A_161] : memref<100000x128xf32, #tpu.memory_space<hbm>> -> memref<100000x128xf32, #tpu.memory_space<hbm>>
    tpu.wait_indirect_dma semaphore(%arg24 : memref<!tpu.dma_semaphore, #tpu.memory_space<semaphore_mem>>) src(%dma_wait3A_162 : memref<100000x128xf32, #tpu.memory_space<hbm>>) dst(%arg17 : memref<128x128xf32, #tpu.memory_space<vmem>>)
    %dma_wait3A_163 = arith.constant 0 : i32
    %dma_wait3A_164 = arith.constant 0 : i32
    %dma_wait3A_165 = tpu.memref_slice %arg3[%dma_wait3A_163, %dma_wait3A_164] : memref<100000x128xf32, #tpu.memory_space<hbm>> -> memref<100000x128xf32, #tpu.memory_space<hbm>>
    tpu.wait_indirect_dma semaphore(%arg19 : memref<!tpu.dma_semaphore, #tpu.memory_space<semaphore_mem>>) src(%dma_wait3A_165 : memref<100000x128xf32, #tpu.memory_space<hbm>>) dst(%arg7 : memref<128x128xf32, #tpu.memory_space<vmem>>)
    %dma_wait3A_166 = arith.constant 0 : i32
    %dma_wait3A_167 = arith.constant 0 : i32
    %dma_wait3A_168 = tpu.memref_slice %arg3[%dma_wait3A_166, %dma_wait3A_167] : memref<100000x128xf32, #tpu.memory_space<hbm>> -> memref<100000x128xf32, #tpu.memory_space<hbm>>
    tpu.wait_indirect_dma semaphore(%arg20 : memref<!tpu.dma_semaphore, #tpu.memory_space<semaphore_mem>>) src(%dma_wait3A_168 : memref<100000x128xf32, #tpu.memory_space<hbm>>) dst(%arg9 : memref<128x128xf32, #tpu.memory_space<vmem>>)
    %dma_wait3A_169 = arith.constant 0 : i32
    %dma_wait3A_170 = arith.constant 0 : i32
    %dma_wait3A_171 = tpu.memref_slice %arg3[%dma_wait3A_169, %dma_wait3A_170] : memref<100000x128xf32, #tpu.memory_space<hbm>> -> memref<100000x128xf32, #tpu.memory_space<hbm>>
    tpu.wait_indirect_dma semaphore(%arg21 : memref<!tpu.dma_semaphore, #tpu.memory_space<semaphore_mem>>) src(%dma_wait3A_171 : memref<100000x128xf32, #tpu.memory_space<hbm>>) dst(%arg11 : memref<128x128xf32, #tpu.memory_space<vmem>>)
    %scan3A_172 = arith.constant 0 : i32
    %scan3A_173 = arith.constant 128 : i32
    %scan3A_174 = arith.addi %scan3A_172, %scan3A_173 : i32
    %scan3A_175 = arith.constant 1 : i32
    %scan3A_176:8 = scf.for %scan3A_217 = %scan3A_172 to %scan3A_174 step %scan3A_175 iter_args(%scan3A_218 = %broadcast_in_dim3A_1, %scan3A_219 = %broadcast_in_dim3A_3, %scan3A_220 = %broadcast_in_dim3A_5, %scan3A_221 = %broadcast_in_dim3A_7, %scan3A_222 = %broadcast_in_dim3A_9, %scan3A_223 = %broadcast_in_dim3A_11, %scan3A_224 = %broadcast_in_dim3A_13, %scan3A_225 = %broadcast_in_dim3A_15) -> (vector<16xf32>, vector<16xf32>, vector<16xf32>, vector<16xf32>, vector<16xf32>, vector<16xf32>, vector<16xf32>, vector<16xf32>)  : i32 {
      %get3A_226 = arith.index_cast %scan3A_217 : i32 to index
      %get3A_227 = arith.constant 0 : index
      %get3A_228 = tpu.vector_load %arg7[%get3A_226, %get3A_227] {strides = array<i32>} : memref<128x128xf32, #tpu.memory_space<vmem>>, vector<1x16xf32>,
      %get3A_229 = vector.shape_cast %get3A_228 : vector<1x16xf32> to vector<16xf32>
      %add3A_230 = arith.addf %scan3A_218, %get3A_229 : vector<16xf32>
      %get3A_231 = arith.index_cast %scan3A_217 : i32 to index
      %get3A_232 = arith.constant 0 : index
      %get3A_233 = tpu.vector_load %arg9[%get3A_231, %get3A_232] {strides = array<i32>} : memref<128x128xf32, #tpu.memory_space<vmem>>, vector<1x16xf32>,
      %get3A_234 = vector.shape_cast %get3A_233 : vector<1x16xf32> to vector<16xf32>
      %add3A_235 = arith.addf %add3A_230, %get3A_234 : vector<16xf32>
      %get3A_236 = arith.index_cast %scan3A_217 : i32 to index
      %get3A_237 = arith.constant 0 : index
      %get3A_238 = tpu.vector_load %arg11[%get3A_236, %get3A_237] {strides = array<i32>} : memref<128x128xf32, #tpu.memory_space<vmem>>, vector<1x16xf32>,
      %get3A_239 = vector.shape_cast %get3A_238 : vector<1x16xf32> to vector<16xf32>
      %add3A_240 = arith.addf %add3A_235, %get3A_239 : vector<16xf32>
      %get3A_241 = arith.index_cast %scan3A_217 : i32 to index
      %get3A_242 = arith.constant 0 : index
      %get3A_243 = tpu.vector_load %arg13[%get3A_241, %get3A_242] {strides = array<i32>} : memref<128x128xf32, #tpu.memory_space<vmem>>, vector<1x16xf32>,
      %get3A_244 = vector.shape_cast %get3A_243 : vector<1x16xf32> to vector<16xf32>
      %add3A_245 = arith.addf %add3A_240, %get3A_244 : vector<16xf32>
      %get3A_246 = arith.index_cast %scan3A_217 : i32 to index
      %get3A_247 = arith.constant 0 : index
      %get3A_248 = tpu.vector_load %arg15[%get3A_246, %get3A_247] {strides = array<i32>} : memref<128x128xf32, #tpu.memory_space<vmem>>, vector<1x16xf32>,
      %get3A_249 = vector.shape_cast %get3A_248 : vector<1x16xf32> to vector<16xf32>
      %add3A_250 = arith.addf %add3A_245, %get3A_249 : vector<16xf32>
      %get3A_251 = arith.index_cast %scan3A_217 : i32 to index
      %get3A_252 = arith.constant 0 : index
      %get3A_253 = tpu.vector_load %arg17[%get3A_251, %get3A_252] {strides = array<i32>} : memref<128x128xf32, #tpu.memory_space<vmem>>, vector<1x16xf32>,
      %get3A_254 = vector.shape_cast %get3A_253 : vector<1x16xf32> to vector<16xf32>
      %add3A_255 = arith.addf %add3A_250, %get3A_254 : vector<16xf32>
      %get3A_256 = arith.index_cast %scan3A_217 : i32 to index
      %get3A_257 = arith.constant 16 : index
      %get3A_258 = tpu.vector_load %arg7[%get3A_256, %get3A_257] {strides = array<i32>} : memref<128x128xf32, #tpu.memory_space<vmem>>, vector<1x16xf32>,
      %get3A_259 = vector.shape_cast %get3A_258 : vector<1x16xf32> to vector<16xf32>
      %add3A_260 = arith.addf %scan3A_219, %get3A_259 : vector<16xf32>
      %get3A_261 = arith.index_cast %scan3A_217 : i32 to index
      %get3A_262 = arith.constant 16 : index
      %get3A_263 = tpu.vector_load %arg9[%get3A_261, %get3A_262] {strides = array<i32>} : memref<128x128xf32, #tpu.memory_space<vmem>>, vector<1x16xf32>,
      %get3A_264 = vector.shape_cast %get3A_263 : vector<1x16xf32> to vector<16xf32>
      %add3A_265 = arith.addf %add3A_260, %get3A_264 : vector<16xf32>
      %get3A_266 = arith.index_cast %scan3A_217 : i32 to index
      %get3A_267 = arith.constant 16 : index
      %get3A_268 = tpu.vector_load %arg11[%get3A_266, %get3A_267] {strides = array<i32>} : memref<128x128xf32, #tpu.memory_space<vmem>>, vector<1x16xf32>,
      %get3A_269 = vector.shape_cast %get3A_268 : vector<1x16xf32> to vector<16xf32>
      %add3A_270 = arith.addf %add3A_265, %get3A_269 : vector<16xf32>
      %get3A_271 = arith.index_cast %scan3A_217 : i32 to index
      %get3A_272 = arith.constant 16 : index
      %get3A_273 = tpu.vector_load %arg13[%get3A_271, %get3A_272] {strides = array<i32>} : memref<128x128xf32, #tpu.memory_space<vmem>>, vector<1x16xf32>,
      %get3A_274 = vector.shape_cast %get3A_273 : vector<1x16xf32> to vector<16xf32>
      %add3A_275 = arith.addf %add3A_270, %get3A_274 : vector<16xf32>
      %get3A_276 = arith.index_cast %scan3A_217 : i32 to index
      %get3A_277 = arith.constant 16 : index
      %get3A_278 = tpu.vector_load %arg15[%get3A_276, %get3A_277] {strides = array<i32>} : memref<128x128xf32, #tpu.memory_space<vmem>>, vector<1x16xf32>,
      %get3A_279 = vector.shape_cast %get3A_278 : vector<1x16xf32> to vector<16xf32>
      %add3A_280 = arith.addf %add3A_275, %get3A_279 : vector<16xf32>
      %get3A_281 = arith.index_cast %scan3A_217 : i32 to index
      %get3A_282 = arith.constant 16 : index
      %get3A_283 = tpu.vector_load %arg17[%get3A_281, %get3A_282] {strides = array<i32>} : memref<128x128xf32, #tpu.memory_space<vmem>>, vector<1x16xf32>,
      %get3A_284 = vector.shape_cast %get3A_283 : vector<1x16xf32> to vector<16xf32>
      %add3A_285 = arith.addf %add3A_280, %get3A_284 : vector<16xf32>
      %get3A_286 = arith.index_cast %scan3A_217 : i32 to index
      %get3A_287 = arith.constant 32 : index
      %get3A_288 = tpu.vector_load %arg7[%get3A_286, %get3A_287] {strides = array<i32>} : memref<128x128xf32, #tpu.memory_space<vmem>>, vector<1x16xf32>,
      %get3A_289 = vector.shape_cast %get3A_288 : vector<1x16xf32> to vector<16xf32>
      %add3A_290 = arith.addf %scan3A_220, %get3A_289 : vector<16xf32>
      %get3A_291 = arith.index_cast %scan3A_217 : i32 to index
      %get3A_292 = arith.constant 32 : index
      %get3A_293 = tpu.vector_load %arg9[%get3A_291, %get3A_292] {strides = array<i32>} : memref<128x128xf32, #tpu.memory_space<vmem>>, vector<1x16xf32>,
      %get3A_294 = vector.shape_cast %get3A_293 : vector<1x16xf32> to vector<16xf32>
      %add3A_295 = arith.addf %add3A_290, %get3A_294 : vector<16xf32>
      %get3A_296 = arith.index_cast %scan3A_217 : i32 to index
      %get3A_297 = arith.constant 32 : index
      %get3A_298 = tpu.vector_load %arg11[%get3A_296, %get3A_297] {strides = array<i32>} : memref<128x128xf32, #tpu.memory_space<vmem>>, vector<1x16xf32>,
      %get3A_299 = vector.shape_cast %get3A_298 : vector<1x16xf32> to vector<16xf32>
      %add3A_300 = arith.addf %add3A_295, %get3A_299 : vector<16xf32>
      %get3A_301 = arith.index_cast %scan3A_217 : i32 to index
      %get3A_302 = arith.constant 32 : index
      %get3A_303 = tpu.vector_load %arg13[%get3A_301, %get3A_302] {strides = array<i32>} : memref<128x128xf32, #tpu.memory_space<vmem>>, vector<1x16xf32>,
      %get3A_304 = vector.shape_cast %get3A_303 : vector<1x16xf32> to vector<16xf32>
      %add3A_305 = arith.addf %add3A_300, %get3A_304 : vector<16xf32>
      %get3A_306 = arith.index_cast %scan3A_217 : i32 to index
      %get3A_307 = arith.constant 32 : index
      %get3A_308 = tpu.vector_load %arg15[%get3A_306, %get3A_307] {strides = array<i32>} : memref<128x128xf32, #tpu.memory_space<vmem>>, vector<1x16xf32>,
      %get3A_309 = vector.shape_cast %get3A_308 : vector<1x16xf32> to vector<16xf32>
      %add3A_310 = arith.addf %add3A_305, %get3A_309 : vector<16xf32>
      %get3A_311 = arith.index_cast %scan3A_217 : i32 to index
      %get3A_312 = arith.constant 32 : index
      %get3A_313 = tpu.vector_load %arg17[%get3A_311, %get3A_312] {strides = array<i32>} : memref<128x128xf32, #tpu.memory_space<vmem>>, vector<1x16xf32>,
      %get3A_314 = vector.shape_cast %get3A_313 : vector<1x16xf32> to vector<16xf32>
      %add3A_315 = arith.addf %add3A_310, %get3A_314 : vector<16xf32>
      %get3A_316 = arith.index_cast %scan3A_217 : i32 to index
      %get3A_317 = arith.constant 48 : index
      %get3A_318 = tpu.vector_load %arg7[%get3A_316, %get3A_317] {strides = array<i32>} : memref<128x128xf32, #tpu.memory_space<vmem>>, vector<1x16xf32>,
      %get3A_319 = vector.shape_cast %get3A_318 : vector<1x16xf32> to vector<16xf32>
      %add3A_320 = arith.addf %scan3A_221, %get3A_319 : vector<16xf32>
      %get3A_321 = arith.index_cast %scan3A_217 : i32 to index
      %get3A_322 = arith.constant 48 : index
      %get3A_323 = tpu.vector_load %arg9[%get3A_321, %get3A_322] {strides = array<i32>} : memref<128x128xf32, #tpu.memory_space<vmem>>, vector<1x16xf32>,
      %get3A_324 = vector.shape_cast %get3A_323 : vector<1x16xf32> to vector<16xf32>
      %add3A_325 = arith.addf %add3A_320, %get3A_324 : vector<16xf32>
      %get3A_326 = arith.index_cast %scan3A_217 : i32 to index
      %get3A_327 = arith.constant 48 : index
      %get3A_328 = tpu.vector_load %arg11[%get3A_326, %get3A_327] {strides = array<i32>} : memref<128x128xf32, #tpu.memory_space<vmem>>, vector<1x16xf32>,
      %get3A_329 = vector.shape_cast %get3A_328 : vector<1x16xf32> to vector<16xf32>
      %add3A_330 = arith.addf %add3A_325, %get3A_329 : vector<16xf32>
      %get3A_331 = arith.index_cast %scan3A_217 : i32 to index
      %get3A_332 = arith.constant 48 : index
      %get3A_333 = tpu.vector_load %arg13[%get3A_331, %get3A_332] {strides = array<i32>} : memref<128x128xf32, #tpu.memory_space<vmem>>, vector<1x16xf32>,
      %get3A_334 = vector.shape_cast %get3A_333 : vector<1x16xf32> to vector<16xf32>
      %add3A_335 = arith.addf %add3A_330, %get3A_334 : vector<16xf32>
      %get3A_336 = arith.index_cast %scan3A_217 : i32 to index
      %get3A_337 = arith.constant 48 : index
      %get3A_338 = tpu.vector_load %arg15[%get3A_336, %get3A_337] {strides = array<i32>} : memref<128x128xf32, #tpu.memory_space<vmem>>, vector<1x16xf32>,
      %get3A_339 = vector.shape_cast %get3A_338 : vector<1x16xf32> to vector<16xf32>
      %add3A_340 = arith.addf %add3A_335, %get3A_339 : vector<16xf32>
      %get3A_341 = arith.index_cast %scan3A_217 : i32 to index
      %get3A_342 = arith.constant 48 : index
      %get3A_343 = tpu.vector_load %arg17[%get3A_341, %get3A_342] {strides = array<i32>} : memref<128x128xf32, #tpu.memory_space<vmem>>, vector<1x16xf32>,
      %get3A_344 = vector.shape_cast %get3A_343 : vector<1x16xf32> to vector<16xf32>
      %add3A_345 = arith.addf %add3A_340, %get3A_344 : vector<16xf32>
      %get3A_346 = arith.index_cast %scan3A_217 : i32 to index
      %get3A_347 = arith.constant 64 : index
      %get3A_348 = tpu.vector_load %arg7[%get3A_346, %get3A_347] {strides = array<i32>} : memref<128x128xf32, #tpu.memory_space<vmem>>, vector<1x16xf32>,
      %get3A_349 = vector.shape_cast %get3A_348 : vector<1x16xf32> to vector<16xf32>
      %add3A_350 = arith.addf %scan3A_222, %get3A_349 : vector<16xf32>
      %get3A_351 = arith.index_cast %scan3A_217 : i32 to index
      %get3A_352 = arith.constant 64 : index
      %get3A_353 = tpu.vector_load %arg9[%get3A_351, %get3A_352] {strides = array<i32>} : memref<128x128xf32, #tpu.memory_space<vmem>>, vector<1x16xf32>,
      %get3A_354 = vector.shape_cast %get3A_353 : vector<1x16xf32> to vector<16xf32>
      %add3A_355 = arith.addf %add3A_350, %get3A_354 : vector<16xf32>
      %get3A_356 = arith.index_cast %scan3A_217 : i32 to index
      %get3A_357 = arith.constant 64 : index
      %get3A_358 = tpu.vector_load %arg11[%get3A_356, %get3A_357] {strides = array<i32>} : memref<128x128xf32, #tpu.memory_space<vmem>>, vector<1x16xf32>,
      %get3A_359 = vector.shape_cast %get3A_358 : vector<1x16xf32> to vector<16xf32>
      %add3A_360 = arith.addf %add3A_355, %get3A_359 : vector<16xf32>
      %get3A_361 = arith.index_cast %scan3A_217 : i32 to index
      %get3A_362 = arith.constant 64 : index
      %get3A_363 = tpu.vector_load %arg13[%get3A_361, %get3A_362] {strides = array<i32>} : memref<128x128xf32, #tpu.memory_space<vmem>>, vector<1x16xf32>,
      %get3A_364 = vector.shape_cast %get3A_363 : vector<1x16xf32> to vector<16xf32>
      %add3A_365 = arith.addf %add3A_360, %get3A_364 : vector<16xf32>
      %get3A_366 = arith.index_cast %scan3A_217 : i32 to index
      %get3A_367 = arith.constant 64 : index
      %get3A_368 = tpu.vector_load %arg15[%get3A_366, %get3A_367] {strides = array<i32>} : memref<128x128xf32, #tpu.memory_space<vmem>>, vector<1x16xf32>,
      %get3A_369 = vector.shape_cast %get3A_368 : vector<1x16xf32> to vector<16xf32>
      %add3A_370 = arith.addf %add3A_365, %get3A_369 : vector<16xf32>
      %get3A_371 = arith.index_cast %scan3A_217 : i32 to index
      %get3A_372 = arith.constant 64 : index
      %get3A_373 = tpu.vector_load %arg17[%get3A_371, %get3A_372] {strides = array<i32>} : memref<128x128xf32, #tpu.memory_space<vmem>>, vector<1x16xf32>,
      %get3A_374 = vector.shape_cast %get3A_373 : vector<1x16xf32> to vector<16xf32>
      %add3A_375 = arith.addf %add3A_370, %get3A_374 : vector<16xf32>
      %get3A_376 = arith.index_cast %scan3A_217 : i32 to index
      %get3A_377 = arith.constant 80 : index
      %get3A_378 = tpu.vector_load %arg7[%get3A_376, %get3A_377] {strides = array<i32>} : memref<128x128xf32, #tpu.memory_space<vmem>>, vector<1x16xf32>,
      %get3A_379 = vector.shape_cast %get3A_378 : vector<1x16xf32> to vector<16xf32>
      %add3A_380 = arith.addf %scan3A_223, %get3A_379 : vector<16xf32>
      %get3A_381 = arith.index_cast %scan3A_217 : i32 to index
      %get3A_382 = arith.constant 80 : index
      %get3A_383 = tpu.vector_load %arg9[%get3A_381, %get3A_382] {strides = array<i32>} : memref<128x128xf32, #tpu.memory_space<vmem>>, vector<1x16xf32>,
      %get3A_384 = vector.shape_cast %get3A_383 : vector<1x16xf32> to vector<16xf32>
      %add3A_385 = arith.addf %add3A_380, %get3A_384 : vector<16xf32>
      %get3A_386 = arith.index_cast %scan3A_217 : i32 to index
      %get3A_387 = arith.constant 80 : index
      %get3A_388 = tpu.vector_load %arg11[%get3A_386, %get3A_387] {strides = array<i32>} : memref<128x128xf32, #tpu.memory_space<vmem>>, vector<1x16xf32>,
      %get3A_389 = vector.shape_cast %get3A_388 : vector<1x16xf32> to vector<16xf32>
      %add3A_390 = arith.addf %add3A_385, %get3A_389 : vector<16xf32>
      %get3A_391 = arith.index_cast %scan3A_217 : i32 to index
      %get3A_392 = arith.constant 80 : index
      %get3A_393 = tpu.vector_load %arg13[%get3A_391, %get3A_392] {strides = array<i32>} : memref<128x128xf32, #tpu.memory_space<vmem>>, vector<1x16xf32>,
      %get3A_394 = vector.shape_cast %get3A_393 : vector<1x16xf32> to vector<16xf32>
      %add3A_395 = arith.addf %add3A_390, %get3A_394 : vector<16xf32>
      %get3A_396 = arith.index_cast %scan3A_217 : i32 to index
      %get3A_397 = arith.constant 80 : index
      %get3A_398 = tpu.vector_load %arg15[%get3A_396, %get3A_397] {strides = array<i32>} : memref<128x128xf32, #tpu.memory_space<vmem>>, vector<1x16xf32>,
      %get3A_399 = vector.shape_cast %get3A_398 : vector<1x16xf32> to vector<16xf32>
      %add3A_400 = arith.addf %add3A_395, %get3A_399 : vector<16xf32>
      %get3A_401 = arith.index_cast %scan3A_217 : i32 to index
      %get3A_402 = arith.constant 80 : index
      %get3A_403 = tpu.vector_load %arg17[%get3A_401, %get3A_402] {strides = array<i32>} : memref<128x128xf32, #tpu.memory_space<vmem>>, vector<1x16xf32>,
      %get3A_404 = vector.shape_cast %get3A_403 : vector<1x16xf32> to vector<16xf32>
      %add3A_405 = arith.addf %add3A_400, %get3A_404 : vector<16xf32>
      %get3A_406 = arith.index_cast %scan3A_217 : i32 to index
      %get3A_407 = arith.constant 96 : index
      %get3A_408 = tpu.vector_load %arg7[%get3A_406, %get3A_407] {strides = array<i32>} : memref<128x128xf32, #tpu.memory_space<vmem>>, vector<1x16xf32>,
      %get3A_409 = vector.shape_cast %get3A_408 : vector<1x16xf32> to vector<16xf32>
      %add3A_410 = arith.addf %scan3A_224, %get3A_409 : vector<16xf32>
      %get3A_411 = arith.index_cast %scan3A_217 : i32 to index
      %get3A_412 = arith.constant 96 : index
      %get3A_413 = tpu.vector_load %arg9[%get3A_411, %get3A_412] {strides = array<i32>} : memref<128x128xf32, #tpu.memory_space<vmem>>, vector<1x16xf32>,
      %get3A_414 = vector.shape_cast %get3A_413 : vector<1x16xf32> to vector<16xf32>
      %add3A_415 = arith.addf %add3A_410, %get3A_414 : vector<16xf32>
      %get3A_416 = arith.index_cast %scan3A_217 : i32 to index
      %get3A_417 = arith.constant 96 : index
      %get3A_418 = tpu.vector_load %arg11[%get3A_416, %get3A_417] {strides = array<i32>} : memref<128x128xf32, #tpu.memory_space<vmem>>, vector<1x16xf32>,
      %get3A_419 = vector.shape_cast %get3A_418 : vector<1x16xf32> to vector<16xf32>
      %add3A_420 = arith.addf %add3A_415, %get3A_419 : vector<16xf32>
      %get3A_421 = arith.index_cast %scan3A_217 : i32 to index
      %get3A_422 = arith.constant 96 : index
      %get3A_423 = tpu.vector_load %arg13[%get3A_421, %get3A_422] {strides = array<i32>} : memref<128x128xf32, #tpu.memory_space<vmem>>, vector<1x16xf32>,
      %get3A_424 = vector.shape_cast %get3A_423 : vector<1x16xf32> to vector<16xf32>
      %add3A_425 = arith.addf %add3A_420, %get3A_424 : vector<16xf32>
      %get3A_426 = arith.index_cast %scan3A_217 : i32 to index
      %get3A_427 = arith.constant 96 : index
      %get3A_428 = tpu.vector_load %arg15[%get3A_426, %get3A_427] {strides = array<i32>} : memref<128x128xf32, #tpu.memory_space<vmem>>, vector<1x16xf32>,
      %get3A_429 = vector.shape_cast %get3A_428 : vector<1x16xf32> to vector<16xf32>
      %add3A_430 = arith.addf %add3A_425, %get3A_429 : vector<16xf32>
      %get3A_431 = arith.index_cast %scan3A_217 : i32 to index
      %get3A_432 = arith.constant 96 : index
      %get3A_433 = tpu.vector_load %arg17[%get3A_431, %get3A_432] {strides = array<i32>} : memref<128x128xf32, #tpu.memory_space<vmem>>, vector<1x16xf32>,
      %get3A_434 = vector.shape_cast %get3A_433 : vector<1x16xf32> to vector<16xf32>
      %add3A_435 = arith.addf %add3A_430, %get3A_434 : vector<16xf32>
      %get3A_436 = arith.index_cast %scan3A_217 : i32 to index
      %get3A_437 = arith.constant 112 : index
      %get3A_438 = tpu.vector_load %arg7[%get3A_436, %get3A_437] {strides = array<i32>} : memref<128x128xf32, #tpu.memory_space<vmem>>, vector<1x16xf32>,
      %get3A_439 = vector.shape_cast %get3A_438 : vector<1x16xf32> to vector<16xf32>
      %add3A_440 = arith.addf %scan3A_225, %get3A_439 : vector<16xf32>
      %get3A_441 = arith.index_cast %scan3A_217 : i32 to index
      %get3A_442 = arith.constant 112 : index
      %get3A_443 = tpu.vector_load %arg9[%get3A_441, %get3A_442] {strides = array<i32>} : memref<128x128xf32, #tpu.memory_space<vmem>>, vector<1x16xf32>,
      %get3A_444 = vector.shape_cast %get3A_443 : vector<1x16xf32> to vector<16xf32>
      %add3A_445 = arith.addf %add3A_440, %get3A_444 : vector<16xf32>
      %get3A_446 = arith.index_cast %scan3A_217 : i32 to index
      %get3A_447 = arith.constant 112 : index
      %get3A_448 = tpu.vector_load %arg11[%get3A_446, %get3A_447] {strides = array<i32>} : memref<128x128xf32, #tpu.memory_space<vmem>>, vector<1x16xf32>,
      %get3A_449 = vector.shape_cast %get3A_448 : vector<1x16xf32> to vector<16xf32>
      %add3A_450 = arith.addf %add3A_445, %get3A_449 : vector<16xf32>
      %get3A_451 = arith.index_cast %scan3A_217 : i32 to index
      %get3A_452 = arith.constant 112 : index
      %get3A_453 = tpu.vector_load %arg13[%get3A_451, %get3A_452] {strides = array<i32>} : memref<128x128xf32, #tpu.memory_space<vmem>>, vector<1x16xf32>,
      %get3A_454 = vector.shape_cast %get3A_453 : vector<1x16xf32> to vector<16xf32>
      %add3A_455 = arith.addf %add3A_450, %get3A_454 : vector<16xf32>
      %get3A_456 = arith.index_cast %scan3A_217 : i32 to index
      %get3A_457 = arith.constant 112 : index
      %get3A_458 = tpu.vector_load %arg15[%get3A_456, %get3A_457] {strides = array<i32>} : memref<128x128xf32, #tpu.memory_space<vmem>>, vector<1x16xf32>,
      %get3A_459 = vector.shape_cast %get3A_458 : vector<1x16xf32> to vector<16xf32>
      %add3A_460 = arith.addf %add3A_455, %get3A_459 : vector<16xf32>
      %get3A_461 = arith.index_cast %scan3A_217 : i32 to index
      %get3A_462 = arith.constant 112 : index
      %get3A_463 = tpu.vector_load %arg17[%get3A_461, %get3A_462] {strides = array<i32>} : memref<128x128xf32, #tpu.memory_space<vmem>>, vector<1x16xf32>,
      %get3A_464 = vector.shape_cast %get3A_463 : vector<1x16xf32> to vector<16xf32>
      %add3A_465 = arith.addf %add3A_460, %get3A_464 : vector<16xf32>
      scf.yield %add3A_255, %add3A_285, %add3A_315, %add3A_345, %add3A_375, %add3A_405, %add3A_435, %add3A_465 : vector<16xf32>, vector<16xf32>, vector<16xf32>, vector<16xf32>, vector<16xf32>, vector<16xf32>, vector<16xf32>, vector<16xf32>
    }
    %scan3A_177 = arith.constant 128 : i32
    %sub3A_178 = arith.subf %scan3A_176#0, %sub3A : vector<16xf32>
    %swap3A = arith.constant 0 : index
    %swap3A_179 = tpu.vector_load %arg18[%swap3A] {strides = array<i32>} : memref<128xf32, #tpu.memory_space<vmem>>, vector<16xf32>,
    %swap3A_180 = vector.shape_cast %swap3A_179 : vector<16xf32> to vector<16xf32>
    %swap3A_181 = vector.shape_cast %sub3A_178 : vector<16xf32> to vector<16xf32>
    tpu.vector_store %arg18[%swap3A], %swap3A_181 {strides = array<i32>} : memref<128xf32, #tpu.memory_space<vmem>>, vector<16xf32>,
    %sub3A_182 = arith.subf %scan3A_176#1, %sub3A_50 : vector<16xf32>
    %swap3A_183 = arith.constant 16 : index
    %swap3A_184 = tpu.vector_load %arg18[%swap3A_183] {strides = array<i32>} : memref<128xf32, #tpu.memory_space<vmem>>, vector<16xf32>,
    %swap3A_185 = vector.shape_cast %swap3A_184 : vector<16xf32> to vector<16xf32>
    %swap3A_186 = vector.shape_cast %sub3A_182 : vector<16xf32> to vector<16xf32>
    tpu.vector_store %arg18[%swap3A_183], %swap3A_186 {strides = array<i32>} : memref<128xf32, #tpu.memory_space<vmem>>, vector<16xf32>,
    %sub3A_187 = arith.subf %scan3A_176#2, %sub3A_58 : vector<16xf32>
    %swap3A_188 = arith.constant 32 : index
    %swap3A_189 = tpu.vector_load %arg18[%swap3A_188] {strides = array<i32>} : memref<128xf32, #tpu.memory_space<vmem>>, vector<16xf32>,
    %swap3A_190 = vector.shape_cast %swap3A_189 : vector<16xf32> to vector<16xf32>
    %swap3A_191 = vector.shape_cast %sub3A_187 : vector<16xf32> to vector<16xf32>
    tpu.vector_store %arg18[%swap3A_188], %swap3A_191 {strides = array<i32>} : memref<128xf32, #tpu.memory_space<vmem>>, vector<16xf32>,
    %sub3A_192 = arith.subf %scan3A_176#3, %sub3A_66 : vector<16xf32>
    %swap3A_193 = arith.constant 48 : index
    %swap3A_194 = tpu.vector_load %arg18[%swap3A_193] {strides = array<i32>} : memref<128xf32, #tpu.memory_space<vmem>>, vector<16xf32>,
    %swap3A_195 = vector.shape_cast %swap3A_194 : vector<16xf32> to vector<16xf32>
    %swap3A_196 = vector.shape_cast %sub3A_192 : vector<16xf32> to vector<16xf32>
    tpu.vector_store %arg18[%swap3A_193], %swap3A_196 {strides = array<i32>} : memref<128xf32, #tpu.memory_space<vmem>>, vector<16xf32>,
    %sub3A_197 = arith.subf %scan3A_176#4, %sub3A_74 : vector<16xf32>
    %swap3A_198 = arith.constant 64 : index
    %swap3A_199 = tpu.vector_load %arg18[%swap3A_198] {strides = array<i32>} : memref<128xf32, #tpu.memory_space<vmem>>, vector<16xf32>,
    %swap3A_200 = vector.shape_cast %swap3A_199 : vector<16xf32> to vector<16xf32>
    %swap3A_201 = vector.shape_cast %sub3A_197 : vector<16xf32> to vector<16xf32>
    tpu.vector_store %arg18[%swap3A_198], %swap3A_201 {strides = array<i32>} : memref<128xf32, #tpu.memory_space<vmem>>, vector<16xf32>,
    %sub3A_202 = arith.subf %scan3A_176#5, %sub3A_82 : vector<16xf32>
    %swap3A_203 = arith.constant 80 : index
    %swap3A_204 = tpu.vector_load %arg18[%swap3A_203] {strides = array<i32>} : memref<128xf32, #tpu.memory_space<vmem>>, vector<16xf32>,
    %swap3A_205 = vector.shape_cast %swap3A_204 : vector<16xf32> to vector<16xf32>
    %swap3A_206 = vector.shape_cast %sub3A_202 : vector<16xf32> to vector<16xf32>
    tpu.vector_store %arg18[%swap3A_203], %swap3A_206 {strides = array<i32>} : memref<128xf32, #tpu.memory_space<vmem>>, vector<16xf32>,
    %sub3A_207 = arith.subf %scan3A_176#6, %sub3A_90 : vector<16xf32>
    %swap3A_208 = arith.constant 96 : index
    %swap3A_209 = tpu.vector_load %arg18[%swap3A_208] {strides = array<i32>} : memref<128xf32, #tpu.memory_space<vmem>>, vector<16xf32>,
    %swap3A_210 = vector.shape_cast %swap3A_209 : vector<16xf32> to vector<16xf32>
    %swap3A_211 = vector.shape_cast %sub3A_207 : vector<16xf32> to vector<16xf32>
    tpu.vector_store %arg18[%swap3A_208], %swap3A_211 {strides = array<i32>} : memref<128xf32, #tpu.memory_space<vmem>>, vector<16xf32>,
    %sub3A_212 = arith.subf %scan3A_176#7, %sub3A_98 : vector<16xf32>
    %swap3A_213 = arith.constant 112 : index
    %swap3A_214 = tpu.vector_load %arg18[%swap3A_213] {strides = array<i32>} : memref<128xf32, #tpu.memory_space<vmem>>, vector<16xf32>,
    %swap3A_215 = vector.shape_cast %swap3A_214 : vector<16xf32> to vector<16xf32>
    %swap3A_216 = vector.shape_cast %sub3A_212 : vector<16xf32> to vector<16xf32>
    tpu.vector_store %arg18[%swap3A_213], %swap3A_216 {strides = array<i32>} : memref<128xf32, #tpu.memory_space<vmem>>, vector<16xf32>,
    "tpu.region"() ({
      %run_scoped3A = tpu.sem_alloc : memref<!tpu.dma_semaphore, #tpu.memory_space<semaphore_mem>>
      %dma_start3A_217 = arith.constant 0 : i32
      %dma_start3A_218 = tpu.memref_slice %arg5[%add3A, %dma_start3A_217] : memref<32x128xf32, #tpu.memory_space<hbm>> -> memref<1x128xf32, #tpu.memory_space<hbm>>
      %dma_start3A_219 = tpu.memref_squeeze %dma_start3A_218 : memref<1x128xf32, #tpu.memory_space<hbm>> -> memref<128xf32, #tpu.memory_space<hbm>>
      %dma_start3A_220 = arith.constant 0 : i32
      %dma_start3A_221 = tpu.memref_slice %arg5[%add3A, %dma_start3A_220] : memref<32x128xf32, #tpu.memory_space<hbm>> -> memref<1x128xf32, #tpu.memory_space<hbm>>
      %dma_start3A_222 = tpu.memref_squeeze %dma_start3A_221 : memref<1x128xf32, #tpu.memory_space<hbm>> -> memref<128xf32, #tpu.memory_space<hbm>>
      tpu.enqueue_dma source(%arg18 : memref<128xf32, #tpu.memory_space<vmem>>) target(%dma_start3A_222 : memref<128xf32, #tpu.memory_space<hbm>>) target_semaphore(%run_scoped3A : memref<!tpu.dma_semaphore, #tpu.memory_space<semaphore_mem>>)
      %dma_wait3A_223 = arith.constant 0 : i32
      %dma_wait3A_224 = tpu.memref_slice %arg5[%add3A, %dma_wait3A_223] : memref<32x128xf32, #tpu.memory_space<hbm>> -> memref<1x128xf32, #tpu.memory_space<hbm>>
      %dma_wait3A_225 = tpu.memref_squeeze %dma_wait3A_224 : memref<1x128xf32, #tpu.memory_space<hbm>> -> memref<128xf32, #tpu.memory_space<hbm>>
      %dma_wait3A_226 = arith.constant 0 : i32
      %dma_wait3A_227 = tpu.memref_slice %arg5[%add3A, %dma_wait3A_226] : memref<32x128xf32, #tpu.memory_space<hbm>> -> memref<1x128xf32, #tpu.memory_space<hbm>>
      %dma_wait3A_228 = tpu.memref_squeeze %dma_wait3A_227 : memref<1x128xf32, #tpu.memory_space<hbm>> -> memref<128xf32, #tpu.memory_space<hbm>>
      tpu.wait_dma2 semaphore(%run_scoped3A : memref<!tpu.dma_semaphore, #tpu.memory_space<semaphore_mem>>) src(%arg18 : memref<128xf32, #tpu.memory_space<vmem>>) dst(%dma_wait3A_228 : memref<128xf32, #tpu.memory_space<hbm>>)
      tpu.yield
    }) : () -> ()
    return
  }
}

module attributes {stable_mosaic.version = 14 : i64} {
  func.func @_snn_body(%arg0: i32, %arg1: memref<1024x128xf32, #tpu.memory_space<vmem>>, %arg2: memref<32x128xf32, #tpu.memory_space<vmem>>, %arg3: memref<128x64xf32, #tpu.memory_space<vmem>>, %arg4: memref<1x64xf32, #tpu.memory_space<vmem>>, %arg5: memref<64x32xf32, #tpu.memory_space<vmem>>, %arg6: memref<1x32xf32, #tpu.memory_space<vmem>>, %arg7: memref<32x10xf32, #tpu.memory_space<vmem>>, %arg8: memref<1x10xf32, #tpu.memory_space<vmem>>, %arg9: memref<10x1024x10xf32, #tpu.memory_space<vmem>>, %arg10: memref<10x1024x10xf32, #tpu.memory_space<vmem>>) attributes {dimension_semantics = [#tpu.dimension_semantics<arbitrary>], iteration_bounds = array<i64: 4>, scalar_prefetch = 0 : i64, scratch_operands = 0 : i64, tpu.core_type = #tpu.core_type<tc>, window_params = [{transform_indices = @transform_0, window_bounds = array<i64: 1024, 128>}, {pipeline_mode = #tpu.pipeline_mode<synchronous>, transform_indices = @transform_1, window_bounds = array<i64: 32, 128>}, {pipeline_mode = #tpu.pipeline_mode<synchronous>, transform_indices = @transform_2, window_bounds = array<i64: 128, 64>}, {pipeline_mode = #tpu.pipeline_mode<synchronous>, transform_indices = @transform_3, window_bounds = array<i64: 1, 64>}, {pipeline_mode = #tpu.pipeline_mode<synchronous>, transform_indices = @transform_4, window_bounds = array<i64: 64, 32>}, {pipeline_mode = #tpu.pipeline_mode<synchronous>, transform_indices = @transform_5, window_bounds = array<i64: 1, 32>}, {pipeline_mode = #tpu.pipeline_mode<synchronous>, transform_indices = @transform_6, window_bounds = array<i64: 32, 10>}, {pipeline_mode = #tpu.pipeline_mode<synchronous>, transform_indices = @transform_7, window_bounds = array<i64: 1, 10>}, {transform_indices = @transform_8, window_bounds = array<i64: 10, 1024, 10>}, {transform_indices = @transform_9, window_bounds = array<i64: 10, 1024, 10>}]} {
    %get3A = arith.constant 0 : index
    %get3A_0 = arith.constant 0 : index
    %get3A_1 = vector.load %arg2[%get3A, %get3A_0] : memref<32x128xf32, #tpu.memory_space<vmem>>, vector<32x128xf32>
    %reduce_sum3A = arith.constant dense<0.000000e+00> : vector<128xf32>
    %reduce_sum3A_2 = vector.multi_reduction <add>, %get3A_1, %reduce_sum3A [0] : vector<32x128xf32> to vector<128xf32>
    %broadcast_in_dim3A = vector.shape_cast %reduce_sum3A_2 : vector<128xf32> to vector<1x128xf32>
    %div3A = arith.constant 2.007050e+05 : f32
    %div3A_3 = vector.broadcast %div3A : f32 to vector<1x128xf32>
    %div3A_4 = arith.divf %broadcast_in_dim3A, %div3A_3 : vector<1x128xf32>
    %iota3A = tpu.iota {dimensions = array<i32: 0>} : vector<1024x1xi32>
    %mul3A = arith.constant 1024 : i32
    %mul3A_5 = arith.muli %arg0, %mul3A : i32
    %add3A = vector.broadcast %mul3A_5 : i32 to vector<1024x1xi32>
    %add3A_6 = arith.addi %iota3A, %add3A : vector<1024x1xi32>
    %eq3A = arith.constant 4095 : i32
    %eq3A_7 = vector.broadcast %eq3A : i32 to vector<1024x1xi32>
    %eq3A_8 = arith.cmpi eq, %add3A_6, %eq3A_7 : vector<1024x1xi32>
    %convert_element_type3A = arith.extui %eq3A_8 : vector<1024x1xi1> to vector<1024x1xi32>
    %convert_element_type3A_9 = arith.sitofp %convert_element_type3A : vector<1024x1xi32> to vector<1024x1xf32>
    %get3A_10 = arith.constant 0 : index
    %get3A_11 = arith.constant 0 : index
    %get3A_12 = vector.load %arg1[%get3A_10, %get3A_11] : memref<1024x128xf32, #tpu.memory_space<vmem>>, vector<1024x128xf32>
    %sub3A = arith.constant 1.000000e+00 : f32
    %sub3A_13 = vector.broadcast %sub3A : f32 to vector<1024x1xf32>
    %sub3A_14 = arith.subf %sub3A_13, %convert_element_type3A_9 : vector<1024x1xf32>
    %mul3A_15 = vector.broadcast %sub3A_14 : vector<1024x1xf32> to vector<1024x128xf32>
    %mul3A_16 = arith.mulf %get3A_12, %mul3A_15 : vector<1024x128xf32>
    %mul3A_17 = vector.broadcast %div3A_4 : vector<1x128xf32> to vector<1024x128xf32>
    %mul3A_18 = vector.broadcast %convert_element_type3A_9 : vector<1024x1xf32> to vector<1024x128xf32>
    %mul3A_19 = arith.mulf %mul3A_17, %mul3A_18 : vector<1024x128xf32>
    %add3A_20 = arith.addf %mul3A_16, %mul3A_19 : vector<1024x128xf32>
    %get3A_21 = arith.constant 0 : index
    %get3A_22 = arith.constant 0 : index
    %get3A_23 = vector.load %arg3[%get3A_21, %get3A_22] : memref<128x64xf32, #tpu.memory_space<vmem>>, vector<128x64xf32>
    %dot_general3A = arith.constant dense<0.000000e+00> : vector<1024x64xf32>
    %dot_general3A_24 = tpu.matmul %add3A_20, %get3A_23, %dot_general3A {dimension_numbers = #tpu.dot_dimension_numbers<[1], [0], [0], [1], [0, 0, 1, 1], [], []>, transpose_lhs_hint = false} : vector<1024x128xf32>, vector<128x64xf32>, vector<1024x64xf32> -> vector<1024x64xf32>
    %get3A_25 = arith.constant 0 : index
    %get3A_26 = arith.constant 0 : index
    %get3A_27 = vector.load %arg4[%get3A_25, %get3A_26] : memref<1x64xf32, #tpu.memory_space<vmem>>, vector<1x64xf32>
    %add3A_28 = vector.broadcast %get3A_27 : vector<1x64xf32> to vector<1024x64xf32>
    %add3A_29 = arith.addf %dot_general3A_24, %add3A_28 : vector<1024x64xf32>
    %broadcast_in_dim3A_30 = arith.constant 0.000000e+00 : f32
    %broadcast_in_dim3A_31 = vector.broadcast %broadcast_in_dim3A_30 : f32 to vector<1024x64xf32>
    %broadcast_in_dim3A_32 = arith.constant 0.000000e+00 : f32
    %broadcast_in_dim3A_33 = vector.broadcast %broadcast_in_dim3A_32 : f32 to vector<1024x32xf32>
    %broadcast_in_dim3A_34 = arith.constant 0.000000e+00 : f32
    %broadcast_in_dim3A_35 = vector.broadcast %broadcast_in_dim3A_34 : f32 to vector<1024x10xf32>
    %mul3A_36 = arith.constant 0.949999988 : f32
    %mul3A_37 = vector.broadcast %mul3A_36 : f32 to vector<1024x64xf32>
    %mul3A_38 = arith.mulf %mul3A_37, %broadcast_in_dim3A_31 : vector<1024x64xf32>
    %add3A_39 = arith.addf %mul3A_38, %add3A_29 : vector<1024x64xf32>
    %gt3A = arith.constant 1.000000e+00 : f32
    %gt3A_40 = vector.broadcast %gt3A : f32 to vector<1024x64xf32>
    %gt3A_41 = arith.cmpf ogt, %broadcast_in_dim3A_31, %gt3A_40 : vector<1024x64xf32>
    %convert_element_type3A_42 = arith.extui %gt3A_41 : vector<1024x64xi1> to vector<1024x64xi32>
    %convert_element_type3A_43 = arith.sitofp %convert_element_type3A_42 : vector<1024x64xi32> to vector<1024x64xf32>
    %mul3A_44 = arith.constant 1.000000e+00 : f32
    %mul3A_45 = vector.broadcast %mul3A_44 : f32 to vector<1024x64xf32>
    %mul3A_46 = arith.mulf %convert_element_type3A_43, %mul3A_45 : vector<1024x64xf32>
    %sub3A_47 = arith.subf %add3A_39, %mul3A_46 : vector<1024x64xf32>
    %gt3A_48 = arith.constant 1.000000e+00 : f32
    %gt3A_49 = vector.broadcast %gt3A_48 : f32 to vector<1024x64xf32>
    %gt3A_50 = arith.cmpf ogt, %sub3A_47, %gt3A_49 : vector<1024x64xf32>
    %convert_element_type3A_51 = arith.extui %gt3A_50 : vector<1024x64xi1> to vector<1024x64xi32>
    %convert_element_type3A_52 = arith.sitofp %convert_element_type3A_51 : vector<1024x64xi32> to vector<1024x64xf32>
    %get3A_53 = arith.constant 0 : index
    %get3A_54 = arith.constant 0 : index
    %get3A_55 = vector.load %arg5[%get3A_53, %get3A_54] : memref<64x32xf32, #tpu.memory_space<vmem>>, vector<64x32xf32>
    %dot_general3A_56 = arith.constant dense<0.000000e+00> : vector<1024x32xf32>
    %dot_general3A_57 = tpu.matmul %convert_element_type3A_52, %get3A_55, %dot_general3A_56 {dimension_numbers = #tpu.dot_dimension_numbers<[1], [0], [0], [1], [0, 0, 1, 1], [], []>, transpose_lhs_hint = false} : vector<1024x64xf32>, vector<64x32xf32>, vector<1024x32xf32> -> vector<1024x32xf32>
    %get3A_58 = arith.constant 0 : index
    %get3A_59 = arith.constant 0 : index
    %get3A_60 = vector.load %arg6[%get3A_58, %get3A_59] : memref<1x32xf32, #tpu.memory_space<vmem>>, vector<1x32xf32>
    %add3A_61 = vector.broadcast %get3A_60 : vector<1x32xf32> to vector<1024x32xf32>
    %add3A_62 = arith.addf %dot_general3A_57, %add3A_61 : vector<1024x32xf32>
    %mul3A_63 = arith.constant 0.949999988 : f32
    %mul3A_64 = vector.broadcast %mul3A_63 : f32 to vector<1024x32xf32>
    %mul3A_65 = arith.mulf %mul3A_64, %broadcast_in_dim3A_33 : vector<1024x32xf32>
    %add3A_66 = arith.addf %mul3A_65, %add3A_62 : vector<1024x32xf32>
    %gt3A_67 = arith.constant 1.000000e+00 : f32
    %gt3A_68 = vector.broadcast %gt3A_67 : f32 to vector<1024x32xf32>
    %gt3A_69 = arith.cmpf ogt, %broadcast_in_dim3A_33, %gt3A_68 : vector<1024x32xf32>
    %convert_element_type3A_70 = arith.extui %gt3A_69 : vector<1024x32xi1> to vector<1024x32xi32>
    %convert_element_type3A_71 = arith.sitofp %convert_element_type3A_70 : vector<1024x32xi32> to vector<1024x32xf32>
    %mul3A_72 = arith.constant 1.000000e+00 : f32
    %mul3A_73 = vector.broadcast %mul3A_72 : f32 to vector<1024x32xf32>
    %mul3A_74 = arith.mulf %convert_element_type3A_71, %mul3A_73 : vector<1024x32xf32>
    %sub3A_75 = arith.subf %add3A_66, %mul3A_74 : vector<1024x32xf32>
    %gt3A_76 = arith.constant 1.000000e+00 : f32
    %gt3A_77 = vector.broadcast %gt3A_76 : f32 to vector<1024x32xf32>
    %gt3A_78 = arith.cmpf ogt, %sub3A_75, %gt3A_77 : vector<1024x32xf32>
    %convert_element_type3A_79 = arith.extui %gt3A_78 : vector<1024x32xi1> to vector<1024x32xi32>
    %convert_element_type3A_80 = arith.sitofp %convert_element_type3A_79 : vector<1024x32xi32> to vector<1024x32xf32>
    %get3A_81 = arith.constant 0 : index
    %get3A_82 = arith.constant 0 : index
    %get3A_83 = vector.load %arg7[%get3A_81, %get3A_82] : memref<32x10xf32, #tpu.memory_space<vmem>>, vector<32x10xf32>
    %dot_general3A_84 = arith.constant dense<0.000000e+00> : vector<1024x10xf32>
    %dot_general3A_85 = tpu.matmul %convert_element_type3A_80, %get3A_83, %dot_general3A_84 {dimension_numbers = #tpu.dot_dimension_numbers<[1], [0], [0], [1], [0, 0, 1, 1], [], []>, transpose_lhs_hint = false} : vector<1024x32xf32>, vector<32x10xf32>, vector<1024x10xf32> -> vector<1024x10xf32>
    %get3A_86 = arith.constant 0 : index
    %get3A_87 = arith.constant 0 : index
    %get3A_88 = vector.load %arg8[%get3A_86, %get3A_87] : memref<1x10xf32, #tpu.memory_space<vmem>>, vector<1x10xf32>
    %add3A_89 = vector.broadcast %get3A_88 : vector<1x10xf32> to vector<1024x10xf32>
    %add3A_90 = arith.addf %dot_general3A_85, %add3A_89 : vector<1024x10xf32>
    %mul3A_91 = arith.constant 0.949999988 : f32
    %mul3A_92 = vector.broadcast %mul3A_91 : f32 to vector<1024x10xf32>
    %mul3A_93 = arith.mulf %mul3A_92, %broadcast_in_dim3A_35 : vector<1024x10xf32>
    %add3A_94 = arith.addf %mul3A_93, %add3A_90 : vector<1024x10xf32>
    %gt3A_95 = arith.constant 1.000000e+00 : f32
    %gt3A_96 = vector.broadcast %gt3A_95 : f32 to vector<1024x10xf32>
    %gt3A_97 = arith.cmpf ogt, %broadcast_in_dim3A_35, %gt3A_96 : vector<1024x10xf32>
    %convert_element_type3A_98 = arith.extui %gt3A_97 : vector<1024x10xi1> to vector<1024x10xi32>
    %convert_element_type3A_99 = arith.sitofp %convert_element_type3A_98 : vector<1024x10xi32> to vector<1024x10xf32>
    %mul3A_100 = arith.constant 1.000000e+00 : f32
    %mul3A_101 = vector.broadcast %mul3A_100 : f32 to vector<1024x10xf32>
    %mul3A_102 = arith.mulf %convert_element_type3A_99, %mul3A_101 : vector<1024x10xf32>
    %sub3A_103 = arith.subf %add3A_94, %mul3A_102 : vector<1024x10xf32>
    %gt3A_104 = arith.constant 1.000000e+00 : f32
    %gt3A_105 = vector.broadcast %gt3A_104 : f32 to vector<1024x10xf32>
    %gt3A_106 = arith.cmpf ogt, %sub3A_103, %gt3A_105 : vector<1024x10xf32>
    %convert_element_type3A_107 = arith.extui %gt3A_106 : vector<1024x10xi1> to vector<1024x10xi32>
    %convert_element_type3A_108 = arith.sitofp %convert_element_type3A_107 : vector<1024x10xi32> to vector<1024x10xf32>
    %swap3A = arith.constant 0 : index
    %swap3A_109 = arith.constant 0 : index
    %swap3A_110 = arith.constant 0 : index
    %swap3A_111 = vector.load %arg9[%swap3A, %swap3A_109, %swap3A_110] : memref<10x1024x10xf32, #tpu.memory_space<vmem>>, vector<1x1024x10xf32>
    %swap3A_112 = vector.shape_cast %swap3A_111 : vector<1x1024x10xf32> to vector<1024x10xf32>
    %swap3A_113 = vector.shape_cast %convert_element_type3A_108 : vector<1024x10xf32> to vector<1x1024x10xf32>
    tpu.vector_store %arg9[%swap3A, %swap3A_109, %swap3A_110], %swap3A_113 {strides = array<i32>} : memref<10x1024x10xf32, #tpu.memory_space<vmem>>, vector<1x1024x10xf32>,
    %swap3A_114 = arith.constant 0 : index
    %swap3A_115 = arith.constant 0 : index
    %swap3A_116 = arith.constant 0 : index
    %swap3A_117 = vector.load %arg10[%swap3A_114, %swap3A_115, %swap3A_116] : memref<10x1024x10xf32, #tpu.memory_space<vmem>>, vector<1x1024x10xf32>
    %swap3A_118 = vector.shape_cast %swap3A_117 : vector<1x1024x10xf32> to vector<1024x10xf32>
    %swap3A_119 = vector.shape_cast %sub3A_103 : vector<1024x10xf32> to vector<1x1024x10xf32>
    tpu.vector_store %arg10[%swap3A_114, %swap3A_115, %swap3A_116], %swap3A_119 {strides = array<i32>} : memref<10x1024x10xf32, #tpu.memory_space<vmem>>, vector<1x1024x10xf32>,
    %mul3A_120 = arith.constant 0.949999988 : f32
    %mul3A_121 = vector.broadcast %mul3A_120 : f32 to vector<1024x64xf32>
    %mul3A_122 = arith.mulf %mul3A_121, %sub3A_47 : vector<1024x64xf32>
    %add3A_123 = arith.addf %mul3A_122, %add3A_29 : vector<1024x64xf32>
    %gt3A_124 = arith.constant 1.000000e+00 : f32
    %gt3A_125 = vector.broadcast %gt3A_124 : f32 to vector<1024x64xf32>
    %gt3A_126 = arith.cmpf ogt, %sub3A_47, %gt3A_125 : vector<1024x64xf32>
    %convert_element_type3A_127 = arith.extui %gt3A_126 : vector<1024x64xi1> to vector<1024x64xi32>
    %convert_element_type3A_128 = arith.sitofp %convert_element_type3A_127 : vector<1024x64xi32> to vector<1024x64xf32>
    %mul3A_129 = arith.constant 1.000000e+00 : f32
    %mul3A_130 = vector.broadcast %mul3A_129 : f32 to vector<1024x64xf32>
    %mul3A_131 = arith.mulf %convert_element_type3A_128, %mul3A_130 : vector<1024x64xf32>
    %sub3A_132 = arith.subf %add3A_123, %mul3A_131 : vector<1024x64xf32>
    %gt3A_133 = arith.constant 1.000000e+00 : f32
    %gt3A_134 = vector.broadcast %gt3A_133 : f32 to vector<1024x64xf32>
    %gt3A_135 = arith.cmpf ogt, %sub3A_132, %gt3A_134 : vector<1024x64xf32>
    %convert_element_type3A_136 = arith.extui %gt3A_135 : vector<1024x64xi1> to vector<1024x64xi32>
    %convert_element_type3A_137 = arith.sitofp %convert_element_type3A_136 : vector<1024x64xi32> to vector<1024x64xf32>
    %get3A_138 = arith.constant 0 : index
    %get3A_139 = arith.constant 0 : index
    %get3A_140 = vector.load %arg5[%get3A_138, %get3A_139] : memref<64x32xf32, #tpu.memory_space<vmem>>, vector<64x32xf32>
    %dot_general3A_141 = arith.constant dense<0.000000e+00> : vector<1024x32xf32>
    %dot_general3A_142 = tpu.matmul %convert_element_type3A_137, %get3A_140, %dot_general3A_141 {dimension_numbers = #tpu.dot_dimension_numbers<[1], [0], [0], [1], [0, 0, 1, 1], [], []>, transpose_lhs_hint = false} : vector<1024x64xf32>, vector<64x32xf32>, vector<1024x32xf32> -> vector<1024x32xf32>
    %get3A_143 = arith.constant 0 : index
    %get3A_144 = arith.constant 0 : index
    %get3A_145 = vector.load %arg6[%get3A_143, %get3A_144] : memref<1x32xf32, #tpu.memory_space<vmem>>, vector<1x32xf32>
    %add3A_146 = vector.broadcast %get3A_145 : vector<1x32xf32> to vector<1024x32xf32>
    %add3A_147 = arith.addf %dot_general3A_142, %add3A_146 : vector<1024x32xf32>
    %mul3A_148 = arith.constant 0.949999988 : f32
    %mul3A_149 = vector.broadcast %mul3A_148 : f32 to vector<1024x32xf32>
    %mul3A_150 = arith.mulf %mul3A_149, %sub3A_75 : vector<1024x32xf32>
    %add3A_151 = arith.addf %mul3A_150, %add3A_147 : vector<1024x32xf32>
    %gt3A_152 = arith.constant 1.000000e+00 : f32
    %gt3A_153 = vector.broadcast %gt3A_152 : f32 to vector<1024x32xf32>
    %gt3A_154 = arith.cmpf ogt, %sub3A_75, %gt3A_153 : vector<1024x32xf32>
    %convert_element_type3A_155 = arith.extui %gt3A_154 : vector<1024x32xi1> to vector<1024x32xi32>
    %convert_element_type3A_156 = arith.sitofp %convert_element_type3A_155 : vector<1024x32xi32> to vector<1024x32xf32>
    %mul3A_157 = arith.constant 1.000000e+00 : f32
    %mul3A_158 = vector.broadcast %mul3A_157 : f32 to vector<1024x32xf32>
    %mul3A_159 = arith.mulf %convert_element_type3A_156, %mul3A_158 : vector<1024x32xf32>
    %sub3A_160 = arith.subf %add3A_151, %mul3A_159 : vector<1024x32xf32>
    %gt3A_161 = arith.constant 1.000000e+00 : f32
    %gt3A_162 = vector.broadcast %gt3A_161 : f32 to vector<1024x32xf32>
    %gt3A_163 = arith.cmpf ogt, %sub3A_160, %gt3A_162 : vector<1024x32xf32>
    %convert_element_type3A_164 = arith.extui %gt3A_163 : vector<1024x32xi1> to vector<1024x32xi32>
    %convert_element_type3A_165 = arith.sitofp %convert_element_type3A_164 : vector<1024x32xi32> to vector<1024x32xf32>
    %get3A_166 = arith.constant 0 : index
    %get3A_167 = arith.constant 0 : index
    %get3A_168 = vector.load %arg7[%get3A_166, %get3A_167] : memref<32x10xf32, #tpu.memory_space<vmem>>, vector<32x10xf32>
    %dot_general3A_169 = arith.constant dense<0.000000e+00> : vector<1024x10xf32>
    %dot_general3A_170 = tpu.matmul %convert_element_type3A_165, %get3A_168, %dot_general3A_169 {dimension_numbers = #tpu.dot_dimension_numbers<[1], [0], [0], [1], [0, 0, 1, 1], [], []>, transpose_lhs_hint = false} : vector<1024x32xf32>, vector<32x10xf32>, vector<1024x10xf32> -> vector<1024x10xf32>
    %get3A_171 = arith.constant 0 : index
    %get3A_172 = arith.constant 0 : index
    %get3A_173 = vector.load %arg8[%get3A_171, %get3A_172] : memref<1x10xf32, #tpu.memory_space<vmem>>, vector<1x10xf32>
    %add3A_174 = vector.broadcast %get3A_173 : vector<1x10xf32> to vector<1024x10xf32>
    %add3A_175 = arith.addf %dot_general3A_170, %add3A_174 : vector<1024x10xf32>
    %mul3A_176 = arith.constant 0.949999988 : f32
    %mul3A_177 = vector.broadcast %mul3A_176 : f32 to vector<1024x10xf32>
    %mul3A_178 = arith.mulf %mul3A_177, %sub3A_103 : vector<1024x10xf32>
    %add3A_179 = arith.addf %mul3A_178, %add3A_175 : vector<1024x10xf32>
    %gt3A_180 = arith.constant 1.000000e+00 : f32
    %gt3A_181 = vector.broadcast %gt3A_180 : f32 to vector<1024x10xf32>
    %gt3A_182 = arith.cmpf ogt, %sub3A_103, %gt3A_181 : vector<1024x10xf32>
    %convert_element_type3A_183 = arith.extui %gt3A_182 : vector<1024x10xi1> to vector<1024x10xi32>
    %convert_element_type3A_184 = arith.sitofp %convert_element_type3A_183 : vector<1024x10xi32> to vector<1024x10xf32>
    %mul3A_185 = arith.constant 1.000000e+00 : f32
    %mul3A_186 = vector.broadcast %mul3A_185 : f32 to vector<1024x10xf32>
    %mul3A_187 = arith.mulf %convert_element_type3A_184, %mul3A_186 : vector<1024x10xf32>
    %sub3A_188 = arith.subf %add3A_179, %mul3A_187 : vector<1024x10xf32>
    %gt3A_189 = arith.constant 1.000000e+00 : f32
    %gt3A_190 = vector.broadcast %gt3A_189 : f32 to vector<1024x10xf32>
    %gt3A_191 = arith.cmpf ogt, %sub3A_188, %gt3A_190 : vector<1024x10xf32>
    %convert_element_type3A_192 = arith.extui %gt3A_191 : vector<1024x10xi1> to vector<1024x10xi32>
    %convert_element_type3A_193 = arith.sitofp %convert_element_type3A_192 : vector<1024x10xi32> to vector<1024x10xf32>
    %swap3A_194 = arith.constant 1 : index
    %swap3A_195 = arith.constant 0 : index
    %swap3A_196 = arith.constant 0 : index
    %swap3A_197 = vector.load %arg9[%swap3A_194, %swap3A_195, %swap3A_196] : memref<10x1024x10xf32, #tpu.memory_space<vmem>>, vector<1x1024x10xf32>
    %swap3A_198 = vector.shape_cast %swap3A_197 : vector<1x1024x10xf32> to vector<1024x10xf32>
    %swap3A_199 = vector.shape_cast %convert_element_type3A_193 : vector<1024x10xf32> to vector<1x1024x10xf32>
    tpu.vector_store %arg9[%swap3A_194, %swap3A_195, %swap3A_196], %swap3A_199 {strides = array<i32>} : memref<10x1024x10xf32, #tpu.memory_space<vmem>>, vector<1x1024x10xf32>,
    %swap3A_200 = arith.constant 1 : index
    %swap3A_201 = arith.constant 0 : index
    %swap3A_202 = arith.constant 0 : index
    %swap3A_203 = vector.load %arg10[%swap3A_200, %swap3A_201, %swap3A_202] : memref<10x1024x10xf32, #tpu.memory_space<vmem>>, vector<1x1024x10xf32>
    %swap3A_204 = vector.shape_cast %swap3A_203 : vector<1x1024x10xf32> to vector<1024x10xf32>
    %swap3A_205 = vector.shape_cast %sub3A_188 : vector<1024x10xf32> to vector<1x1024x10xf32>
    tpu.vector_store %arg10[%swap3A_200, %swap3A_201, %swap3A_202], %swap3A_205 {strides = array<i32>} : memref<10x1024x10xf32, #tpu.memory_space<vmem>>, vector<1x1024x10xf32>,
    %mul3A_206 = arith.constant 0.949999988 : f32
    %mul3A_207 = vector.broadcast %mul3A_206 : f32 to vector<1024x64xf32>
    %mul3A_208 = arith.mulf %mul3A_207, %sub3A_132 : vector<1024x64xf32>
    %add3A_209 = arith.addf %mul3A_208, %add3A_29 : vector<1024x64xf32>
    %gt3A_210 = arith.constant 1.000000e+00 : f32
    %gt3A_211 = vector.broadcast %gt3A_210 : f32 to vector<1024x64xf32>
    %gt3A_212 = arith.cmpf ogt, %sub3A_132, %gt3A_211 : vector<1024x64xf32>
    %convert_element_type3A_213 = arith.extui %gt3A_212 : vector<1024x64xi1> to vector<1024x64xi32>
    %convert_element_type3A_214 = arith.sitofp %convert_element_type3A_213 : vector<1024x64xi32> to vector<1024x64xf32>
    %mul3A_215 = arith.constant 1.000000e+00 : f32
    %mul3A_216 = vector.broadcast %mul3A_215 : f32 to vector<1024x64xf32>
    %mul3A_217 = arith.mulf %convert_element_type3A_214, %mul3A_216 : vector<1024x64xf32>
    %sub3A_218 = arith.subf %add3A_209, %mul3A_217 : vector<1024x64xf32>
    %gt3A_219 = arith.constant 1.000000e+00 : f32
    %gt3A_220 = vector.broadcast %gt3A_219 : f32 to vector<1024x64xf32>
    %gt3A_221 = arith.cmpf ogt, %sub3A_218, %gt3A_220 : vector<1024x64xf32>
    %convert_element_type3A_222 = arith.extui %gt3A_221 : vector<1024x64xi1> to vector<1024x64xi32>
    %convert_element_type3A_223 = arith.sitofp %convert_element_type3A_222 : vector<1024x64xi32> to vector<1024x64xf32>
    %get3A_224 = arith.constant 0 : index
    %get3A_225 = arith.constant 0 : index
    %get3A_226 = vector.load %arg5[%get3A_224, %get3A_225] : memref<64x32xf32, #tpu.memory_space<vmem>>, vector<64x32xf32>
    %dot_general3A_227 = arith.constant dense<0.000000e+00> : vector<1024x32xf32>
    %dot_general3A_228 = tpu.matmul %convert_element_type3A_223, %get3A_226, %dot_general3A_227 {dimension_numbers = #tpu.dot_dimension_numbers<[1], [0], [0], [1], [0, 0, 1, 1], [], []>, transpose_lhs_hint = false} : vector<1024x64xf32>, vector<64x32xf32>, vector<1024x32xf32> -> vector<1024x32xf32>
    %get3A_229 = arith.constant 0 : index
    %get3A_230 = arith.constant 0 : index
    %get3A_231 = vector.load %arg6[%get3A_229, %get3A_230] : memref<1x32xf32, #tpu.memory_space<vmem>>, vector<1x32xf32>
    %add3A_232 = vector.broadcast %get3A_231 : vector<1x32xf32> to vector<1024x32xf32>
    %add3A_233 = arith.addf %dot_general3A_228, %add3A_232 : vector<1024x32xf32>
    %mul3A_234 = arith.constant 0.949999988 : f32
    %mul3A_235 = vector.broadcast %mul3A_234 : f32 to vector<1024x32xf32>
    %mul3A_236 = arith.mulf %mul3A_235, %sub3A_160 : vector<1024x32xf32>
    %add3A_237 = arith.addf %mul3A_236, %add3A_233 : vector<1024x32xf32>
    %gt3A_238 = arith.constant 1.000000e+00 : f32
    %gt3A_239 = vector.broadcast %gt3A_238 : f32 to vector<1024x32xf32>
    %gt3A_240 = arith.cmpf ogt, %sub3A_160, %gt3A_239 : vector<1024x32xf32>
    %convert_element_type3A_241 = arith.extui %gt3A_240 : vector<1024x32xi1> to vector<1024x32xi32>
    %convert_element_type3A_242 = arith.sitofp %convert_element_type3A_241 : vector<1024x32xi32> to vector<1024x32xf32>
    %mul3A_243 = arith.constant 1.000000e+00 : f32
    %mul3A_244 = vector.broadcast %mul3A_243 : f32 to vector<1024x32xf32>
    %mul3A_245 = arith.mulf %convert_element_type3A_242, %mul3A_244 : vector<1024x32xf32>
    %sub3A_246 = arith.subf %add3A_237, %mul3A_245 : vector<1024x32xf32>
    %gt3A_247 = arith.constant 1.000000e+00 : f32
    %gt3A_248 = vector.broadcast %gt3A_247 : f32 to vector<1024x32xf32>
    %gt3A_249 = arith.cmpf ogt, %sub3A_246, %gt3A_248 : vector<1024x32xf32>
    %convert_element_type3A_250 = arith.extui %gt3A_249 : vector<1024x32xi1> to vector<1024x32xi32>
    %convert_element_type3A_251 = arith.sitofp %convert_element_type3A_250 : vector<1024x32xi32> to vector<1024x32xf32>
    %get3A_252 = arith.constant 0 : index
    %get3A_253 = arith.constant 0 : index
    %get3A_254 = vector.load %arg7[%get3A_252, %get3A_253] : memref<32x10xf32, #tpu.memory_space<vmem>>, vector<32x10xf32>
    %dot_general3A_255 = arith.constant dense<0.000000e+00> : vector<1024x10xf32>
    %dot_general3A_256 = tpu.matmul %convert_element_type3A_251, %get3A_254, %dot_general3A_255 {dimension_numbers = #tpu.dot_dimension_numbers<[1], [0], [0], [1], [0, 0, 1, 1], [], []>, transpose_lhs_hint = false} : vector<1024x32xf32>, vector<32x10xf32>, vector<1024x10xf32> -> vector<1024x10xf32>
    %get3A_257 = arith.constant 0 : index
    %get3A_258 = arith.constant 0 : index
    %get3A_259 = vector.load %arg8[%get3A_257, %get3A_258] : memref<1x10xf32, #tpu.memory_space<vmem>>, vector<1x10xf32>
    %add3A_260 = vector.broadcast %get3A_259 : vector<1x10xf32> to vector<1024x10xf32>
    %add3A_261 = arith.addf %dot_general3A_256, %add3A_260 : vector<1024x10xf32>
    %mul3A_262 = arith.constant 0.949999988 : f32
    %mul3A_263 = vector.broadcast %mul3A_262 : f32 to vector<1024x10xf32>
    %mul3A_264 = arith.mulf %mul3A_263, %sub3A_188 : vector<1024x10xf32>
    %add3A_265 = arith.addf %mul3A_264, %add3A_261 : vector<1024x10xf32>
    %gt3A_266 = arith.constant 1.000000e+00 : f32
    %gt3A_267 = vector.broadcast %gt3A_266 : f32 to vector<1024x10xf32>
    %gt3A_268 = arith.cmpf ogt, %sub3A_188, %gt3A_267 : vector<1024x10xf32>
    %convert_element_type3A_269 = arith.extui %gt3A_268 : vector<1024x10xi1> to vector<1024x10xi32>
    %convert_element_type3A_270 = arith.sitofp %convert_element_type3A_269 : vector<1024x10xi32> to vector<1024x10xf32>
    %mul3A_271 = arith.constant 1.000000e+00 : f32
    %mul3A_272 = vector.broadcast %mul3A_271 : f32 to vector<1024x10xf32>
    %mul3A_273 = arith.mulf %convert_element_type3A_270, %mul3A_272 : vector<1024x10xf32>
    %sub3A_274 = arith.subf %add3A_265, %mul3A_273 : vector<1024x10xf32>
    %gt3A_275 = arith.constant 1.000000e+00 : f32
    %gt3A_276 = vector.broadcast %gt3A_275 : f32 to vector<1024x10xf32>
    %gt3A_277 = arith.cmpf ogt, %sub3A_274, %gt3A_276 : vector<1024x10xf32>
    %convert_element_type3A_278 = arith.extui %gt3A_277 : vector<1024x10xi1> to vector<1024x10xi32>
    %convert_element_type3A_279 = arith.sitofp %convert_element_type3A_278 : vector<1024x10xi32> to vector<1024x10xf32>
    %swap3A_280 = arith.constant 2 : index
    %swap3A_281 = arith.constant 0 : index
    %swap3A_282 = arith.constant 0 : index
    %swap3A_283 = vector.load %arg9[%swap3A_280, %swap3A_281, %swap3A_282] : memref<10x1024x10xf32, #tpu.memory_space<vmem>>, vector<1x1024x10xf32>
    %swap3A_284 = vector.shape_cast %swap3A_283 : vector<1x1024x10xf32> to vector<1024x10xf32>
    %swap3A_285 = vector.shape_cast %convert_element_type3A_279 : vector<1024x10xf32> to vector<1x1024x10xf32>
    tpu.vector_store %arg9[%swap3A_280, %swap3A_281, %swap3A_282], %swap3A_285 {strides = array<i32>} : memref<10x1024x10xf32, #tpu.memory_space<vmem>>, vector<1x1024x10xf32>,
    %swap3A_286 = arith.constant 2 : index
    %swap3A_287 = arith.constant 0 : index
    %swap3A_288 = arith.constant 0 : index
    %swap3A_289 = vector.load %arg10[%swap3A_286, %swap3A_287, %swap3A_288] : memref<10x1024x10xf32, #tpu.memory_space<vmem>>, vector<1x1024x10xf32>
    %swap3A_290 = vector.shape_cast %swap3A_289 : vector<1x1024x10xf32> to vector<1024x10xf32>
    %swap3A_291 = vector.shape_cast %sub3A_274 : vector<1024x10xf32> to vector<1x1024x10xf32>
    tpu.vector_store %arg10[%swap3A_286, %swap3A_287, %swap3A_288], %swap3A_291 {strides = array<i32>} : memref<10x1024x10xf32, #tpu.memory_space<vmem>>, vector<1x1024x10xf32>,
    %mul3A_292 = arith.constant 0.949999988 : f32
    %mul3A_293 = vector.broadcast %mul3A_292 : f32 to vector<1024x64xf32>
    %mul3A_294 = arith.mulf %mul3A_293, %sub3A_218 : vector<1024x64xf32>
    %add3A_295 = arith.addf %mul3A_294, %add3A_29 : vector<1024x64xf32>
    %gt3A_296 = arith.constant 1.000000e+00 : f32
    %gt3A_297 = vector.broadcast %gt3A_296 : f32 to vector<1024x64xf32>
    %gt3A_298 = arith.cmpf ogt, %sub3A_218, %gt3A_297 : vector<1024x64xf32>
    %convert_element_type3A_299 = arith.extui %gt3A_298 : vector<1024x64xi1> to vector<1024x64xi32>
    %convert_element_type3A_300 = arith.sitofp %convert_element_type3A_299 : vector<1024x64xi32> to vector<1024x64xf32>
    %mul3A_301 = arith.constant 1.000000e+00 : f32
    %mul3A_302 = vector.broadcast %mul3A_301 : f32 to vector<1024x64xf32>
    %mul3A_303 = arith.mulf %convert_element_type3A_300, %mul3A_302 : vector<1024x64xf32>
    %sub3A_304 = arith.subf %add3A_295, %mul3A_303 : vector<1024x64xf32>
    %gt3A_305 = arith.constant 1.000000e+00 : f32
    %gt3A_306 = vector.broadcast %gt3A_305 : f32 to vector<1024x64xf32>
    %gt3A_307 = arith.cmpf ogt, %sub3A_304, %gt3A_306 : vector<1024x64xf32>
    %convert_element_type3A_308 = arith.extui %gt3A_307 : vector<1024x64xi1> to vector<1024x64xi32>
    %convert_element_type3A_309 = arith.sitofp %convert_element_type3A_308 : vector<1024x64xi32> to vector<1024x64xf32>
    %get3A_310 = arith.constant 0 : index
    %get3A_311 = arith.constant 0 : index
    %get3A_312 = vector.load %arg5[%get3A_310, %get3A_311] : memref<64x32xf32, #tpu.memory_space<vmem>>, vector<64x32xf32>
    %dot_general3A_313 = arith.constant dense<0.000000e+00> : vector<1024x32xf32>
    %dot_general3A_314 = tpu.matmul %convert_element_type3A_309, %get3A_312, %dot_general3A_313 {dimension_numbers = #tpu.dot_dimension_numbers<[1], [0], [0], [1], [0, 0, 1, 1], [], []>, transpose_lhs_hint = false} : vector<1024x64xf32>, vector<64x32xf32>, vector<1024x32xf32> -> vector<1024x32xf32>
    %get3A_315 = arith.constant 0 : index
    %get3A_316 = arith.constant 0 : index
    %get3A_317 = vector.load %arg6[%get3A_315, %get3A_316] : memref<1x32xf32, #tpu.memory_space<vmem>>, vector<1x32xf32>
    %add3A_318 = vector.broadcast %get3A_317 : vector<1x32xf32> to vector<1024x32xf32>
    %add3A_319 = arith.addf %dot_general3A_314, %add3A_318 : vector<1024x32xf32>
    %mul3A_320 = arith.constant 0.949999988 : f32
    %mul3A_321 = vector.broadcast %mul3A_320 : f32 to vector<1024x32xf32>
    %mul3A_322 = arith.mulf %mul3A_321, %sub3A_246 : vector<1024x32xf32>
    %add3A_323 = arith.addf %mul3A_322, %add3A_319 : vector<1024x32xf32>
    %gt3A_324 = arith.constant 1.000000e+00 : f32
    %gt3A_325 = vector.broadcast %gt3A_324 : f32 to vector<1024x32xf32>
    %gt3A_326 = arith.cmpf ogt, %sub3A_246, %gt3A_325 : vector<1024x32xf32>
    %convert_element_type3A_327 = arith.extui %gt3A_326 : vector<1024x32xi1> to vector<1024x32xi32>
    %convert_element_type3A_328 = arith.sitofp %convert_element_type3A_327 : vector<1024x32xi32> to vector<1024x32xf32>
    %mul3A_329 = arith.constant 1.000000e+00 : f32
    %mul3A_330 = vector.broadcast %mul3A_329 : f32 to vector<1024x32xf32>
    %mul3A_331 = arith.mulf %convert_element_type3A_328, %mul3A_330 : vector<1024x32xf32>
    %sub3A_332 = arith.subf %add3A_323, %mul3A_331 : vector<1024x32xf32>
    %gt3A_333 = arith.constant 1.000000e+00 : f32
    %gt3A_334 = vector.broadcast %gt3A_333 : f32 to vector<1024x32xf32>
    %gt3A_335 = arith.cmpf ogt, %sub3A_332, %gt3A_334 : vector<1024x32xf32>
    %convert_element_type3A_336 = arith.extui %gt3A_335 : vector<1024x32xi1> to vector<1024x32xi32>
    %convert_element_type3A_337 = arith.sitofp %convert_element_type3A_336 : vector<1024x32xi32> to vector<1024x32xf32>
    %get3A_338 = arith.constant 0 : index
    %get3A_339 = arith.constant 0 : index
    %get3A_340 = vector.load %arg7[%get3A_338, %get3A_339] : memref<32x10xf32, #tpu.memory_space<vmem>>, vector<32x10xf32>
    %dot_general3A_341 = arith.constant dense<0.000000e+00> : vector<1024x10xf32>
    %dot_general3A_342 = tpu.matmul %convert_element_type3A_337, %get3A_340, %dot_general3A_341 {dimension_numbers = #tpu.dot_dimension_numbers<[1], [0], [0], [1], [0, 0, 1, 1], [], []>, transpose_lhs_hint = false} : vector<1024x32xf32>, vector<32x10xf32>, vector<1024x10xf32> -> vector<1024x10xf32>
    %get3A_343 = arith.constant 0 : index
    %get3A_344 = arith.constant 0 : index
    %get3A_345 = vector.load %arg8[%get3A_343, %get3A_344] : memref<1x10xf32, #tpu.memory_space<vmem>>, vector<1x10xf32>
    %add3A_346 = vector.broadcast %get3A_345 : vector<1x10xf32> to vector<1024x10xf32>
    %add3A_347 = arith.addf %dot_general3A_342, %add3A_346 : vector<1024x10xf32>
    %mul3A_348 = arith.constant 0.949999988 : f32
    %mul3A_349 = vector.broadcast %mul3A_348 : f32 to vector<1024x10xf32>
    %mul3A_350 = arith.mulf %mul3A_349, %sub3A_274 : vector<1024x10xf32>
    %add3A_351 = arith.addf %mul3A_350, %add3A_347 : vector<1024x10xf32>
    %gt3A_352 = arith.constant 1.000000e+00 : f32
    %gt3A_353 = vector.broadcast %gt3A_352 : f32 to vector<1024x10xf32>
    %gt3A_354 = arith.cmpf ogt, %sub3A_274, %gt3A_353 : vector<1024x10xf32>
    %convert_element_type3A_355 = arith.extui %gt3A_354 : vector<1024x10xi1> to vector<1024x10xi32>
    %convert_element_type3A_356 = arith.sitofp %convert_element_type3A_355 : vector<1024x10xi32> to vector<1024x10xf32>
    %mul3A_357 = arith.constant 1.000000e+00 : f32
    %mul3A_358 = vector.broadcast %mul3A_357 : f32 to vector<1024x10xf32>
    %mul3A_359 = arith.mulf %convert_element_type3A_356, %mul3A_358 : vector<1024x10xf32>
    %sub3A_360 = arith.subf %add3A_351, %mul3A_359 : vector<1024x10xf32>
    %gt3A_361 = arith.constant 1.000000e+00 : f32
    %gt3A_362 = vector.broadcast %gt3A_361 : f32 to vector<1024x10xf32>
    %gt3A_363 = arith.cmpf ogt, %sub3A_360, %gt3A_362 : vector<1024x10xf32>
    %convert_element_type3A_364 = arith.extui %gt3A_363 : vector<1024x10xi1> to vector<1024x10xi32>
    %convert_element_type3A_365 = arith.sitofp %convert_element_type3A_364 : vector<1024x10xi32> to vector<1024x10xf32>
    %swap3A_366 = arith.constant 3 : index
    %swap3A_367 = arith.constant 0 : index
    %swap3A_368 = arith.constant 0 : index
    %swap3A_369 = vector.load %arg9[%swap3A_366, %swap3A_367, %swap3A_368] : memref<10x1024x10xf32, #tpu.memory_space<vmem>>, vector<1x1024x10xf32>
    %swap3A_370 = vector.shape_cast %swap3A_369 : vector<1x1024x10xf32> to vector<1024x10xf32>
    %swap3A_371 = vector.shape_cast %convert_element_type3A_365 : vector<1024x10xf32> to vector<1x1024x10xf32>
    tpu.vector_store %arg9[%swap3A_366, %swap3A_367, %swap3A_368], %swap3A_371 {strides = array<i32>} : memref<10x1024x10xf32, #tpu.memory_space<vmem>>, vector<1x1024x10xf32>,
    %swap3A_372 = arith.constant 3 : index
    %swap3A_373 = arith.constant 0 : index
    %swap3A_374 = arith.constant 0 : index
    %swap3A_375 = vector.load %arg10[%swap3A_372, %swap3A_373, %swap3A_374] : memref<10x1024x10xf32, #tpu.memory_space<vmem>>, vector<1x1024x10xf32>
    %swap3A_376 = vector.shape_cast %swap3A_375 : vector<1x1024x10xf32> to vector<1024x10xf32>
    %swap3A_377 = vector.shape_cast %sub3A_360 : vector<1024x10xf32> to vector<1x1024x10xf32>
    tpu.vector_store %arg10[%swap3A_372, %swap3A_373, %swap3A_374], %swap3A_377 {strides = array<i32>} : memref<10x1024x10xf32, #tpu.memory_space<vmem>>, vector<1x1024x10xf32>,
    %mul3A_378 = arith.constant 0.949999988 : f32
    %mul3A_379 = vector.broadcast %mul3A_378 : f32 to vector<1024x64xf32>
    %mul3A_380 = arith.mulf %mul3A_379, %sub3A_304 : vector<1024x64xf32>
    %add3A_381 = arith.addf %mul3A_380, %add3A_29 : vector<1024x64xf32>
    %gt3A_382 = arith.constant 1.000000e+00 : f32
    %gt3A_383 = vector.broadcast %gt3A_382 : f32 to vector<1024x64xf32>
    %gt3A_384 = arith.cmpf ogt, %sub3A_304, %gt3A_383 : vector<1024x64xf32>
    %convert_element_type3A_385 = arith.extui %gt3A_384 : vector<1024x64xi1> to vector<1024x64xi32>
    %convert_element_type3A_386 = arith.sitofp %convert_element_type3A_385 : vector<1024x64xi32> to vector<1024x64xf32>
    %mul3A_387 = arith.constant 1.000000e+00 : f32
    %mul3A_388 = vector.broadcast %mul3A_387 : f32 to vector<1024x64xf32>
    %mul3A_389 = arith.mulf %convert_element_type3A_386, %mul3A_388 : vector<1024x64xf32>
    %sub3A_390 = arith.subf %add3A_381, %mul3A_389 : vector<1024x64xf32>
    %gt3A_391 = arith.constant 1.000000e+00 : f32
    %gt3A_392 = vector.broadcast %gt3A_391 : f32 to vector<1024x64xf32>
    %gt3A_393 = arith.cmpf ogt, %sub3A_390, %gt3A_392 : vector<1024x64xf32>
    %convert_element_type3A_394 = arith.extui %gt3A_393 : vector<1024x64xi1> to vector<1024x64xi32>
    %convert_element_type3A_395 = arith.sitofp %convert_element_type3A_394 : vector<1024x64xi32> to vector<1024x64xf32>
    %get3A_396 = arith.constant 0 : index
    %get3A_397 = arith.constant 0 : index
    %get3A_398 = vector.load %arg5[%get3A_396, %get3A_397] : memref<64x32xf32, #tpu.memory_space<vmem>>, vector<64x32xf32>
    %dot_general3A_399 = arith.constant dense<0.000000e+00> : vector<1024x32xf32>
    %dot_general3A_400 = tpu.matmul %convert_element_type3A_395, %get3A_398, %dot_general3A_399 {dimension_numbers = #tpu.dot_dimension_numbers<[1], [0], [0], [1], [0, 0, 1, 1], [], []>, transpose_lhs_hint = false} : vector<1024x64xf32>, vector<64x32xf32>, vector<1024x32xf32> -> vector<1024x32xf32>
    %get3A_401 = arith.constant 0 : index
    %get3A_402 = arith.constant 0 : index
    %get3A_403 = vector.load %arg6[%get3A_401, %get3A_402] : memref<1x32xf32, #tpu.memory_space<vmem>>, vector<1x32xf32>
    %add3A_404 = vector.broadcast %get3A_403 : vector<1x32xf32> to vector<1024x32xf32>
    %add3A_405 = arith.addf %dot_general3A_400, %add3A_404 : vector<1024x32xf32>
    %mul3A_406 = arith.constant 0.949999988 : f32
    %mul3A_407 = vector.broadcast %mul3A_406 : f32 to vector<1024x32xf32>
    %mul3A_408 = arith.mulf %mul3A_407, %sub3A_332 : vector<1024x32xf32>
    %add3A_409 = arith.addf %mul3A_408, %add3A_405 : vector<1024x32xf32>
    %gt3A_410 = arith.constant 1.000000e+00 : f32
    %gt3A_411 = vector.broadcast %gt3A_410 : f32 to vector<1024x32xf32>
    %gt3A_412 = arith.cmpf ogt, %sub3A_332, %gt3A_411 : vector<1024x32xf32>
    %convert_element_type3A_413 = arith.extui %gt3A_412 : vector<1024x32xi1> to vector<1024x32xi32>
    %convert_element_type3A_414 = arith.sitofp %convert_element_type3A_413 : vector<1024x32xi32> to vector<1024x32xf32>
    %mul3A_415 = arith.constant 1.000000e+00 : f32
    %mul3A_416 = vector.broadcast %mul3A_415 : f32 to vector<1024x32xf32>
    %mul3A_417 = arith.mulf %convert_element_type3A_414, %mul3A_416 : vector<1024x32xf32>
    %sub3A_418 = arith.subf %add3A_409, %mul3A_417 : vector<1024x32xf32>
    %gt3A_419 = arith.constant 1.000000e+00 : f32
    %gt3A_420 = vector.broadcast %gt3A_419 : f32 to vector<1024x32xf32>
    %gt3A_421 = arith.cmpf ogt, %sub3A_418, %gt3A_420 : vector<1024x32xf32>
    %convert_element_type3A_422 = arith.extui %gt3A_421 : vector<1024x32xi1> to vector<1024x32xi32>
    %convert_element_type3A_423 = arith.sitofp %convert_element_type3A_422 : vector<1024x32xi32> to vector<1024x32xf32>
    %get3A_424 = arith.constant 0 : index
    %get3A_425 = arith.constant 0 : index
    %get3A_426 = vector.load %arg7[%get3A_424, %get3A_425] : memref<32x10xf32, #tpu.memory_space<vmem>>, vector<32x10xf32>
    %dot_general3A_427 = arith.constant dense<0.000000e+00> : vector<1024x10xf32>
    %dot_general3A_428 = tpu.matmul %convert_element_type3A_423, %get3A_426, %dot_general3A_427 {dimension_numbers = #tpu.dot_dimension_numbers<[1], [0], [0], [1], [0, 0, 1, 1], [], []>, transpose_lhs_hint = false} : vector<1024x32xf32>, vector<32x10xf32>, vector<1024x10xf32> -> vector<1024x10xf32>
    %get3A_429 = arith.constant 0 : index
    %get3A_430 = arith.constant 0 : index
    %get3A_431 = vector.load %arg8[%get3A_429, %get3A_430] : memref<1x10xf32, #tpu.memory_space<vmem>>, vector<1x10xf32>
    %add3A_432 = vector.broadcast %get3A_431 : vector<1x10xf32> to vector<1024x10xf32>
    %add3A_433 = arith.addf %dot_general3A_428, %add3A_432 : vector<1024x10xf32>
    %mul3A_434 = arith.constant 0.949999988 : f32
    %mul3A_435 = vector.broadcast %mul3A_434 : f32 to vector<1024x10xf32>
    %mul3A_436 = arith.mulf %mul3A_435, %sub3A_360 : vector<1024x10xf32>
    %add3A_437 = arith.addf %mul3A_436, %add3A_433 : vector<1024x10xf32>
    %gt3A_438 = arith.constant 1.000000e+00 : f32
    %gt3A_439 = vector.broadcast %gt3A_438 : f32 to vector<1024x10xf32>
    %gt3A_440 = arith.cmpf ogt, %sub3A_360, %gt3A_439 : vector<1024x10xf32>
    %convert_element_type3A_441 = arith.extui %gt3A_440 : vector<1024x10xi1> to vector<1024x10xi32>
    %convert_element_type3A_442 = arith.sitofp %convert_element_type3A_441 : vector<1024x10xi32> to vector<1024x10xf32>
    %mul3A_443 = arith.constant 1.000000e+00 : f32
    %mul3A_444 = vector.broadcast %mul3A_443 : f32 to vector<1024x10xf32>
    %mul3A_445 = arith.mulf %convert_element_type3A_442, %mul3A_444 : vector<1024x10xf32>
    %sub3A_446 = arith.subf %add3A_437, %mul3A_445 : vector<1024x10xf32>
    %gt3A_447 = arith.constant 1.000000e+00 : f32
    %gt3A_448 = vector.broadcast %gt3A_447 : f32 to vector<1024x10xf32>
    %gt3A_449 = arith.cmpf ogt, %sub3A_446, %gt3A_448 : vector<1024x10xf32>
    %convert_element_type3A_450 = arith.extui %gt3A_449 : vector<1024x10xi1> to vector<1024x10xi32>
    %convert_element_type3A_451 = arith.sitofp %convert_element_type3A_450 : vector<1024x10xi32> to vector<1024x10xf32>
    %swap3A_452 = arith.constant 4 : index
    %swap3A_453 = arith.constant 0 : index
    %swap3A_454 = arith.constant 0 : index
    %swap3A_455 = vector.load %arg9[%swap3A_452, %swap3A_453, %swap3A_454] : memref<10x1024x10xf32, #tpu.memory_space<vmem>>, vector<1x1024x10xf32>
    %swap3A_456 = vector.shape_cast %swap3A_455 : vector<1x1024x10xf32> to vector<1024x10xf32>
    %swap3A_457 = vector.shape_cast %convert_element_type3A_451 : vector<1024x10xf32> to vector<1x1024x10xf32>
    tpu.vector_store %arg9[%swap3A_452, %swap3A_453, %swap3A_454], %swap3A_457 {strides = array<i32>} : memref<10x1024x10xf32, #tpu.memory_space<vmem>>, vector<1x1024x10xf32>,
    %swap3A_458 = arith.constant 4 : index
    %swap3A_459 = arith.constant 0 : index
    %swap3A_460 = arith.constant 0 : index
    %swap3A_461 = vector.load %arg10[%swap3A_458, %swap3A_459, %swap3A_460] : memref<10x1024x10xf32, #tpu.memory_space<vmem>>, vector<1x1024x10xf32>
    %swap3A_462 = vector.shape_cast %swap3A_461 : vector<1x1024x10xf32> to vector<1024x10xf32>
    %swap3A_463 = vector.shape_cast %sub3A_446 : vector<1024x10xf32> to vector<1x1024x10xf32>
    tpu.vector_store %arg10[%swap3A_458, %swap3A_459, %swap3A_460], %swap3A_463 {strides = array<i32>} : memref<10x1024x10xf32, #tpu.memory_space<vmem>>, vector<1x1024x10xf32>,
    %mul3A_464 = arith.constant 0.949999988 : f32
    %mul3A_465 = vector.broadcast %mul3A_464 : f32 to vector<1024x64xf32>
    %mul3A_466 = arith.mulf %mul3A_465, %sub3A_390 : vector<1024x64xf32>
    %add3A_467 = arith.addf %mul3A_466, %add3A_29 : vector<1024x64xf32>
    %gt3A_468 = arith.constant 1.000000e+00 : f32
    %gt3A_469 = vector.broadcast %gt3A_468 : f32 to vector<1024x64xf32>
    %gt3A_470 = arith.cmpf ogt, %sub3A_390, %gt3A_469 : vector<1024x64xf32>
    %convert_element_type3A_471 = arith.extui %gt3A_470 : vector<1024x64xi1> to vector<1024x64xi32>
    %convert_element_type3A_472 = arith.sitofp %convert_element_type3A_471 : vector<1024x64xi32> to vector<1024x64xf32>
    %mul3A_473 = arith.constant 1.000000e+00 : f32
    %mul3A_474 = vector.broadcast %mul3A_473 : f32 to vector<1024x64xf32>
    %mul3A_475 = arith.mulf %convert_element_type3A_472, %mul3A_474 : vector<1024x64xf32>
    %sub3A_476 = arith.subf %add3A_467, %mul3A_475 : vector<1024x64xf32>
    %gt3A_477 = arith.constant 1.000000e+00 : f32
    %gt3A_478 = vector.broadcast %gt3A_477 : f32 to vector<1024x64xf32>
    %gt3A_479 = arith.cmpf ogt, %sub3A_476, %gt3A_478 : vector<1024x64xf32>
    %convert_element_type3A_480 = arith.extui %gt3A_479 : vector<1024x64xi1> to vector<1024x64xi32>
    %convert_element_type3A_481 = arith.sitofp %convert_element_type3A_480 : vector<1024x64xi32> to vector<1024x64xf32>
    %get3A_482 = arith.constant 0 : index
    %get3A_483 = arith.constant 0 : index
    %get3A_484 = vector.load %arg5[%get3A_482, %get3A_483] : memref<64x32xf32, #tpu.memory_space<vmem>>, vector<64x32xf32>
    %dot_general3A_485 = arith.constant dense<0.000000e+00> : vector<1024x32xf32>
    %dot_general3A_486 = tpu.matmul %convert_element_type3A_481, %get3A_484, %dot_general3A_485 {dimension_numbers = #tpu.dot_dimension_numbers<[1], [0], [0], [1], [0, 0, 1, 1], [], []>, transpose_lhs_hint = false} : vector<1024x64xf32>, vector<64x32xf32>, vector<1024x32xf32> -> vector<1024x32xf32>
    %get3A_487 = arith.constant 0 : index
    %get3A_488 = arith.constant 0 : index
    %get3A_489 = vector.load %arg6[%get3A_487, %get3A_488] : memref<1x32xf32, #tpu.memory_space<vmem>>, vector<1x32xf32>
    %add3A_490 = vector.broadcast %get3A_489 : vector<1x32xf32> to vector<1024x32xf32>
    %add3A_491 = arith.addf %dot_general3A_486, %add3A_490 : vector<1024x32xf32>
    %mul3A_492 = arith.constant 0.949999988 : f32
    %mul3A_493 = vector.broadcast %mul3A_492 : f32 to vector<1024x32xf32>
    %mul3A_494 = arith.mulf %mul3A_493, %sub3A_418 : vector<1024x32xf32>
    %add3A_495 = arith.addf %mul3A_494, %add3A_491 : vector<1024x32xf32>
    %gt3A_496 = arith.constant 1.000000e+00 : f32
    %gt3A_497 = vector.broadcast %gt3A_496 : f32 to vector<1024x32xf32>
    %gt3A_498 = arith.cmpf ogt, %sub3A_418, %gt3A_497 : vector<1024x32xf32>
    %convert_element_type3A_499 = arith.extui %gt3A_498 : vector<1024x32xi1> to vector<1024x32xi32>
    %convert_element_type3A_500 = arith.sitofp %convert_element_type3A_499 : vector<1024x32xi32> to vector<1024x32xf32>
    %mul3A_501 = arith.constant 1.000000e+00 : f32
    %mul3A_502 = vector.broadcast %mul3A_501 : f32 to vector<1024x32xf32>
    %mul3A_503 = arith.mulf %convert_element_type3A_500, %mul3A_502 : vector<1024x32xf32>
    %sub3A_504 = arith.subf %add3A_495, %mul3A_503 : vector<1024x32xf32>
    %gt3A_505 = arith.constant 1.000000e+00 : f32
    %gt3A_506 = vector.broadcast %gt3A_505 : f32 to vector<1024x32xf32>
    %gt3A_507 = arith.cmpf ogt, %sub3A_504, %gt3A_506 : vector<1024x32xf32>
    %convert_element_type3A_508 = arith.extui %gt3A_507 : vector<1024x32xi1> to vector<1024x32xi32>
    %convert_element_type3A_509 = arith.sitofp %convert_element_type3A_508 : vector<1024x32xi32> to vector<1024x32xf32>
    %get3A_510 = arith.constant 0 : index
    %get3A_511 = arith.constant 0 : index
    %get3A_512 = vector.load %arg7[%get3A_510, %get3A_511] : memref<32x10xf32, #tpu.memory_space<vmem>>, vector<32x10xf32>
    %dot_general3A_513 = arith.constant dense<0.000000e+00> : vector<1024x10xf32>
    %dot_general3A_514 = tpu.matmul %convert_element_type3A_509, %get3A_512, %dot_general3A_513 {dimension_numbers = #tpu.dot_dimension_numbers<[1], [0], [0], [1], [0, 0, 1, 1], [], []>, transpose_lhs_hint = false} : vector<1024x32xf32>, vector<32x10xf32>, vector<1024x10xf32> -> vector<1024x10xf32>
    %get3A_515 = arith.constant 0 : index
    %get3A_516 = arith.constant 0 : index
    %get3A_517 = vector.load %arg8[%get3A_515, %get3A_516] : memref<1x10xf32, #tpu.memory_space<vmem>>, vector<1x10xf32>
    %add3A_518 = vector.broadcast %get3A_517 : vector<1x10xf32> to vector<1024x10xf32>
    %add3A_519 = arith.addf %dot_general3A_514, %add3A_518 : vector<1024x10xf32>
    %mul3A_520 = arith.constant 0.949999988 : f32
    %mul3A_521 = vector.broadcast %mul3A_520 : f32 to vector<1024x10xf32>
    %mul3A_522 = arith.mulf %mul3A_521, %sub3A_446 : vector<1024x10xf32>
    %add3A_523 = arith.addf %mul3A_522, %add3A_519 : vector<1024x10xf32>
    %gt3A_524 = arith.constant 1.000000e+00 : f32
    %gt3A_525 = vector.broadcast %gt3A_524 : f32 to vector<1024x10xf32>
    %gt3A_526 = arith.cmpf ogt, %sub3A_446, %gt3A_525 : vector<1024x10xf32>
    %convert_element_type3A_527 = arith.extui %gt3A_526 : vector<1024x10xi1> to vector<1024x10xi32>
    %convert_element_type3A_528 = arith.sitofp %convert_element_type3A_527 : vector<1024x10xi32> to vector<1024x10xf32>
    %mul3A_529 = arith.constant 1.000000e+00 : f32
    %mul3A_530 = vector.broadcast %mul3A_529 : f32 to vector<1024x10xf32>
    %mul3A_531 = arith.mulf %convert_element_type3A_528, %mul3A_530 : vector<1024x10xf32>
    %sub3A_532 = arith.subf %add3A_523, %mul3A_531 : vector<1024x10xf32>
    %gt3A_533 = arith.constant 1.000000e+00 : f32
    %gt3A_534 = vector.broadcast %gt3A_533 : f32 to vector<1024x10xf32>
    %gt3A_535 = arith.cmpf ogt, %sub3A_532, %gt3A_534 : vector<1024x10xf32>
    %convert_element_type3A_536 = arith.extui %gt3A_535 : vector<1024x10xi1> to vector<1024x10xi32>
    %convert_element_type3A_537 = arith.sitofp %convert_element_type3A_536 : vector<1024x10xi32> to vector<1024x10xf32>
    %swap3A_538 = arith.constant 5 : index
    %swap3A_539 = arith.constant 0 : index
    %swap3A_540 = arith.constant 0 : index
    %swap3A_541 = vector.load %arg9[%swap3A_538, %swap3A_539, %swap3A_540] : memref<10x1024x10xf32, #tpu.memory_space<vmem>>, vector<1x1024x10xf32>
    %swap3A_542 = vector.shape_cast %swap3A_541 : vector<1x1024x10xf32> to vector<1024x10xf32>
    %swap3A_543 = vector.shape_cast %convert_element_type3A_537 : vector<1024x10xf32> to vector<1x1024x10xf32>
    tpu.vector_store %arg9[%swap3A_538, %swap3A_539, %swap3A_540], %swap3A_543 {strides = array<i32>} : memref<10x1024x10xf32, #tpu.memory_space<vmem>>, vector<1x1024x10xf32>,
    %swap3A_544 = arith.constant 5 : index
    %swap3A_545 = arith.constant 0 : index
    %swap3A_546 = arith.constant 0 : index
    %swap3A_547 = vector.load %arg10[%swap3A_544, %swap3A_545, %swap3A_546] : memref<10x1024x10xf32, #tpu.memory_space<vmem>>, vector<1x1024x10xf32>
    %swap3A_548 = vector.shape_cast %swap3A_547 : vector<1x1024x10xf32> to vector<1024x10xf32>
    %swap3A_549 = vector.shape_cast %sub3A_532 : vector<1024x10xf32> to vector<1x1024x10xf32>
    tpu.vector_store %arg10[%swap3A_544, %swap3A_545, %swap3A_546], %swap3A_549 {strides = array<i32>} : memref<10x1024x10xf32, #tpu.memory_space<vmem>>, vector<1x1024x10xf32>,
    %mul3A_550 = arith.constant 0.949999988 : f32
    %mul3A_551 = vector.broadcast %mul3A_550 : f32 to vector<1024x64xf32>
    %mul3A_552 = arith.mulf %mul3A_551, %sub3A_476 : vector<1024x64xf32>
    %add3A_553 = arith.addf %mul3A_552, %add3A_29 : vector<1024x64xf32>
    %gt3A_554 = arith.constant 1.000000e+00 : f32
    %gt3A_555 = vector.broadcast %gt3A_554 : f32 to vector<1024x64xf32>
    %gt3A_556 = arith.cmpf ogt, %sub3A_476, %gt3A_555 : vector<1024x64xf32>
    %convert_element_type3A_557 = arith.extui %gt3A_556 : vector<1024x64xi1> to vector<1024x64xi32>
    %convert_element_type3A_558 = arith.sitofp %convert_element_type3A_557 : vector<1024x64xi32> to vector<1024x64xf32>
    %mul3A_559 = arith.constant 1.000000e+00 : f32
    %mul3A_560 = vector.broadcast %mul3A_559 : f32 to vector<1024x64xf32>
    %mul3A_561 = arith.mulf %convert_element_type3A_558, %mul3A_560 : vector<1024x64xf32>
    %sub3A_562 = arith.subf %add3A_553, %mul3A_561 : vector<1024x64xf32>
    %gt3A_563 = arith.constant 1.000000e+00 : f32
    %gt3A_564 = vector.broadcast %gt3A_563 : f32 to vector<1024x64xf32>
    %gt3A_565 = arith.cmpf ogt, %sub3A_562, %gt3A_564 : vector<1024x64xf32>
    %convert_element_type3A_566 = arith.extui %gt3A_565 : vector<1024x64xi1> to vector<1024x64xi32>
    %convert_element_type3A_567 = arith.sitofp %convert_element_type3A_566 : vector<1024x64xi32> to vector<1024x64xf32>
    %get3A_568 = arith.constant 0 : index
    %get3A_569 = arith.constant 0 : index
    %get3A_570 = vector.load %arg5[%get3A_568, %get3A_569] : memref<64x32xf32, #tpu.memory_space<vmem>>, vector<64x32xf32>
    %dot_general3A_571 = arith.constant dense<0.000000e+00> : vector<1024x32xf32>
    %dot_general3A_572 = tpu.matmul %convert_element_type3A_567, %get3A_570, %dot_general3A_571 {dimension_numbers = #tpu.dot_dimension_numbers<[1], [0], [0], [1], [0, 0, 1, 1], [], []>, transpose_lhs_hint = false} : vector<1024x64xf32>, vector<64x32xf32>, vector<1024x32xf32> -> vector<1024x32xf32>
    %get3A_573 = arith.constant 0 : index
    %get3A_574 = arith.constant 0 : index
    %get3A_575 = vector.load %arg6[%get3A_573, %get3A_574] : memref<1x32xf32, #tpu.memory_space<vmem>>, vector<1x32xf32>
    %add3A_576 = vector.broadcast %get3A_575 : vector<1x32xf32> to vector<1024x32xf32>
    %add3A_577 = arith.addf %dot_general3A_572, %add3A_576 : vector<1024x32xf32>
    %mul3A_578 = arith.constant 0.949999988 : f32
    %mul3A_579 = vector.broadcast %mul3A_578 : f32 to vector<1024x32xf32>
    %mul3A_580 = arith.mulf %mul3A_579, %sub3A_504 : vector<1024x32xf32>
    %add3A_581 = arith.addf %mul3A_580, %add3A_577 : vector<1024x32xf32>
    %gt3A_582 = arith.constant 1.000000e+00 : f32
    %gt3A_583 = vector.broadcast %gt3A_582 : f32 to vector<1024x32xf32>
    %gt3A_584 = arith.cmpf ogt, %sub3A_504, %gt3A_583 : vector<1024x32xf32>
    %convert_element_type3A_585 = arith.extui %gt3A_584 : vector<1024x32xi1> to vector<1024x32xi32>
    %convert_element_type3A_586 = arith.sitofp %convert_element_type3A_585 : vector<1024x32xi32> to vector<1024x32xf32>
    %mul3A_587 = arith.constant 1.000000e+00 : f32
    %mul3A_588 = vector.broadcast %mul3A_587 : f32 to vector<1024x32xf32>
    %mul3A_589 = arith.mulf %convert_element_type3A_586, %mul3A_588 : vector<1024x32xf32>
    %sub3A_590 = arith.subf %add3A_581, %mul3A_589 : vector<1024x32xf32>
    %gt3A_591 = arith.constant 1.000000e+00 : f32
    %gt3A_592 = vector.broadcast %gt3A_591 : f32 to vector<1024x32xf32>
    %gt3A_593 = arith.cmpf ogt, %sub3A_590, %gt3A_592 : vector<1024x32xf32>
    %convert_element_type3A_594 = arith.extui %gt3A_593 : vector<1024x32xi1> to vector<1024x32xi32>
    %convert_element_type3A_595 = arith.sitofp %convert_element_type3A_594 : vector<1024x32xi32> to vector<1024x32xf32>
    %get3A_596 = arith.constant 0 : index
    %get3A_597 = arith.constant 0 : index
    %get3A_598 = vector.load %arg7[%get3A_596, %get3A_597] : memref<32x10xf32, #tpu.memory_space<vmem>>, vector<32x10xf32>
    %dot_general3A_599 = arith.constant dense<0.000000e+00> : vector<1024x10xf32>
    %dot_general3A_600 = tpu.matmul %convert_element_type3A_595, %get3A_598, %dot_general3A_599 {dimension_numbers = #tpu.dot_dimension_numbers<[1], [0], [0], [1], [0, 0, 1, 1], [], []>, transpose_lhs_hint = false} : vector<1024x32xf32>, vector<32x10xf32>, vector<1024x10xf32> -> vector<1024x10xf32>
    %get3A_601 = arith.constant 0 : index
    %get3A_602 = arith.constant 0 : index
    %get3A_603 = vector.load %arg8[%get3A_601, %get3A_602] : memref<1x10xf32, #tpu.memory_space<vmem>>, vector<1x10xf32>
    %add3A_604 = vector.broadcast %get3A_603 : vector<1x10xf32> to vector<1024x10xf32>
    %add3A_605 = arith.addf %dot_general3A_600, %add3A_604 : vector<1024x10xf32>
    %mul3A_606 = arith.constant 0.949999988 : f32
    %mul3A_607 = vector.broadcast %mul3A_606 : f32 to vector<1024x10xf32>
    %mul3A_608 = arith.mulf %mul3A_607, %sub3A_532 : vector<1024x10xf32>
    %add3A_609 = arith.addf %mul3A_608, %add3A_605 : vector<1024x10xf32>
    %gt3A_610 = arith.constant 1.000000e+00 : f32
    %gt3A_611 = vector.broadcast %gt3A_610 : f32 to vector<1024x10xf32>
    %gt3A_612 = arith.cmpf ogt, %sub3A_532, %gt3A_611 : vector<1024x10xf32>
    %convert_element_type3A_613 = arith.extui %gt3A_612 : vector<1024x10xi1> to vector<1024x10xi32>
    %convert_element_type3A_614 = arith.sitofp %convert_element_type3A_613 : vector<1024x10xi32> to vector<1024x10xf32>
    %mul3A_615 = arith.constant 1.000000e+00 : f32
    %mul3A_616 = vector.broadcast %mul3A_615 : f32 to vector<1024x10xf32>
    %mul3A_617 = arith.mulf %convert_element_type3A_614, %mul3A_616 : vector<1024x10xf32>
    %sub3A_618 = arith.subf %add3A_609, %mul3A_617 : vector<1024x10xf32>
    %gt3A_619 = arith.constant 1.000000e+00 : f32
    %gt3A_620 = vector.broadcast %gt3A_619 : f32 to vector<1024x10xf32>
    %gt3A_621 = arith.cmpf ogt, %sub3A_618, %gt3A_620 : vector<1024x10xf32>
    %convert_element_type3A_622 = arith.extui %gt3A_621 : vector<1024x10xi1> to vector<1024x10xi32>
    %convert_element_type3A_623 = arith.sitofp %convert_element_type3A_622 : vector<1024x10xi32> to vector<1024x10xf32>
    %swap3A_624 = arith.constant 6 : index
    %swap3A_625 = arith.constant 0 : index
    %swap3A_626 = arith.constant 0 : index
    %swap3A_627 = vector.load %arg9[%swap3A_624, %swap3A_625, %swap3A_626] : memref<10x1024x10xf32, #tpu.memory_space<vmem>>, vector<1x1024x10xf32>
    %swap3A_628 = vector.shape_cast %swap3A_627 : vector<1x1024x10xf32> to vector<1024x10xf32>
    %swap3A_629 = vector.shape_cast %convert_element_type3A_623 : vector<1024x10xf32> to vector<1x1024x10xf32>
    tpu.vector_store %arg9[%swap3A_624, %swap3A_625, %swap3A_626], %swap3A_629 {strides = array<i32>} : memref<10x1024x10xf32, #tpu.memory_space<vmem>>, vector<1x1024x10xf32>,
    %swap3A_630 = arith.constant 6 : index
    %swap3A_631 = arith.constant 0 : index
    %swap3A_632 = arith.constant 0 : index
    %swap3A_633 = vector.load %arg10[%swap3A_630, %swap3A_631, %swap3A_632] : memref<10x1024x10xf32, #tpu.memory_space<vmem>>, vector<1x1024x10xf32>
    %swap3A_634 = vector.shape_cast %swap3A_633 : vector<1x1024x10xf32> to vector<1024x10xf32>
    %swap3A_635 = vector.shape_cast %sub3A_618 : vector<1024x10xf32> to vector<1x1024x10xf32>
    tpu.vector_store %arg10[%swap3A_630, %swap3A_631, %swap3A_632], %swap3A_635 {strides = array<i32>} : memref<10x1024x10xf32, #tpu.memory_space<vmem>>, vector<1x1024x10xf32>,
    %mul3A_636 = arith.constant 0.949999988 : f32
    %mul3A_637 = vector.broadcast %mul3A_636 : f32 to vector<1024x64xf32>
    %mul3A_638 = arith.mulf %mul3A_637, %sub3A_562 : vector<1024x64xf32>
    %add3A_639 = arith.addf %mul3A_638, %add3A_29 : vector<1024x64xf32>
    %gt3A_640 = arith.constant 1.000000e+00 : f32
    %gt3A_641 = vector.broadcast %gt3A_640 : f32 to vector<1024x64xf32>
    %gt3A_642 = arith.cmpf ogt, %sub3A_562, %gt3A_641 : vector<1024x64xf32>
    %convert_element_type3A_643 = arith.extui %gt3A_642 : vector<1024x64xi1> to vector<1024x64xi32>
    %convert_element_type3A_644 = arith.sitofp %convert_element_type3A_643 : vector<1024x64xi32> to vector<1024x64xf32>
    %mul3A_645 = arith.constant 1.000000e+00 : f32
    %mul3A_646 = vector.broadcast %mul3A_645 : f32 to vector<1024x64xf32>
    %mul3A_647 = arith.mulf %convert_element_type3A_644, %mul3A_646 : vector<1024x64xf32>
    %sub3A_648 = arith.subf %add3A_639, %mul3A_647 : vector<1024x64xf32>
    %gt3A_649 = arith.constant 1.000000e+00 : f32
    %gt3A_650 = vector.broadcast %gt3A_649 : f32 to vector<1024x64xf32>
    %gt3A_651 = arith.cmpf ogt, %sub3A_648, %gt3A_650 : vector<1024x64xf32>
    %convert_element_type3A_652 = arith.extui %gt3A_651 : vector<1024x64xi1> to vector<1024x64xi32>
    %convert_element_type3A_653 = arith.sitofp %convert_element_type3A_652 : vector<1024x64xi32> to vector<1024x64xf32>
    %get3A_654 = arith.constant 0 : index
    %get3A_655 = arith.constant 0 : index
    %get3A_656 = vector.load %arg5[%get3A_654, %get3A_655] : memref<64x32xf32, #tpu.memory_space<vmem>>, vector<64x32xf32>
    %dot_general3A_657 = arith.constant dense<0.000000e+00> : vector<1024x32xf32>
    %dot_general3A_658 = tpu.matmul %convert_element_type3A_653, %get3A_656, %dot_general3A_657 {dimension_numbers = #tpu.dot_dimension_numbers<[1], [0], [0], [1], [0, 0, 1, 1], [], []>, transpose_lhs_hint = false} : vector<1024x64xf32>, vector<64x32xf32>, vector<1024x32xf32> -> vector<1024x32xf32>
    %get3A_659 = arith.constant 0 : index
    %get3A_660 = arith.constant 0 : index
    %get3A_661 = vector.load %arg6[%get3A_659, %get3A_660] : memref<1x32xf32, #tpu.memory_space<vmem>>, vector<1x32xf32>
    %add3A_662 = vector.broadcast %get3A_661 : vector<1x32xf32> to vector<1024x32xf32>
    %add3A_663 = arith.addf %dot_general3A_658, %add3A_662 : vector<1024x32xf32>
    %mul3A_664 = arith.constant 0.949999988 : f32
    %mul3A_665 = vector.broadcast %mul3A_664 : f32 to vector<1024x32xf32>
    %mul3A_666 = arith.mulf %mul3A_665, %sub3A_590 : vector<1024x32xf32>
    %add3A_667 = arith.addf %mul3A_666, %add3A_663 : vector<1024x32xf32>
    %gt3A_668 = arith.constant 1.000000e+00 : f32
    %gt3A_669 = vector.broadcast %gt3A_668 : f32 to vector<1024x32xf32>
    %gt3A_670 = arith.cmpf ogt, %sub3A_590, %gt3A_669 : vector<1024x32xf32>
    %convert_element_type3A_671 = arith.extui %gt3A_670 : vector<1024x32xi1> to vector<1024x32xi32>
    %convert_element_type3A_672 = arith.sitofp %convert_element_type3A_671 : vector<1024x32xi32> to vector<1024x32xf32>
    %mul3A_673 = arith.constant 1.000000e+00 : f32
    %mul3A_674 = vector.broadcast %mul3A_673 : f32 to vector<1024x32xf32>
    %mul3A_675 = arith.mulf %convert_element_type3A_672, %mul3A_674 : vector<1024x32xf32>
    %sub3A_676 = arith.subf %add3A_667, %mul3A_675 : vector<1024x32xf32>
    %gt3A_677 = arith.constant 1.000000e+00 : f32
    %gt3A_678 = vector.broadcast %gt3A_677 : f32 to vector<1024x32xf32>
    %gt3A_679 = arith.cmpf ogt, %sub3A_676, %gt3A_678 : vector<1024x32xf32>
    %convert_element_type3A_680 = arith.extui %gt3A_679 : vector<1024x32xi1> to vector<1024x32xi32>
    %convert_element_type3A_681 = arith.sitofp %convert_element_type3A_680 : vector<1024x32xi32> to vector<1024x32xf32>
    %get3A_682 = arith.constant 0 : index
    %get3A_683 = arith.constant 0 : index
    %get3A_684 = vector.load %arg7[%get3A_682, %get3A_683] : memref<32x10xf32, #tpu.memory_space<vmem>>, vector<32x10xf32>
    %dot_general3A_685 = arith.constant dense<0.000000e+00> : vector<1024x10xf32>
    %dot_general3A_686 = tpu.matmul %convert_element_type3A_681, %get3A_684, %dot_general3A_685 {dimension_numbers = #tpu.dot_dimension_numbers<[1], [0], [0], [1], [0, 0, 1, 1], [], []>, transpose_lhs_hint = false} : vector<1024x32xf32>, vector<32x10xf32>, vector<1024x10xf32> -> vector<1024x10xf32>
    %get3A_687 = arith.constant 0 : index
    %get3A_688 = arith.constant 0 : index
    %get3A_689 = vector.load %arg8[%get3A_687, %get3A_688] : memref<1x10xf32, #tpu.memory_space<vmem>>, vector<1x10xf32>
    %add3A_690 = vector.broadcast %get3A_689 : vector<1x10xf32> to vector<1024x10xf32>
    %add3A_691 = arith.addf %dot_general3A_686, %add3A_690 : vector<1024x10xf32>
    %mul3A_692 = arith.constant 0.949999988 : f32
    %mul3A_693 = vector.broadcast %mul3A_692 : f32 to vector<1024x10xf32>
    %mul3A_694 = arith.mulf %mul3A_693, %sub3A_618 : vector<1024x10xf32>
    %add3A_695 = arith.addf %mul3A_694, %add3A_691 : vector<1024x10xf32>
    %gt3A_696 = arith.constant 1.000000e+00 : f32
    %gt3A_697 = vector.broadcast %gt3A_696 : f32 to vector<1024x10xf32>
    %gt3A_698 = arith.cmpf ogt, %sub3A_618, %gt3A_697 : vector<1024x10xf32>
    %convert_element_type3A_699 = arith.extui %gt3A_698 : vector<1024x10xi1> to vector<1024x10xi32>
    %convert_element_type3A_700 = arith.sitofp %convert_element_type3A_699 : vector<1024x10xi32> to vector<1024x10xf32>
    %mul3A_701 = arith.constant 1.000000e+00 : f32
    %mul3A_702 = vector.broadcast %mul3A_701 : f32 to vector<1024x10xf32>
    %mul3A_703 = arith.mulf %convert_element_type3A_700, %mul3A_702 : vector<1024x10xf32>
    %sub3A_704 = arith.subf %add3A_695, %mul3A_703 : vector<1024x10xf32>
    %gt3A_705 = arith.constant 1.000000e+00 : f32
    %gt3A_706 = vector.broadcast %gt3A_705 : f32 to vector<1024x10xf32>
    %gt3A_707 = arith.cmpf ogt, %sub3A_704, %gt3A_706 : vector<1024x10xf32>
    %convert_element_type3A_708 = arith.extui %gt3A_707 : vector<1024x10xi1> to vector<1024x10xi32>
    %convert_element_type3A_709 = arith.sitofp %convert_element_type3A_708 : vector<1024x10xi32> to vector<1024x10xf32>
    %swap3A_710 = arith.constant 7 : index
    %swap3A_711 = arith.constant 0 : index
    %swap3A_712 = arith.constant 0 : index
    %swap3A_713 = vector.load %arg9[%swap3A_710, %swap3A_711, %swap3A_712] : memref<10x1024x10xf32, #tpu.memory_space<vmem>>, vector<1x1024x10xf32>
    %swap3A_714 = vector.shape_cast %swap3A_713 : vector<1x1024x10xf32> to vector<1024x10xf32>
    %swap3A_715 = vector.shape_cast %convert_element_type3A_709 : vector<1024x10xf32> to vector<1x1024x10xf32>
    tpu.vector_store %arg9[%swap3A_710, %swap3A_711, %swap3A_712], %swap3A_715 {strides = array<i32>} : memref<10x1024x10xf32, #tpu.memory_space<vmem>>, vector<1x1024x10xf32>,
    %swap3A_716 = arith.constant 7 : index
    %swap3A_717 = arith.constant 0 : index
    %swap3A_718 = arith.constant 0 : index
    %swap3A_719 = vector.load %arg10[%swap3A_716, %swap3A_717, %swap3A_718] : memref<10x1024x10xf32, #tpu.memory_space<vmem>>, vector<1x1024x10xf32>
    %swap3A_720 = vector.shape_cast %swap3A_719 : vector<1x1024x10xf32> to vector<1024x10xf32>
    %swap3A_721 = vector.shape_cast %sub3A_704 : vector<1024x10xf32> to vector<1x1024x10xf32>
    tpu.vector_store %arg10[%swap3A_716, %swap3A_717, %swap3A_718], %swap3A_721 {strides = array<i32>} : memref<10x1024x10xf32, #tpu.memory_space<vmem>>, vector<1x1024x10xf32>,
    %mul3A_722 = arith.constant 0.949999988 : f32
    %mul3A_723 = vector.broadcast %mul3A_722 : f32 to vector<1024x64xf32>
    %mul3A_724 = arith.mulf %mul3A_723, %sub3A_648 : vector<1024x64xf32>
    %add3A_725 = arith.addf %mul3A_724, %add3A_29 : vector<1024x64xf32>
    %gt3A_726 = arith.constant 1.000000e+00 : f32
    %gt3A_727 = vector.broadcast %gt3A_726 : f32 to vector<1024x64xf32>
    %gt3A_728 = arith.cmpf ogt, %sub3A_648, %gt3A_727 : vector<1024x64xf32>
    %convert_element_type3A_729 = arith.extui %gt3A_728 : vector<1024x64xi1> to vector<1024x64xi32>
    %convert_element_type3A_730 = arith.sitofp %convert_element_type3A_729 : vector<1024x64xi32> to vector<1024x64xf32>
    %mul3A_731 = arith.constant 1.000000e+00 : f32
    %mul3A_732 = vector.broadcast %mul3A_731 : f32 to vector<1024x64xf32>
    %mul3A_733 = arith.mulf %convert_element_type3A_730, %mul3A_732 : vector<1024x64xf32>
    %sub3A_734 = arith.subf %add3A_725, %mul3A_733 : vector<1024x64xf32>
    %gt3A_735 = arith.constant 1.000000e+00 : f32
    %gt3A_736 = vector.broadcast %gt3A_735 : f32 to vector<1024x64xf32>
    %gt3A_737 = arith.cmpf ogt, %sub3A_734, %gt3A_736 : vector<1024x64xf32>
    %convert_element_type3A_738 = arith.extui %gt3A_737 : vector<1024x64xi1> to vector<1024x64xi32>
    %convert_element_type3A_739 = arith.sitofp %convert_element_type3A_738 : vector<1024x64xi32> to vector<1024x64xf32>
    %get3A_740 = arith.constant 0 : index
    %get3A_741 = arith.constant 0 : index
    %get3A_742 = vector.load %arg5[%get3A_740, %get3A_741] : memref<64x32xf32, #tpu.memory_space<vmem>>, vector<64x32xf32>
    %dot_general3A_743 = arith.constant dense<0.000000e+00> : vector<1024x32xf32>
    %dot_general3A_744 = tpu.matmul %convert_element_type3A_739, %get3A_742, %dot_general3A_743 {dimension_numbers = #tpu.dot_dimension_numbers<[1], [0], [0], [1], [0, 0, 1, 1], [], []>, transpose_lhs_hint = false} : vector<1024x64xf32>, vector<64x32xf32>, vector<1024x32xf32> -> vector<1024x32xf32>
    %get3A_745 = arith.constant 0 : index
    %get3A_746 = arith.constant 0 : index
    %get3A_747 = vector.load %arg6[%get3A_745, %get3A_746] : memref<1x32xf32, #tpu.memory_space<vmem>>, vector<1x32xf32>
    %add3A_748 = vector.broadcast %get3A_747 : vector<1x32xf32> to vector<1024x32xf32>
    %add3A_749 = arith.addf %dot_general3A_744, %add3A_748 : vector<1024x32xf32>
    %mul3A_750 = arith.constant 0.949999988 : f32
    %mul3A_751 = vector.broadcast %mul3A_750 : f32 to vector<1024x32xf32>
    %mul3A_752 = arith.mulf %mul3A_751, %sub3A_676 : vector<1024x32xf32>
    %add3A_753 = arith.addf %mul3A_752, %add3A_749 : vector<1024x32xf32>
    %gt3A_754 = arith.constant 1.000000e+00 : f32
    %gt3A_755 = vector.broadcast %gt3A_754 : f32 to vector<1024x32xf32>
    %gt3A_756 = arith.cmpf ogt, %sub3A_676, %gt3A_755 : vector<1024x32xf32>
    %convert_element_type3A_757 = arith.extui %gt3A_756 : vector<1024x32xi1> to vector<1024x32xi32>
    %convert_element_type3A_758 = arith.sitofp %convert_element_type3A_757 : vector<1024x32xi32> to vector<1024x32xf32>
    %mul3A_759 = arith.constant 1.000000e+00 : f32
    %mul3A_760 = vector.broadcast %mul3A_759 : f32 to vector<1024x32xf32>
    %mul3A_761 = arith.mulf %convert_element_type3A_758, %mul3A_760 : vector<1024x32xf32>
    %sub3A_762 = arith.subf %add3A_753, %mul3A_761 : vector<1024x32xf32>
    %gt3A_763 = arith.constant 1.000000e+00 : f32
    %gt3A_764 = vector.broadcast %gt3A_763 : f32 to vector<1024x32xf32>
    %gt3A_765 = arith.cmpf ogt, %sub3A_762, %gt3A_764 : vector<1024x32xf32>
    %convert_element_type3A_766 = arith.extui %gt3A_765 : vector<1024x32xi1> to vector<1024x32xi32>
    %convert_element_type3A_767 = arith.sitofp %convert_element_type3A_766 : vector<1024x32xi32> to vector<1024x32xf32>
    %get3A_768 = arith.constant 0 : index
    %get3A_769 = arith.constant 0 : index
    %get3A_770 = vector.load %arg7[%get3A_768, %get3A_769] : memref<32x10xf32, #tpu.memory_space<vmem>>, vector<32x10xf32>
    %dot_general3A_771 = arith.constant dense<0.000000e+00> : vector<1024x10xf32>
    %dot_general3A_772 = tpu.matmul %convert_element_type3A_767, %get3A_770, %dot_general3A_771 {dimension_numbers = #tpu.dot_dimension_numbers<[1], [0], [0], [1], [0, 0, 1, 1], [], []>, transpose_lhs_hint = false} : vector<1024x32xf32>, vector<32x10xf32>, vector<1024x10xf32> -> vector<1024x10xf32>
    %get3A_773 = arith.constant 0 : index
    %get3A_774 = arith.constant 0 : index
    %get3A_775 = vector.load %arg8[%get3A_773, %get3A_774] : memref<1x10xf32, #tpu.memory_space<vmem>>, vector<1x10xf32>
    %add3A_776 = vector.broadcast %get3A_775 : vector<1x10xf32> to vector<1024x10xf32>
    %add3A_777 = arith.addf %dot_general3A_772, %add3A_776 : vector<1024x10xf32>
    %mul3A_778 = arith.constant 0.949999988 : f32
    %mul3A_779 = vector.broadcast %mul3A_778 : f32 to vector<1024x10xf32>
    %mul3A_780 = arith.mulf %mul3A_779, %sub3A_704 : vector<1024x10xf32>
    %add3A_781 = arith.addf %mul3A_780, %add3A_777 : vector<1024x10xf32>
    %gt3A_782 = arith.constant 1.000000e+00 : f32
    %gt3A_783 = vector.broadcast %gt3A_782 : f32 to vector<1024x10xf32>
    %gt3A_784 = arith.cmpf ogt, %sub3A_704, %gt3A_783 : vector<1024x10xf32>
    %convert_element_type3A_785 = arith.extui %gt3A_784 : vector<1024x10xi1> to vector<1024x10xi32>
    %convert_element_type3A_786 = arith.sitofp %convert_element_type3A_785 : vector<1024x10xi32> to vector<1024x10xf32>
    %mul3A_787 = arith.constant 1.000000e+00 : f32
    %mul3A_788 = vector.broadcast %mul3A_787 : f32 to vector<1024x10xf32>
    %mul3A_789 = arith.mulf %convert_element_type3A_786, %mul3A_788 : vector<1024x10xf32>
    %sub3A_790 = arith.subf %add3A_781, %mul3A_789 : vector<1024x10xf32>
    %gt3A_791 = arith.constant 1.000000e+00 : f32
    %gt3A_792 = vector.broadcast %gt3A_791 : f32 to vector<1024x10xf32>
    %gt3A_793 = arith.cmpf ogt, %sub3A_790, %gt3A_792 : vector<1024x10xf32>
    %convert_element_type3A_794 = arith.extui %gt3A_793 : vector<1024x10xi1> to vector<1024x10xi32>
    %convert_element_type3A_795 = arith.sitofp %convert_element_type3A_794 : vector<1024x10xi32> to vector<1024x10xf32>
    %swap3A_796 = arith.constant 8 : index
    %swap3A_797 = arith.constant 0 : index
    %swap3A_798 = arith.constant 0 : index
    %swap3A_799 = vector.load %arg9[%swap3A_796, %swap3A_797, %swap3A_798] : memref<10x1024x10xf32, #tpu.memory_space<vmem>>, vector<1x1024x10xf32>
    %swap3A_800 = vector.shape_cast %swap3A_799 : vector<1x1024x10xf32> to vector<1024x10xf32>
    %swap3A_801 = vector.shape_cast %convert_element_type3A_795 : vector<1024x10xf32> to vector<1x1024x10xf32>
    tpu.vector_store %arg9[%swap3A_796, %swap3A_797, %swap3A_798], %swap3A_801 {strides = array<i32>} : memref<10x1024x10xf32, #tpu.memory_space<vmem>>, vector<1x1024x10xf32>,
    %swap3A_802 = arith.constant 8 : index
    %swap3A_803 = arith.constant 0 : index
    %swap3A_804 = arith.constant 0 : index
    %swap3A_805 = vector.load %arg10[%swap3A_802, %swap3A_803, %swap3A_804] : memref<10x1024x10xf32, #tpu.memory_space<vmem>>, vector<1x1024x10xf32>
    %swap3A_806 = vector.shape_cast %swap3A_805 : vector<1x1024x10xf32> to vector<1024x10xf32>
    %swap3A_807 = vector.shape_cast %sub3A_790 : vector<1024x10xf32> to vector<1x1024x10xf32>
    tpu.vector_store %arg10[%swap3A_802, %swap3A_803, %swap3A_804], %swap3A_807 {strides = array<i32>} : memref<10x1024x10xf32, #tpu.memory_space<vmem>>, vector<1x1024x10xf32>,
    %mul3A_808 = arith.constant 0.949999988 : f32
    %mul3A_809 = vector.broadcast %mul3A_808 : f32 to vector<1024x64xf32>
    %mul3A_810 = arith.mulf %mul3A_809, %sub3A_734 : vector<1024x64xf32>
    %add3A_811 = arith.addf %mul3A_810, %add3A_29 : vector<1024x64xf32>
    %gt3A_812 = arith.constant 1.000000e+00 : f32
    %gt3A_813 = vector.broadcast %gt3A_812 : f32 to vector<1024x64xf32>
    %gt3A_814 = arith.cmpf ogt, %sub3A_734, %gt3A_813 : vector<1024x64xf32>
    %convert_element_type3A_815 = arith.extui %gt3A_814 : vector<1024x64xi1> to vector<1024x64xi32>
    %convert_element_type3A_816 = arith.sitofp %convert_element_type3A_815 : vector<1024x64xi32> to vector<1024x64xf32>
    %mul3A_817 = arith.constant 1.000000e+00 : f32
    %mul3A_818 = vector.broadcast %mul3A_817 : f32 to vector<1024x64xf32>
    %mul3A_819 = arith.mulf %convert_element_type3A_816, %mul3A_818 : vector<1024x64xf32>
    %sub3A_820 = arith.subf %add3A_811, %mul3A_819 : vector<1024x64xf32>
    %gt3A_821 = arith.constant 1.000000e+00 : f32
    %gt3A_822 = vector.broadcast %gt3A_821 : f32 to vector<1024x64xf32>
    %gt3A_823 = arith.cmpf ogt, %sub3A_820, %gt3A_822 : vector<1024x64xf32>
    %convert_element_type3A_824 = arith.extui %gt3A_823 : vector<1024x64xi1> to vector<1024x64xi32>
    %convert_element_type3A_825 = arith.sitofp %convert_element_type3A_824 : vector<1024x64xi32> to vector<1024x64xf32>
    %get3A_826 = arith.constant 0 : index
    %get3A_827 = arith.constant 0 : index
    %get3A_828 = vector.load %arg5[%get3A_826, %get3A_827] : memref<64x32xf32, #tpu.memory_space<vmem>>, vector<64x32xf32>
    %dot_general3A_829 = arith.constant dense<0.000000e+00> : vector<1024x32xf32>
    %dot_general3A_830 = tpu.matmul %convert_element_type3A_825, %get3A_828, %dot_general3A_829 {dimension_numbers = #tpu.dot_dimension_numbers<[1], [0], [0], [1], [0, 0, 1, 1], [], []>, transpose_lhs_hint = false} : vector<1024x64xf32>, vector<64x32xf32>, vector<1024x32xf32> -> vector<1024x32xf32>
    %get3A_831 = arith.constant 0 : index
    %get3A_832 = arith.constant 0 : index
    %get3A_833 = vector.load %arg6[%get3A_831, %get3A_832] : memref<1x32xf32, #tpu.memory_space<vmem>>, vector<1x32xf32>
    %add3A_834 = vector.broadcast %get3A_833 : vector<1x32xf32> to vector<1024x32xf32>
    %add3A_835 = arith.addf %dot_general3A_830, %add3A_834 : vector<1024x32xf32>
    %mul3A_836 = arith.constant 0.949999988 : f32
    %mul3A_837 = vector.broadcast %mul3A_836 : f32 to vector<1024x32xf32>
    %mul3A_838 = arith.mulf %mul3A_837, %sub3A_762 : vector<1024x32xf32>
    %add3A_839 = arith.addf %mul3A_838, %add3A_835 : vector<1024x32xf32>
    %gt3A_840 = arith.constant 1.000000e+00 : f32
    %gt3A_841 = vector.broadcast %gt3A_840 : f32 to vector<1024x32xf32>
    %gt3A_842 = arith.cmpf ogt, %sub3A_762, %gt3A_841 : vector<1024x32xf32>
    %convert_element_type3A_843 = arith.extui %gt3A_842 : vector<1024x32xi1> to vector<1024x32xi32>
    %convert_element_type3A_844 = arith.sitofp %convert_element_type3A_843 : vector<1024x32xi32> to vector<1024x32xf32>
    %mul3A_845 = arith.constant 1.000000e+00 : f32
    %mul3A_846 = vector.broadcast %mul3A_845 : f32 to vector<1024x32xf32>
    %mul3A_847 = arith.mulf %convert_element_type3A_844, %mul3A_846 : vector<1024x32xf32>
    %sub3A_848 = arith.subf %add3A_839, %mul3A_847 : vector<1024x32xf32>
    %gt3A_849 = arith.constant 1.000000e+00 : f32
    %gt3A_850 = vector.broadcast %gt3A_849 : f32 to vector<1024x32xf32>
    %gt3A_851 = arith.cmpf ogt, %sub3A_848, %gt3A_850 : vector<1024x32xf32>
    %convert_element_type3A_852 = arith.extui %gt3A_851 : vector<1024x32xi1> to vector<1024x32xi32>
    %convert_element_type3A_853 = arith.sitofp %convert_element_type3A_852 : vector<1024x32xi32> to vector<1024x32xf32>
    %get3A_854 = arith.constant 0 : index
    %get3A_855 = arith.constant 0 : index
    %get3A_856 = vector.load %arg7[%get3A_854, %get3A_855] : memref<32x10xf32, #tpu.memory_space<vmem>>, vector<32x10xf32>
    %dot_general3A_857 = arith.constant dense<0.000000e+00> : vector<1024x10xf32>
    %dot_general3A_858 = tpu.matmul %convert_element_type3A_853, %get3A_856, %dot_general3A_857 {dimension_numbers = #tpu.dot_dimension_numbers<[1], [0], [0], [1], [0, 0, 1, 1], [], []>, transpose_lhs_hint = false} : vector<1024x32xf32>, vector<32x10xf32>, vector<1024x10xf32> -> vector<1024x10xf32>
    %get3A_859 = arith.constant 0 : index
    %get3A_860 = arith.constant 0 : index
    %get3A_861 = vector.load %arg8[%get3A_859, %get3A_860] : memref<1x10xf32, #tpu.memory_space<vmem>>, vector<1x10xf32>
    %add3A_862 = vector.broadcast %get3A_861 : vector<1x10xf32> to vector<1024x10xf32>
    %add3A_863 = arith.addf %dot_general3A_858, %add3A_862 : vector<1024x10xf32>
    %mul3A_864 = arith.constant 0.949999988 : f32
    %mul3A_865 = vector.broadcast %mul3A_864 : f32 to vector<1024x10xf32>
    %mul3A_866 = arith.mulf %mul3A_865, %sub3A_790 : vector<1024x10xf32>
    %add3A_867 = arith.addf %mul3A_866, %add3A_863 : vector<1024x10xf32>
    %gt3A_868 = arith.constant 1.000000e+00 : f32
    %gt3A_869 = vector.broadcast %gt3A_868 : f32 to vector<1024x10xf32>
    %gt3A_870 = arith.cmpf ogt, %sub3A_790, %gt3A_869 : vector<1024x10xf32>
    %convert_element_type3A_871 = arith.extui %gt3A_870 : vector<1024x10xi1> to vector<1024x10xi32>
    %convert_element_type3A_872 = arith.sitofp %convert_element_type3A_871 : vector<1024x10xi32> to vector<1024x10xf32>
    %mul3A_873 = arith.constant 1.000000e+00 : f32
    %mul3A_874 = vector.broadcast %mul3A_873 : f32 to vector<1024x10xf32>
    %mul3A_875 = arith.mulf %convert_element_type3A_872, %mul3A_874 : vector<1024x10xf32>
    %sub3A_876 = arith.subf %add3A_867, %mul3A_875 : vector<1024x10xf32>
    %gt3A_877 = arith.constant 1.000000e+00 : f32
    %gt3A_878 = vector.broadcast %gt3A_877 : f32 to vector<1024x10xf32>
    %gt3A_879 = arith.cmpf ogt, %sub3A_876, %gt3A_878 : vector<1024x10xf32>
    %convert_element_type3A_880 = arith.extui %gt3A_879 : vector<1024x10xi1> to vector<1024x10xi32>
    %convert_element_type3A_881 = arith.sitofp %convert_element_type3A_880 : vector<1024x10xi32> to vector<1024x10xf32>
    %swap3A_882 = arith.constant 9 : index
    %swap3A_883 = arith.constant 0 : index
    %swap3A_884 = arith.constant 0 : index
    %swap3A_885 = vector.load %arg9[%swap3A_882, %swap3A_883, %swap3A_884] : memref<10x1024x10xf32, #tpu.memory_space<vmem>>, vector<1x1024x10xf32>
    %swap3A_886 = vector.shape_cast %swap3A_885 : vector<1x1024x10xf32> to vector<1024x10xf32>
    %swap3A_887 = vector.shape_cast %convert_element_type3A_881 : vector<1024x10xf32> to vector<1x1024x10xf32>
    tpu.vector_store %arg9[%swap3A_882, %swap3A_883, %swap3A_884], %swap3A_887 {strides = array<i32>} : memref<10x1024x10xf32, #tpu.memory_space<vmem>>, vector<1x1024x10xf32>,
    %swap3A_888 = arith.constant 9 : index
    %swap3A_889 = arith.constant 0 : index
    %swap3A_890 = arith.constant 0 : index
    %swap3A_891 = vector.load %arg10[%swap3A_888, %swap3A_889, %swap3A_890] : memref<10x1024x10xf32, #tpu.memory_space<vmem>>, vector<1x1024x10xf32>
    %swap3A_892 = vector.shape_cast %swap3A_891 : vector<1x1024x10xf32> to vector<1024x10xf32>
    %swap3A_893 = vector.shape_cast %sub3A_876 : vector<1024x10xf32> to vector<1x1024x10xf32>
    tpu.vector_store %arg10[%swap3A_888, %swap3A_889, %swap3A_890], %swap3A_893 {strides = array<i32>} : memref<10x1024x10xf32, #tpu.memory_space<vmem>>, vector<1x1024x10xf32>,
    return
  }
  func.func @transform_0(%arg0: i32) -> (i32, i32) {
    %c0_i32 = arith.constant 0 : i32
    %c0_i32_0 = arith.constant 0 : i32
    return %arg0, %c0_i32 : i32, i32
  }
  func.func @transform_1(%arg0: i32) -> (i32, i32) {
    %c0_i32 = arith.constant 0 : i32
    %c0_i32_0 = arith.constant 0 : i32
    %c0_i32_1 = arith.constant 0 : i32
    return %c0_i32, %c0_i32_0 : i32, i32
  }
  func.func @transform_2(%arg0: i32) -> (i32, i32) {
    %c0_i32 = arith.constant 0 : i32
    %c0_i32_0 = arith.constant 0 : i32
    %c0_i32_1 = arith.constant 0 : i32
    return %c0_i32, %c0_i32_0 : i32, i32
  }
  func.func @transform_3(%arg0: i32) -> (i32, i32) {
    %c0_i32 = arith.constant 0 : i32
    %c0_i32_0 = arith.constant 0 : i32
    %c0_i32_1 = arith.constant 0 : i32
    return %c0_i32, %c0_i32_0 : i32, i32
  }
  func.func @transform_4(%arg0: i32) -> (i32, i32) {
    %c0_i32 = arith.constant 0 : i32
    %c0_i32_0 = arith.constant 0 : i32
    %c0_i32_1 = arith.constant 0 : i32
    return %c0_i32, %c0_i32_0 : i32, i32
  }
  func.func @transform_5(%arg0: i32) -> (i32, i32) {
    %c0_i32 = arith.constant 0 : i32
    %c0_i32_0 = arith.constant 0 : i32
    %c0_i32_1 = arith.constant 0 : i32
    return %c0_i32, %c0_i32_0 : i32, i32
  }
  func.func @transform_6(%arg0: i32) -> (i32, i32) {
    %c0_i32 = arith.constant 0 : i32
    %c0_i32_0 = arith.constant 0 : i32
    %c0_i32_1 = arith.constant 0 : i32
    return %c0_i32, %c0_i32_0 : i32, i32
  }
  func.func @transform_7(%arg0: i32) -> (i32, i32) {
    %c0_i32 = arith.constant 0 : i32
    %c0_i32_0 = arith.constant 0 : i32
    %c0_i32_1 = arith.constant 0 : i32
    return %c0_i32, %c0_i32_0 : i32, i32
  }
  func.func @transform_8(%arg0: i32) -> (i32, i32, i32) {
    %c0_i32 = arith.constant 0 : i32
    %c0_i32_0 = arith.constant 0 : i32
    %c0_i32_1 = arith.constant 0 : i32
    return %c0_i32, %arg0, %c0_i32_0 : i32, i32, i32
  }
  func.func @transform_9(%arg0: i32) -> (i32, i32, i32) {
    %c0_i32 = arith.constant 0 : i32
    %c0_i32_0 = arith.constant 0 : i32
    %c0_i32_1 = arith.constant 0 : i32
    return %c0_i32, %arg0, %c0_i32_0 : i32, i32, i32
  }
}

</mosaic_0001>

<sc_bundles>
// kernel: kernel.4.cloned.1.call-start
scs
__scs_entry_jumppad:
0x0: {  	(pc) =	sbr.rel $0x88, $3  }
0x1: {  	(tag) =	ssettag $0x0;
	lr =	simm.s32 $0x1  }
0x2: {  	[smem:$0x3F99] =	sst lr;
	_ =	strace $0xD0000000  }
0x3: {  	_ = 	snop  }
0x4: {  	_ = 	snop  }
0x5: {  	_ = 	snop  }
0x6: {  	_ = 	snop  }
0x7: {  	_ = 	snop  }
__scs_overlays_trampoline_lowered:
0x8: {  	[smem:$0x3FA8] =	sst s0  }
0x9: {  	[smem:$0x3FA9] =	sst s1  }
0xa: {  	[smem:$0x3FAA] =	sst s2  }
0xb: {  	[smem:$0x3FAB] =	sst s3  }
0xc: {  	[smem:$0x3FAC] =	sst s4  }
0xd: {  	[smem:$0x3FAD] =	sst s5  }
0xe: {  	[smem:$0x3FAE] =	sst s6  }
0xf: {  	[smem:$0x3FAF] =	sst s7  }
0x10: {  	[smem:$0x3FB0] =	sst s8  }
0x11: {  	[smem:$0x3FB1] =	sst s9;
	s0 =	simm.s32 @!p0 $0x0  }
0x12: {  	s1 =	sld [smem:$0x3F97];
	s0 =	simm.s32 @p0 $0x1  }
0x13: {  	[smem:$0x3FB2] =	sst s0;
	s0 =	simm.s32 @!p1 $0x0  }
0x14: {  	s2 =	sld [smem:$0x3F96];
	s0 =	simm.s32 @p1 $0x1  }
0x15: {  	[smem:$0x3FB3] =	sst s0;
	s0 =	simm.s32 @!p2 $0x0  }
0x16: {  	s3 =	sld [smem:$0x3FDB];
	s0 =	simm.s32 @p2 $0x1  }
0x17: {  	s4 =	simm.s32 $0x1BF5;
	[smem:$0x3FB5] =	sst s0  }
0x18: {  	s0 =	sld [smem:$0x3F98];
	_ =	swait.ge [sflag:s4], $0x0  }
0x19: {  	s7 =	sld [smem:$0x3F99]  }
0x1a: {  	s8 =	sadd.s32 $0xFFFFE003, lr  }
0x1b: {  	s9 =	sadd.s32 $0xFFFFFEF7, lr;
	s5 =	simm.s32 $0xFFFFFFFF;
	p2 =	slt.u32 s8, $0xFFFFF086  }
0x1c: {  	p1 =	slt.u32 s9, $0xF7A;
	s5 =	simm.s32 @!p2 $0x0  }
0x1d: {  	s5 =	simm.s32 @p1 $0x1;
	p0 =	seq.s32 s7, s2  }
0x1e: {  	s7 =	smul.u32 @!p0 $0xF7A, s2;
	p2 =	seq.s32 @!p0 s5, $0x0  }
0x1f: {  	s9 =	smul.u32 $0xF7A, s1;
	s8 =	simm.s32 @!p0 $0x1BF5;
	p2 =	por !p2, p0  }
0x20: {  	[sflag:s8] =	ssyncset.s32 @!p0 $0xFFFFF086;
	s6 =	sadd.s32 @!p0 s3, s7;
	s7 =	simm.s32 @!p0 $0x108  }
0x21: {  	s3 =	sadd.s32 s3, s9;
	s6 =	sadd.s32 @!p0 $0x88, s6;
	s7 =	simm.s32 @p2 $0x1082  }
0x22: {  	[simem:s7], [sflag:s8] =	dma.local @!p0 [hbm:s6], $0xF7A  }
0x23: {  	s9 =	sor.u32 $0xD0000000, s2;
	s6 =	simm.s32 $0x108;
	_ =	swait.ge @!p0 [sflag:s8], $0x0  }
0x24: {  	s3 =	sadd.s32 $0x88, s3;
	s6 =	simm.s32 @!p1 $0x1082;
	[sflag:s4] =	ssyncset.s32 $0xFFFFF086  }
0x25: {  	[simem:s6], [sflag:s4] =	dma.local [hbm:s3], $0xF7A  }
0x26: {  	[smem:$0x3F99] =	sst s1;
	(tag) =	ssettag s2;
	_ =	strace s9  }
0x27: {  	s1 =	sld [smem:$0x3FA9]  }
0x28: {  	s2 =	sld [smem:$0x3FAA]  }
0x29: {  	s4 =	sld [smem:$0x3FAC]  }
0x2a: {  	p0 =	seq.s32 s5, $0x0;
	s5 =	sld [smem:$0x3FAD]  }
0x2b: {  	s6 =	sld [smem:$0x3FAE]  }
0x2c: {  	s7 =	sld [smem:$0x3FAF]  }
0x2d: {  	s3 =	simm.s32 $0x108;
	s8 =	sld [smem:$0x3FB0]  }
0x2e: {  	s3 =	simm.s32 @!p0 $0x1082;
	s9 =	sld [smem:$0x3FB1]  }
0x2f: {  	lr =	sadd.s32 s0, s3;
	s0 =	sld [smem:$0x3FA8]  }
0x30: {  	s3 =	sld [smem:$0x3FAB]  }
0x31: {  	[smem:$0x3FB4] =	sst s10  }
0x32: {  	s10 =	sld [smem:$0x3FB2];
	_ =	sdelay $0x3  }
0x33: {  	p0 =	seq.s32 s10, $0x1;
	s10 =	sld [smem:$0x3FB4];
	_ =	sdelay $0x3  }
0x34: {  	[smem:$0x3FB4] =	sst s10  }
0x35: {  	s10 =	sld [smem:$0x3FB3];
	_ =	sdelay $0x3  }
0x36: {  	p1 =	seq.s32 s10, $0x1;
	s10 =	sld [smem:$0x3FB4];
	_ =	sdelay $0x3  }
0x37: {  	[smem:$0x3FB4] =	sst s10  }
0x38: {  	s10 =	sld [smem:$0x3FB5]  }
0x39: {  	_ = 	snop;
	(pc) =	sbr.ind lr, $3  }
0x3a: {  	_ = 	snop  }
0x3b: {  	_ = 	snop  }
0x3c: {  	p2 =	seq.s32 s10, $0x1;
	s10 =	sld [smem:$0x3FB4]  }
0x3d: {  	_ =	shalt  }
0x3e: {  	_ =	shalt  }
0x3f: {  	_ =	shalt  }
0x40: {  	_ =	shalt  }
0x41: {  	_ =	shalt  }
0x42: {  	_ =	shalt  }
0x43: {  	_ =	shalt  }
0x44: {  	_ =	shalt  }
0x45: {  	_ =	shalt  }
0x46: {  	_ =	shalt  }
0x47: {  	_ =	shalt  }
0x48: {  	_ =	shalt  }
0x49: {  	_ =	shalt  }
0x4a: {  	_ =	shalt  }
0x4b: {  	_ =	shalt  }
0x4c: {  	_ =	shalt  }
0x4d: {  	_ =	shalt  }
0x4e: {  	_ =	shalt  }
0x4f: {  	_ =	shalt  }
0x50: {  	_ =	shalt  }
0x51: {  	_ =	shalt  }
0x52: {  	_ =	shalt  }
0x53: {  	_ =	shalt  }
0x54: {  	_ =	shalt  }
0x55: {  	_ =	shalt  }
0x56: {  	_ =	shalt  }
0x57: {  	_ =	shalt  }
0x58: {  	_ =	shalt  }
0x59: {  	_ =	shalt  }
0x5a: {  	_ =	shalt  }
0x5b: {  	_ =	shalt  }
0x5c: {  	_ =	shalt  }
0x5d: {  	_ =	shalt  }
0x5e: {  	_ =	shalt  }
0x5f: {  	_ =	shalt  }
0x60: {  	_ =	shalt  }
0x61: {  	_ =	shalt  }
0x62: {  	_ =	shalt  }
0x63: {  	_ =	shalt  }
0x64: {  	_ =	shalt  }
0x65: {  	_ =	shalt  }
0x66: {  	_ =	shalt  }
0x67: {  	_ =	shalt  }
0x68: {  	_ =	shalt  }
0x69: {  	_ =	shalt  }
0x6a: {  	_ =	shalt  }
0x6b: {  	_ =	shalt  }
0x6c: {  	_ =	shalt  }
0x6d: {  	_ =	shalt  }
0x6e: {  	_ =	shalt  }
0x6f: {  	_ =	shalt  }
0x70: {  	_ =	shalt  }
0x71: {  	_ =	shalt  }
0x72: {  	_ =	shalt  }
0x73: {  	_ =	shalt  }
0x74: {  	_ =	shalt  }
0x75: {  	_ =	shalt  }
0x76: {  	_ =	shalt  }
0x77: {  	_ =	shalt  }
0x78: {  	_ =	shalt  }
0x79: {  	_ =	shalt  }
0x7a: {  	_ =	shalt  }
0x7b: {  	_ =	shalt  }
0x7c: {  	_ =	shalt  }
0x7d: {  	_ =	shalt  }
0x7e: {  	_ =	shalt  }
0x7f: {  	_ =	shalt  }
0x80: {  	_ =	shalt  }
0x81: {  	_ =	shalt  }
0x82: {  	_ =	shalt  }
0x83: {  	_ =	shalt  }
0x84: {  	_ =	shalt  }
0x85: {  	_ =	shalt  }
0x86: {  	_ =	shalt  }
0x87: {  	_ =	shalt  }
.Lfunc_end0:
.L_simem_size_0:
called_computation_lowered:
.L_overlay_start_0:
0x88: {  	s2 =	sld [smem:$0x3FD9]  }
0x89: {  	s3 =	sld [smem:$0x3FFE];
	_ =	sdelay $0x1  }
0x8a: {  	s1 =	srdreg.scid  }
0x8b: {  	s0 =	sand.u32 $0x1, s1  }
0x8c: {  	s15 =	sshll.u32 s0, $0xA;
	s2 =	sadd.s32 s3, s2  }
0x8d: {  	s2 =	sadd.s32 s2, s15  }
0x8e: {  	[smem:$0x3FC0] =	sst s2  }
0x8f: {  	_ = 	snop  }
0x90: {  	s2 =	sld [smem:$0x3FD0];
	_ =	sdelay $0x1  }
0x91: {  	s16 =	sld [smem:$0x3FC9]  }
0x92: {  	s5 =	simm.s32 $0xA;
	s6 =	simm.s32 $0x10;
	s4 =	sld [smem:$0x3FC8]  }
0x93: {  	[smem:s6], [sflag:s5] =	dma.local [hbm:s2], $0x1  }
0x94: {  	_ =	swait.eq [sflag:s5], $0x1  }
0x95: {  	[sflag:s5] =	ssyncset.done $0x0  }
0x96: {  	s17 =	sld [smem:$0x10];
	[sflag:s5] =	ssyncadd.s32 $0xFFFFFFFF  }
0x97: {  	s18 =	sld [smem:$0x11];
	(tm) =	ssettm $0x1  }
0x98: {  	s19 =	sld [smem:$0x3FFB];
	_ =	sdelay $0x3  }
0x99: {  	_ =	strace s19  }
0x9a: {  	s6 =	sld [smem:$0x3FFC];
	_ =	sdelay $0x3  }
0x9b: {  	_ =	strace s6  }
0x9c: {  	s6 =	sld [smem:$0x3FFD];
	_ =	sdelay $0x3  }
0x9d: {  	_ =	strace s6  }
0x9e: {  	_ =	strace $0x8FFFFFFF  }
0x9f: {  	s20 =	sld [smem:$0x3FDB];
	_ =	sdelay $0x1  }
0xa0: {  	s7 =	simm.s32 $_scs_section_size  }
0xa1: {  	s8 =	simm.s32 $_size__tile_overlayer_lowered;
	s9 =	simm.s32 $_tile_overlayer_lowered  }
0xa2: {  	s23 =	simm.s32 $0x1BFF;
	s22 =	sshll.u32 s9, $0x1;
	s6 =	sadd.s32 s7, s20  }
0xa3: {  	s10 =	simm.s32 $0x0;
	s21 =	sshll.u32 s8, $0x1;
	s8 =	sadd.s32 s22, s6  }
0xa4: {  	[timem:s10], [sflag:s23] =	dma.local [hbm:s8], s21  }
0xa5: {  	_ =	swait.ge [sflag:s23], s21  }
0xa6: {  	s7 =	ssub.s32 $0x0, s21;
	[sflag:s23] =	ssyncset.done $0x0  }
0xa7: {  	[sflag:s23] =	ssyncadd.s32 s7;
	_ =	sdelay $0x1  }
0xa8: {  	s24 =	simm.s32 $0x1B8B  }
0xa9: {  	_ =	swait.ge [sflag:s24], $0x1  }
0xaa: {  	[sflag:s24] =	ssyncset.done $0x0  }
0xab: {  	s25 =	simm.s32 $0x1B8E;
	[sflag:s24] =	ssyncadd.s32 $0xFFFFFFFF  }
0xac: {  	s26 =	simm.s32 $execute0_lowered;
	[smem:$0x3FD2] =	sst s25  }
0xad: {  	s7 =	sshll.u32 s26, $0x1;
	_ =	strace $0x80000046;
	[dreg:$0x1] =	wrdreg $0xFFFFFFFF  }
0xae: {  	s28 =	simm.s32 $_size_execute0_lowered;
	s6 =	sadd.s32 s6, s7;
	[dreg:$0x0] =	wrdreg $0x0  }
0xaf: {  	s7 =	sshll.u32 s28, $0x1;
	[dreg:$0x2] =	wrdreg s6  }
0xb0: {  	[dreg:$0x3] =	wrdreg s7  }
0xb1: {  	[dreg:$0x4] =	wrdreg $0xC0  }
0xb2: {  	_ =	task [dreg:s10], $0x5FFFF  }
0xb3: {  	[dreg:$0x1] =	wrdreg $0xFFFFFFFF  }
0xb4: {  	[dreg:$0x0] =	wrdreg $0x60  }
0xb5: {  	[dreg:$0x2] =	wrdreg s16  }
0xb6: {  	[dreg:$0x3] =	wrdreg s4  }
0xb7: {  	[dreg:$0x4] =	wrdreg s18  }
0xb8: {  	[dreg:$0x5] =	wrdreg s17  }
0xb9: {  	[dreg:$0x6] =	wrdreg $0x9  }
0xba: {  	_ =	task.clear_ibuf [dreg:s10], $0x7FFFF;
	_ =	strace $0x90000046  }
0xbb: {  	s29 =	simm.s32 $0x9;
	_ =	strace $0x80000048  }
0xbc: {  	_ =	swait.ge [sflag:s29], $0x1  }
0xbd: {  	[sflag:s29] =	ssyncadd.s32 $0xFFFFFFFF  }
0xbe: {  	_ =	strace $0x90000048  }
0xbf: {  	_ =	sfence  }
0xc0: {  	s30 =	sld [smem:$0x0];
	_ =	sdelay $0x2  }
0xc1: {  	s31 =	sshll.u32 s1, $0xD;
	s1 =	sshrl.u32 s1, $0x2  }
0xc2: {  	s3 =	sand.u32 $0x4000, s31;
	s1 =	sadd.s32 s1, s30  }
0xc3: {  	s0 =	sor.u32 s3, s0;
	s1 =	sshll.u32 s1, $0x11  }
0xc4: {  	s0 =	sor.u32 s1, s0  }
0xc5: {  	s0 =	sadd.s32 $0x8F2B, s0  }
0xc6: {  	[sflag:s0] =	ssyncadd.remote.s32 $0x1  }
0xc7: {  	_ =	sfence.sel $0xFFFF  }
0xc8: {  	[dreg:$0x0] =	wrdreg $0xFFFFFFFF;
	(pc) =	sbr.abs _section_cstart, $3  }
0xc9: {  	[dreg:$0x1] =	wrdreg $0xFFFFFFFF  }
0xca: {  	_ =	task.clear_ibuf [dreg:s10], $0x2FFFF;
	_ =	strace $0x9FFFFFFF  }
0xcb: {  	(tm) =	ssettm $0x7FFFFFFF  }
tec
execute0_lowered:
.L_overlay_start_1:
0x0: {  	(tag) =	ssettag $0x1  }
0x1: {  	s1 =	rddreg [dreg:$0x0]  }
0x2: {  	s2 =	rddreg [dreg:$0x1]  }
0x3: {  	s0 =	rddreg [dreg:$0x2]  }
0x4: {  	s3 =	rddreg [dreg:$0x3]  }
0x5: {  	s5 =	srdreg.scid;
	s11 =	stileid.u32;
	s4 =	simm.s32 $0x0  }
0x6: {  	s12 =	simm.f32 $1.000000000e+00;
	s28 =	simm.s32 $0x10200;
	s29 =	simm.s32 $0x10280  }
0x7: {  	s30 =	simm.s32 $0x14280;
	s31 =	simm.s32 $0x14300;
	s5 =	sand.u32 $0x1, s5  }
0x8: {  	s6 =	sshll.u32 s11, $0x1;
	[smem:$0x7FF] =	sst s4;
	s11 =	smul.u32 $0x3200, s11  }
0x9: {  	s7 =	ssub.s32 $0x2, s5;
	s6 =	sor.u32 s5, s6;
	s5 =	smul.u32 $0x1900, s5  }
0xa: {  	_ =	strace $0x80000047;
	s8 =	sshrl.u32 s7, $0x1;
	s9 =	smul.u32 $0x1900, s6  }
0xb: {  	s10 =	sshll.u32 s6, $0x4;
	s26 =	sshll.u32 s6, $0xB;
	p0 =	seq.s32 s6, $0x1F  }
0xc: {  	s8 =	ssub.s32 s7, s8;
	s25 =	sadd.s32 s1, s10;
	s0 =	sadd.s32 s0, s26  }
0xd: {  	s12 =	simm.s32 @!p0 $0x0;
	s13 =	sadd.s32 s5, s11;
	[dreg:$0xa] =	wrdreg s25  }
0xe: {  	s9 =	sshrl.u32 s9, $0x3;
	[dreg:$0xb] =	wrdreg s0;
	s16 =	sadd.s32 $0x580, s13  }
0xf: {  	s18 =	sadd.s32 $0x500, s13;
	s20 =	sadd.s32 $0x480, s13;
	s22 =	sadd.s32 $0x400, s13  }
0x10: {  	s23 =	sadd.s32 $0x380, s13;
	s0 =	simm.s32 $0x2;
	s7 =	sadd.s32 s1, s9  }
0x11: {  	s5 =	sshrl.u32 s16, $0x3;
	s21 =	sshrl.u32 s20, $0x3;
	s25 =	sshrl.u32 s23, $0x3  }
0x12: {  	s16 =	smax.u32 s8, $0x1;
	s20 =	simm.s32 $0x1;
	s6 =	sadd.s32 $0x10, s7  }
0x13: {  	s23 =	simm.s32 $0x8100;
	s9 =	sadd.s32 $0x20, s7;
	[dreg:$0xc] =	wrdreg s6  }
0x14: {  	s8 =	simm.s32 $0x6;
	s14 =	sadd.s32 $0x30, s7;
	[dreg:$0xd] =	wrdreg s9  }
0x15: {  	s15 =	sadd.s32 $0x40, s7;
	s17 =	sadd.s32 $0x50, s7;
	[dreg:$0xe] =	wrdreg s14  }
0x16: {  	s5 =	sadd.s32 s5, s1;
	s26 =	sadd.s32 s25, s1;
	[dreg:$0xf] =	wrdreg s15  }
0x17: {  	s25 =	simm.s32 $0xC180;
	[dreg:$0x10] =	wrdreg s17;
	s9 =	sadd.s32 $0x300, s7  }
0x18: {  	s6 =	sshrl.u32 s18, $0x3;
	[dreg:$0x5] =	wrdreg s5;
	s5 =	sadd.s32 s21, s1  }
0x19: {  	s14 =	sadd.s32 $0x310, s7;
	s15 =	sadd.s32 s3, s10;
	[dreg:$0x9] =	wrdreg s26  }
0x1a: {  	s17 =	sadd.s32 $0x300, s13;
	s18 =	simm.s32 $0x7;
	s21 =	simm.s32 $0x4080  }
0x1b: {  	s26 =	simm.s32 $0xC200;
	s3 =	simm.s32 $0x3;
	[dreg:$0x11] =	wrdreg s9  }
0x1c: {  	s19 =	sadd.s32 s6, s1;
	s6 =	sshrl.u32 s22, $0x3;
	[dreg:$0x7] =	wrdreg s5  }
0x1d: {  	s22 =	simm.s32 $0x4100;
	s5 =	simm.s32 $0x4;
	s9 =	simm.s32 $0x0  }
0x1e: {  	[dreg:$0x6] =	wrdreg s19;
	s24 =	sadd.s32 s6, s1;
	s19 =	simm.s32 $0x80  }
0x1f: {  	v0 =	vmov s12;
	s6 =	simm.s32 $0x5;
	[dreg:$0x8] =	wrdreg s24;
	s24 =	simm.s32 $0x8180  }
.LBB2_1:
0x20: {  	s10 =	rddreg [dreg:$0xa]  }
0x21: {  	[tilespmem:s4], [sflag:$0x7] =	stream.linear.gather [hbm4b:s10+s4], $0x80, $0x38;
	[tilespmem:$0x18380] =	vst v63  }
0x22: {  	_ =	swait.ge [sflag:s18], $0x80  }
0x23: {  	[sflag:s18] =	ssyncset.done $0x0  }
0x24: {  	[sflag:s18] =	ssyncadd.s32 $0xFFFFFF80  }
0x25: {  	[tilespmem:s19], [sflag:$0x1] =	stream.indirect.gather [hbm4b:s2+s19], $0x80, s4, s19, $0xb8;
	[tilespmem:$0x18380] =	vst v63  }
0x26: {  	_ =	swait.ge [sflag:s20], $0x4000  }
0x27: {  	[sflag:s20] =	ssyncset.done $0x0  }
0x28: {  	s13 =	rddreg [dreg:$0xb];
	[sflag:s20] =	ssyncadd.s32 $0xFFFFC000  }
0x29: {  	[hbm4b:s13+s4] =	stream.linear.scatter [tilespmem:s19], [sflag:$0x7], $0x4000, $0x38;
	[tilespmem:$0x18380] =	vst v63  }
0x2a: {  	_ =	swait.ge [sflag:s18], $0x4000  }
0x2b: {  	[sflag:s18] =	ssyncset.done $0x0  }
0x2c: {  	[sflag:s18] =	ssyncadd.s32 $0xFFFFC000  }
0x2d: {  	[tilespmem:s21], [sflag:$0x7] =	stream.linear.gather [hbm4b:s7+s4], $0x80, $0x38;
	[tilespmem:$0x18380] =	vst v63  }
0x2e: {  	_ =	swait.ge [sflag:s18], $0x80  }
0x2f: {  	[sflag:s18] =	ssyncset.done $0x0  }
0x30: {  	s12 =	simm.s32 $0x0;
	[sflag:s18] =	ssyncadd.s32 $0xFFFFFF80  }
0x31: {  	[tilespmem:s22], [sflag:$0x2] =	stream.indirect.gather [hbm4b:s2+s19], $0x80, s21, s19, $0xb8;
	[tilespmem:$0x18380] =	vst v63  }
0x32: {  	v1 =	vld [tilespmem:s12+$0xF0]  }
0x33: {  	v2 =	vld [tilespmem:s12+$0x80]  }
0x34: {  	v3 =	vld [tilespmem:s12+$0x90]  }
0x35: {  	v14 =	vld [tilespmem:s12+$0xA0]  }
0x36: {  	v15 =	vld [tilespmem:s12+$0xB0]  }
0x37: {  	v12 =	vimm.f32 $0.0e+00;
	v13 =	vimm.f32 $0.0e+00;
	v16 =	vld [tilespmem:s12+$0xC0]  }
0x38: {  	v19 =	vimm.f32 $0.0e+00;
	v17 =	vimm.f32 $0.0e+00;
	v20 =	vld [tilespmem:s12+$0xD0];
	v9 =	vadd.f32 v1, v12  }
0x39: {  	s11 =	simm.s32 $0x400;
	v18 =	vimm.f32 $0.0e+00;
	s10 =	simm.s32 $0x80;
	v21 =	vld [tilespmem:s12+$0xE0];
	v10 =	vadd.f32 v2, v12;
	v11 =	vadd.f32 v3, v12  }
.LBB2_2:
0x3a: {  	p0 =	sne.s32 s11, $0xFE00;
	v1 =	vld [tilespmem:s10+$0xF0];
	v12 =	vadd.f32 v14, v12  }
0x3b: {  	v2 =	vld [tilespmem:s10+$0x80];
	v13 =	vadd.f32 v15, v13  }
0x3c: {  	v3 =	vld [tilespmem:s10+$0x90];
	v19 =	vadd.f32 v16, v19  }
.Ltmp0:
0x3d: {  	v14 =	vld [tilespmem:s10+$0xA0];
	v17 =	vadd.f32 v20, v17;
	(pc) =	sbr.rel @p0 .LBB2_2-.Ltmp0, $4  }
0x3e: {  	v15 =	vld [tilespmem:s10+$0xB0];
	v18 =	vadd.f32 v21, v18  }
0x3f: {  	v16 =	vld [tilespmem:s10+$0xC0];
	v9 =	vadd.f32 v1, v9  }
0x40: {  	v10 =	vadd.f32 v2, v10;
	v20 =	vld [tilespmem:s10+$0xD0]  }
0x41: {  	v11 =	vadd.f32 v3, v11;
	v21 =	vld [tilespmem:s10+$0xE0];
	s10 =	sshra.s32 s11, $0x2;
	s11 =	sadd.s32 $0x200, s11  }
0x42: {  	v22 =	vld [tilespmem:s10+$0xF0]  }
0x43: {  	v23 =	vld [tilespmem:s10+$0x80]  }
0x44: {  	v24 =	vld [tilespmem:s10+$0x90]  }
0x45: {  	v25 =	vld [tilespmem:s10+$0xA0]  }
0x46: {  	v26 =	vld [tilespmem:s10+$0xB0]  }
0x47: {  	v27 =	vld [tilespmem:s10+$0xC0]  }
0x48: {  	v28 =	vld [tilespmem:s10+$0xD0]  }
0x49: {  	v29 =	vld [tilespmem:s10+$0xE0]  }
0x4a: {  	v8 =	vld [tilespmem:$0x4000]  }
0x4b: {  	v7 =	vld [tilespmem:$0x4010]  }
0x4c: {  	v6 =	vld [tilespmem:$0x4020]  }
0x4d: {  	v5 =	vld [tilespmem:$0x4030]  }
0x4e: {  	v4 =	vld [tilespmem:$0x4040]  }
0x4f: {  	v3 =	vld [tilespmem:$0x4050]  }
0x50: {  	v2 =	vld [tilespmem:$0x4060];
	s10 =	simm.s32 $0x0;
	s11 =	rddreg [dreg:$0xc]  }
0x51: {  	v1 =	vld [tilespmem:$0x4070];
	[tilespmem:s23], [sflag:$0x7] =	stream.linear.gather [hbm4b:s11+s10], $0x80, $0x38  }
0x52: {  	_ =	swait.ge [sflag:s18], $0x80  }
0x53: {  	[sflag:s18] =	ssyncset.done $0x0  }
0x54: {  	[sflag:s18] =	ssyncadd.s32 $0xFFFFFF80  }
0x55: {  	[tilespmem:s24], [sflag:$0x3] =	stream.indirect.gather [hbm4b:s2+s19], $0x80, s23, s19, $0xb8;
	[tilespmem:$0x18380] =	vst v63  }
0x56: {  	s12 =	rddreg [dreg:$0xd]  }
0x57: {  	[tilespmem:s25], [sflag:$0x7] =	stream.linear.gather [hbm4b:s12+s10], $0x80, $0x38;
	[tilespmem:$0x18380] =	vst v63  }
0x58: {  	_ =	swait.ge [sflag:s18], $0x80  }
0x59: {  	[sflag:s18] =	ssyncset.done $0x0  }
0x5a: {  	[sflag:s18] =	ssyncadd.s32 $0xFFFFFF80  }
0x5b: {  	[tilespmem:s26], [sflag:$0x4] =	stream.indirect.gather [hbm4b:s2+s19], $0x80, s25, s19, $0xb8;
	[tilespmem:$0x18380] =	vst v63  }
0x5c: {  	s13 =	rddreg [dreg:$0xe]  }
0x5d: {  	[tilespmem:s28], [sflag:$0x7] =	stream.linear.gather [hbm4b:s13+s10], $0x80, $0x38;
	[tilespmem:$0x18380] =	vst v63  }
0x5e: {  	_ =	swait.ge [sflag:s18], $0x80  }
0x5f: {  	[sflag:s18] =	ssyncset.done $0x0  }
0x60: {  	[sflag:s18] =	ssyncadd.s32 $0xFFFFFF80  }
0x61: {  	[tilespmem:s29], [sflag:$0x5] =	stream.indirect.gather [hbm4b:s2+s19], $0x80, s28, s19, $0xb8;
	[tilespmem:$0x18380] =	vst v63  }
0x62: {  	s12 =	rddreg [dreg:$0xf]  }
0x63: {  	[tilespmem:s30], [sflag:$0x7] =	stream.linear.gather [hbm4b:s12+s10], $0x80, $0x38;
	[tilespmem:$0x18380] =	vst v63  }
0x64: {  	_ =	swait.ge [sflag:s18], $0x80  }
0x65: {  	[sflag:s18] =	ssyncset.done $0x0  }
0x66: {  	[sflag:s18] =	ssyncadd.s32 $0xFFFFFF80  }
0x67: {  	[tilespmem:s31], [sflag:$0x6] =	stream.indirect.gather [hbm4b:s2+s19], $0x80, s30, s19, $0xb8;
	[tilespmem:$0x18380] =	vst v63  }
0x68: {  	s13 =	rddreg [dreg:$0x10]  }
0x69: {  	[tilespmem:s10], [sflag:$0x7] =	stream.linear.gather [hbm4b:s13+s10], $0x80, $0x38;
	[tilespmem:$0x18380] =	vst v63  }
0x6a: {  	_ =	swait.ge [sflag:s18], $0x80  }
0x6b: {  	[sflag:s18] =	ssyncset.done $0x0  }
0x6c: {  	[sflag:s18] =	ssyncadd.s32 $0xFFFFFF80  }
0x6d: {  	[tilespmem:s19], [sflag:$0x1] =	stream.indirect.gather [hbm4b:s2+s19], $0x80, s10, s19, $0xb8;
	[tilespmem:$0x18380] =	vst v63  }
0x6e: {  	_ =	swait.ge [sflag:s0], $0x4000  }
0x6f: {  	s11 =	sshrl.u32 s17, $0x3;
	[sflag:s0] =	ssyncset.done $0x0  }
0x70: {  	s10 =	sadd.s32 s1, s11;
	[sflag:s0] =	ssyncadd.s32 $0xFFFFC000  }
0x71: {  	[tilespmem:s21], [sflag:$0x7] =	stream.linear.gather [hbm4b:s10+s4], $0x80, $0x38;
	[tilespmem:$0x18380] =	vst v63  }
0x72: {  	_ =	swait.ge [sflag:s18], $0x80  }
0x73: {  	[sflag:s18] =	ssyncset.done $0x0  }
0x74: {  	[sflag:s18] =	ssyncadd.s32 $0xFFFFFF80  }
0x75: {  	[tilespmem:s22], [sflag:$0x2] =	stream.indirect.gather.add.f32 [hbm:s2], $0x80, s21, s19, $0xb8;
	[tilespmem:$0x18380] =	vst v63  }
0x76: {  	_ =	swait.ge [sflag:s3], $0x4000  }
0x77: {  	s12 =	rddreg [dreg:$0x9];
	[sflag:s3] =	ssyncset.done $0x0  }
0x78: {  	[sflag:s3] =	ssyncadd.s32 $0xFFFFC000;
	s10 =	sadd.s32 $0x0, s12  }
0x79: {  	[tilespmem:s23], [sflag:$0x7] =	stream.linear.gather [hbm4b:s10+s4], $0x80, $0x38;
	[tilespmem:$0x18380] =	vst v63  }
0x7a: {  	_ =	swait.ge [sflag:s18], $0x80  }
0x7b: {  	[sflag:s18] =	ssyncset.done $0x0  }
0x7c: {  	[sflag:s18] =	ssyncadd.s32 $0xFFFFFF80  }
0x7d: {  	[tilespmem:s24], [sflag:$0x3] =	stream.indirect.gather.add.f32 [hbm:s2], $0x80, s23, s19, $0xb8;
	[tilespmem:$0x18380] =	vst v63  }
0x7e: {  	_ =	swait.ge [sflag:s5], $0x4000  }
0x7f: {  	s13 =	rddreg [dreg:$0x8];
	[sflag:s5] =	ssyncset.done $0x0  }
0x80: {  	[sflag:s5] =	ssyncadd.s32 $0xFFFFC000;
	s10 =	sadd.s32 $0x0, s13  }
0x81: {  	[tilespmem:s25], [sflag:$0x7] =	stream.linear.gather [hbm4b:s10+s4], $0x80, $0x38;
	[tilespmem:$0x18380] =	vst v63  }
0x82: {  	_ =	swait.ge [sflag:s18], $0x80  }
0x83: {  	[sflag:s18] =	ssyncset.done $0x0  }
0x84: {  	[sflag:s18] =	ssyncadd.s32 $0xFFFFFF80  }
0x85: {  	[tilespmem:s26], [sflag:$0x4] =	stream.indirect.gather.add.f32 [hbm:s2], $0x80, s25, s19, $0xb8;
	[tilespmem:$0x18380] =	vst v63  }
0x86: {  	_ =	swait.ge [sflag:s6], $0x4000  }
0x87: {  	s11 =	rddreg [dreg:$0x7];
	[sflag:s6] =	ssyncset.done $0x0  }
0x88: {  	[sflag:s6] =	ssyncadd.s32 $0xFFFFC000;
	s10 =	sadd.s32 $0x0, s11  }
0x89: {  	[tilespmem:s28], [sflag:$0x7] =	stream.linear.gather [hbm4b:s10+s4], $0x80, $0x38;
	[tilespmem:$0x18380] =	vst v63  }
0x8a: {  	_ =	swait.ge [sflag:s18], $0x80  }
0x8b: {  	[sflag:s18] =	ssyncset.done $0x0  }
0x8c: {  	[sflag:s18] =	ssyncadd.s32 $0xFFFFFF80  }
0x8d: {  	[tilespmem:s29], [sflag:$0x5] =	stream.indirect.gather.add.f32 [hbm:s2], $0x80, s28, s19, $0xb8;
	[tilespmem:$0x18380] =	vst v63  }
0x8e: {  	_ =	swait.ge [sflag:s8], $0x4000  }
0x8f: {  	s12 =	rddreg [dreg:$0x6];
	[sflag:s8] =	ssyncset.done $0x0  }
0x90: {  	[sflag:s8] =	ssyncadd.s32 $0xFFFFC000;
	s10 =	sadd.s32 $0x0, s12  }
0x91: {  	[tilespmem:s30], [sflag:$0x7] =	stream.linear.gather [hbm4b:s10+s4], $0x80, $0x38;
	[tilespmem:$0x18380] =	vst v63  }
0x92: {  	_ =	swait.ge [sflag:s18], $0x80  }
0x93: {  	[sflag:s18] =	ssyncset.done $0x0  }
0x94: {  	[sflag:s18] =	ssyncadd.s32 $0xFFFFFF80  }
0x95: {  	[tilespmem:s31], [sflag:$0x6] =	stream.indirect.gather.add.f32 [hbm:s2], $0x80, s30, s19, $0xb8;
	[tilespmem:$0x18380] =	vst v63  }
0x96: {  	v12 =	vadd.f32 v14, v12;
	_ =	swait.ge [sflag:s20], $0x4000  }
0x97: {  	v13 =	vadd.f32 v15, v13;
	v19 =	vadd.f32 v16, v19;
	s13 =	rddreg [dreg:$0x5];
	[sflag:s20] =	ssyncset.done $0x0  }
0x98: {  	v17 =	vadd.f32 v20, v17;
	v18 =	vadd.f32 v21, v18;
	[sflag:s20] =	ssyncadd.s32 $0xFFFFC000;
	s10 =	sadd.s32 $0x0, s13  }
0x99: {  	v9 =	vadd.f32 v22, v9;
	v16 =	vadd.f32 v23, v10;
	[tilespmem:s4], [sflag:$0x7] =	stream.linear.gather [hbm4b:s10+s4], $0x80, $0x38;
	[tilespmem:$0x18380] =	vst v63  }
0x9a: {  	v15 =	vadd.f32 v24, v11;
	v14 =	vadd.f32 v25, v12;
	_ =	swait.ge [sflag:s18], $0x80  }
0x9b: {  	v13 =	vadd.f32 v26, v13;
	v12 =	vadd.f32 v27, v19;
	[sflag:s18] =	ssyncset.done $0x0  }
0x9c: {  	v11 =	vadd.f32 v28, v17;
	v10 =	vadd.f32 v29, v18;
	s11 =	sadd.s32 $0x300, s17;
	s10 =	simm.s32 $0x60;
	[sflag:s18] =	ssyncadd.s32 $0xFFFFFF80  }
.LBB2_4:
0x9d: {  	[tilespmem:s19], [sflag:$0x1] =	stream.indirect.gather.add.f32 [hbm:s2], $0x80, s4, s19, $0xb8;
	[tilespmem:$0x18380] =	vst v63  }
0x9e: {  	_ =	swait.ge [sflag:s0], $0x4000  }
0x9f: {  	s13 =	sshrl.u32 s11, $0x3;
	[sflag:s0] =	ssyncset.done $0x0  }
0xa0: {  	s13 =	sadd.s32 s1, s13;
	[sflag:s0] =	ssyncadd.s32 $0xFFFFC000  }
0xa1: {  	[tilespmem:s21], [sflag:$0x7] =	stream.linear.gather [hbm4b:s13+s4], $0x80, $0x38;
	[tilespmem:$0x18380] =	vst v63  }
0xa2: {  	_ =	swait.ge [sflag:s18], $0x80  }
0xa3: {  	[sflag:s18] =	ssyncset.done $0x0  }
0xa4: {  	[sflag:s18] =	ssyncadd.s32 $0xFFFFFF80  }
0xa5: {  	[tilespmem:s22], [sflag:$0x2] =	stream.indirect.gather.add.f32 [hbm:s2], $0x80, s21, s19, $0xb8;
	[tilespmem:$0x18380] =	vst v63  }
0xa6: {  	_ =	swait.ge [sflag:s3], $0x4000  }
0xa7: {  	s12 =	smov.u32 s10;
	s13 =	rddreg [dreg:$0x9];
	[sflag:s3] =	ssyncset.done $0x0  }
0xa8: {  	[sflag:s3] =	ssyncadd.s32 $0xFFFFC000;
	s13 =	sadd.s32 s12, s13  }
0xa9: {  	[tilespmem:s23], [sflag:$0x7] =	stream.linear.gather [hbm4b:s13+s4], $0x80, $0x38;
	[tilespmem:$0x18380] =	vst v63  }
0xaa: {  	_ =	swait.ge [sflag:s18], $0x80  }
0xab: {  	[sflag:s18] =	ssyncset.done $0x0  }
0xac: {  	[sflag:s18] =	ssyncadd.s32 $0xFFFFFF80  }
0xad: {  	[tilespmem:s24], [sflag:$0x3] =	stream.indirect.gather.add.f32 [hbm:s2], $0x80, s23, s19, $0xb8;
	[tilespmem:$0x18380] =	vst v63  }
0xae: {  	_ =	swait.ge [sflag:s5], $0x4000  }
0xaf: {  	s13 =	rddreg [dreg:$0x8];
	[sflag:s5] =	ssyncset.done $0x0  }
0xb0: {  	[sflag:s5] =	ssyncadd.s32 $0xFFFFC000;
	s13 =	sadd.s32 s12, s13  }
0xb1: {  	[tilespmem:s25], [sflag:$0x7] =	stream.linear.gather [hbm4b:s13+s4], $0x80, $0x38;
	[tilespmem:$0x18380] =	vst v63  }
0xb2: {  	_ =	swait.ge [sflag:s18], $0x80  }
0xb3: {  	[sflag:s18] =	ssyncset.done $0x0  }
0xb4: {  	[sflag:s18] =	ssyncadd.s32 $0xFFFFFF80  }
0xb5: {  	[tilespmem:s26], [sflag:$0x4] =	stream.indirect.gather.add.f32 [hbm:s2], $0x80, s25, s19, $0xb8;
	[tilespmem:$0x18380] =	vst v63  }
0xb6: {  	_ =	swait.ge [sflag:s6], $0x4000  }
0xb7: {  	s13 =	rddreg [dreg:$0x7];
	[sflag:s6] =	ssyncset.done $0x0  }
0xb8: {  	[sflag:s6] =	ssyncadd.s32 $0xFFFFC000;
	s13 =	sadd.s32 s12, s13  }
0xb9: {  	[tilespmem:s28], [sflag:$0x7] =	stream.linear.gather [hbm4b:s13+s4], $0x80, $0x38;
	[tilespmem:$0x18380] =	vst v63  }
0xba: {  	_ =	swait.ge [sflag:s18], $0x80  }
0xbb: {  	[sflag:s18] =	ssyncset.done $0x0  }
0xbc: {  	[sflag:s18] =	ssyncadd.s32 $0xFFFFFF80  }
0xbd: {  	[tilespmem:s29], [sflag:$0x5] =	stream.indirect.gather.add.f32 [hbm:s2], $0x80, s28, s19, $0xb8;
	[tilespmem:$0x18380] =	vst v63  }
0xbe: {  	_ =	swait.ge [sflag:s8], $0x4000  }
0xbf: {  	s13 =	rddreg [dreg:$0x6];
	[sflag:s8] =	ssyncset.done $0x0  }
0xc0: {  	[sflag:s8] =	ssyncadd.s32 $0xFFFFC000;
	s13 =	sadd.s32 s12, s13  }
0xc1: {  	[tilespmem:s30], [sflag:$0x7] =	stream.linear.gather [hbm4b:s13+s4], $0x80, $0x38;
	[tilespmem:$0x18380] =	vst v63  }
0xc2: {  	_ =	swait.ge [sflag:s18], $0x80  }
0xc3: {  	[sflag:s18] =	ssyncset.done $0x0  }
0xc4: {  	[sflag:s18] =	ssyncadd.s32 $0xFFFFFF80  }
0xc5: {  	[tilespmem:s31], [sflag:$0x6] =	stream.indirect.gather.add.f32 [hbm:s2], $0x80, s30, s19, $0xb8;
	[tilespmem:$0x18380] =	vst v63  }
0xc6: {  	_ =	swait.ge [sflag:s20], $0x4000  }
0xc7: {  	p0 =	sne.s32 s10, $0x240;
	s13 =	rddreg [dreg:$0x5];
	[sflag:s20] =	ssyncset.done $0x0  }
.Ltmp1:
0xc8: {  	[sflag:s20] =	ssyncadd.s32 $0xFFFFC000;
	s12 =	sadd.s32 s12, s13;
	(pc) =	sbr.rel @p0 .LBB2_4-.Ltmp1, $4  }
0xc9: {  	[tilespmem:s4], [sflag:$0x7] =	stream.linear.gather [hbm4b:s12+s4], $0x80, $0x38;
	[tilespmem:$0x18380] =	vst v63  }
0xca: {  	_ =	swait.ge [sflag:s18], $0x80  }
0xcb: {  	[sflag:s18] =	ssyncset.done $0x0  }
0xcc: {  	s10 =	sadd.s32 $0x60, s10;
	s11 =	sadd.s32 $0x300, s11;
	[sflag:s18] =	ssyncadd.s32 $0xFFFFFF80  }
0xcd: {  	[tilespmem:s19], [sflag:$0x1] =	stream.indirect.gather.add.f32 [hbm:s2], $0x80, s4, s19, $0xb8;
	[tilespmem:$0x18380] =	vst v63  }
0xce: {  	_ =	swait.ge [sflag:s0], $0x4000  }
0xcf: {  	[sflag:s0] =	ssyncset.done $0x0  }
0xd0: {  	s10 =	simm.s32 $0x0;
	s11 =	rddreg [dreg:$0x11];
	[sflag:s0] =	ssyncadd.s32 $0xFFFFC000  }
0xd1: {  	[tilespmem:s21], [sflag:$0x7] =	stream.linear.gather [hbm4b:s11+s10], $0x80, $0x38;
	[tilespmem:$0x18380] =	vst v63  }
0xd2: {  	_ =	swait.ge [sflag:s18], $0x80  }
0xd3: {  	[sflag:s18] =	ssyncset.done $0x0  }
0xd4: {  	[sflag:s18] =	ssyncadd.s32 $0xFFFFFF80  }
0xd5: {  	[tilespmem:s22], [sflag:$0x2] =	stream.indirect.gather.add.f32 [hbm:s2], $0x80, s21, s19, $0xb8;
	[tilespmem:$0x18380] =	vst v63  }
0xd6: {  	_ =	swait.ge [sflag:s3], $0x4000  }
0xd7: {  	[sflag:s3] =	ssyncset.done $0x0  }
0xd8: {  	[sflag:s3] =	ssyncadd.s32 $0xFFFFC000  }
0xd9: {  	[tilespmem:s23], [sflag:$0x7] =	stream.linear.gather [hbm4b:s14+s10], $0x80, $0x38;
	[tilespmem:$0x18380] =	vst v63  }
0xda: {  	_ =	swait.ge [sflag:s18], $0x80  }
0xdb: {  	[sflag:s18] =	ssyncset.done $0x0  }
0xdc: {  	[sflag:s18] =	ssyncadd.s32 $0xFFFFFF80  }
0xdd: {  	[tilespmem:s24], [sflag:$0x3] =	stream.indirect.gather.add.f32 [hbm:s2], $0x80, s23, s19, $0xb8;
	[tilespmem:$0x18380] =	vst v63  }
0xde: {  	_ =	swait.ge [sflag:s5], $0x4000  }
0xdf: {  	[sflag:s5] =	ssyncset.done $0x0  }
0xe0: {  	[sflag:s5] =	ssyncadd.s32 $0xFFFFC000  }
0xe1: {  	_ =	swait.ge [sflag:s6], $0x4000  }
0xe2: {  	[sflag:s6] =	ssyncset.done $0x0  }
0xe3: {  	[sflag:s6] =	ssyncadd.s32 $0xFFFFC000  }
0xe4: {  	_ =	swait.ge [sflag:s8], $0x4000  }
0xe5: {  	[sflag:s8] =	ssyncset.done $0x0  }
0xe6: {  	[sflag:s8] =	ssyncadd.s32 $0xFFFFC000  }
0xe7: {  	_ =	swait.ge [sflag:s20], $0x4000  }
0xe8: {  	[sflag:s20] =	ssyncset.done $0x0  }
0xe9: {  	[sflag:s20] =	ssyncadd.s32 $0xFFFFC000  }
0xea: {  	_ =	swait.ge [sflag:s0], $0x4000  }
0xeb: {  	[sflag:s0] =	ssyncset.done $0x0  }
0xec: {  	[sflag:s0] =	ssyncadd.s32 $0xFFFFC000  }
0xed: {  	_ =	swait.ge [sflag:s3], $0x4000  }
0xee: {  	[sflag:s3] =	ssyncset.done $0x0  }
0xef: {  	s10 =	simm.s32 $0x0;
	[sflag:s3] =	ssyncadd.s32 $0xFFFFC000  }
0xf0: {  	v21 =	vld [tilespmem:s10+$0x14300]  }
0xf1: {  	v23 =	vld [tilespmem:s10+$0x14310]  }
0xf2: {  	v24 =	vld [tilespmem:s10+$0x14320]  }
0xf3: {  	v25 =	vld [tilespmem:s10+$0x14330]  }
0xf4: {  	v17 =	vld [tilespmem:s10+$0x14340]  }
0xf5: {  	v18 =	vld [tilespmem:s10+$0x14350]  }
0xf6: {  	v29 =	vld [tilespmem:s10+$0x10280]  }
0xf7: {  	v31 =	vld [tilespmem:s10+$0x10290]  }
0xf8: {  	v28 =	vld [tilespmem:s10+$0x102A0]  }
0xf9: {  	v30 =	vld [tilespmem:s10+$0x102B0]  }
0xfa: {  	v19 =	vld [tilespmem:s10+$0x102C0]  }
0xfb: {  	v20 =	vld [tilespmem:s10+$0x102D0]  }
0xfc: {  	v32 =	vld [tilespmem:s10+$0xC200]  }
0xfd: {  	v33 =	vld [tilespmem:s10+$0xC210]  }
0xfe: {  	v34 =	vld [tilespmem:s10+$0xC220]  }
0xff: {  	v41 =	vld [tilespmem:s10+$0xC230]  }
0x100: {  	v22 =	vld [tilespmem:s10+$0xC240]  }
0x101: {  	v38 =	vld [tilespmem:s10+$0x8180]  }
0x102: {  	v39 =	vld [tilespmem:s10+$0x8190]  }
0x103: {  	v36 =	vld [tilespmem:s10+$0x4100]  }
0x104: {  	v37 =	vld [tilespmem:s10+$0x4110]  }
0x105: {  	v26 =	vld [tilespmem:s10+$0x80]  }
0x106: {  	v35 =	vld [tilespmem:s10+$0x90]  }
0x107: {  	v40 =	vld [tilespmem:s10+$0xA0]  }
0x108: {  	v42 =	vld [tilespmem:s10+$0xB0]  }
0x109: {  	v43 =	vld [tilespmem:s10+$0x4120]  }
0x10a: {  	v44 =	vld [tilespmem:s10+$0x4130]  }
0x10b: {  	v27 =	vimm.f32 $0.0e+00;
	v45 =	vld [tilespmem:s10+$0x81A0]  }
0x10c: {  	v48 =	vld [tilespmem:s10+$0x81B0];
	v46 =	vadd.f32 v26, v27;
	v47 =	vadd.f32 v35, v27  }
0x10d: {  	v26 =	vld [tilespmem:s10+$0xC250];
	v40 =	vadd.f32 v40, v27;
	v42 =	vadd.f32 v42, v27  }
0x10e: {  	v35 =	vld [tilespmem:s10+$0x81C0];
	v46 =	vadd.f32 v36, v46;
	v47 =	vadd.f32 v37, v47  }
0x10f: {  	v36 =	vld [tilespmem:s10+$0x81D0];
	v40 =	vadd.f32 v43, v40;
	v42 =	vadd.f32 v44, v42  }
0x110: {  	v37 =	vld [tilespmem:s10+$0x4140];
	v61 =	vadd.f32 v38, v46;
	v62 =	vadd.f32 v39, v47  }
0x111: {  	v38 =	vld [tilespmem:s10+$0x4150];
	v45 =	vadd.f32 v45, v40;
	v63 =	vadd.f32 v48, v42  }
0x112: {  	v39 =	vld [tilespmem:s10+$0xC0];
	v42 =	vadd.f32 v32, v61;
	v43 =	vadd.f32 v33, v62  }
0x113: {  	v40 =	vld [tilespmem:s10+$0xD0];
	v44 =	vadd.f32 v34, v45;
	v45 =	vadd.f32 v41, v63  }
0x114: {  	s11 =	simm.s32 $0x200;
	v41 =	vld [tilespmem:s10+$0xE0];
	v34 =	vimm.f32 $0.0e+00;
	v33 =	vimm.f32 $0.0e+00;
	v32 =	vimm.f32 $0.0e+00  }
.LBB2_6:
0x115: {  	p0 =	sne.s32 s11, $0xFE00;
	v29 =	vadd.f32 v29, v42;
	v31 =	vadd.f32 v31, v43;
	v42 =	vld [tilespmem:s10+$0xF0]  }
0x116: {  	v28 =	vadd.f32 v28, v44;
	v30 =	vadd.f32 v30, v45;
	v43 =	vld [tilespmem:s10+$0x4160]  }
0x117: {  	v44 =	vadd.f32 v21, v29;
	v45 =	vadd.f32 v23, v31;
	v21 =	vld [tilespmem:s10+$0x4170]  }
0x118: {  	v46 =	vadd.f32 v24, v28;
	v47 =	vadd.f32 v25, v30;
	v23 =	vld [tilespmem:s10+$0x81E0]  }
0x119: {  	v24 =	vadd.f32 v39, v27;
	v25 =	vadd.f32 v40, v34;
	v27 =	vld [tilespmem:s10+$0x81F0]  }
0x11a: {  	v28 =	vadd.f32 v41, v33;
	v29 =	vld [tilespmem:s10+$0xC260];
	v30 =	vadd.f32 v42, v32  }
0x11b: {  	v24 =	vadd.f32 v37, v24;
	v25 =	vadd.f32 v38, v25;
	v31 =	vld [tilespmem:s10+$0xC270]  }
0x11c: {  	v28 =	vadd.f32 v43, v28;
	v32 =	vld [tilespmem:s10+$0x102E0];
	v21 =	vadd.f32 v21, v30  }
0x11d: {  	v24 =	vadd.f32 v35, v24;
	v25 =	vadd.f32 v36, v25;
	v30 =	vld [tilespmem:s10+$0x102F0]  }
0x11e: {  	v23 =	vadd.f32 v23, v28;
	v28 =	vld [tilespmem:s10+$0x14360];
	v27 =	vadd.f32 v27, v21  }
0x11f: {  	v22 =	vadd.f32 v22, v24;
	v24 =	vadd.f32 v26, v25;
	v26 =	vld [tilespmem:s10+$0x14370];
	s10 =	sshra.s32 s11, $0x2  }
0x120: {  	v25 =	vadd.f32 v29, v23;
	v21 =	vld [tilespmem:s10+$0x14300];
	v27 =	vadd.f32 v31, v27  }
0x121: {  	v19 =	vadd.f32 v19, v22;
	v20 =	vadd.f32 v20, v24;
	v23 =	vld [tilespmem:s10+$0x14310]  }
0x122: {  	v22 =	vadd.f32 v32, v25;
	v24 =	vld [tilespmem:s10+$0x14320];
	v29 =	vadd.f32 v30, v27  }
0x123: {  	v27 =	vadd.f32 v17, v19;
	v34 =	vadd.f32 v18, v20;
	v25 =	vld [tilespmem:s10+$0x14330]  }
0x124: {  	v33 =	vadd.f32 v28, v22;
	v17 =	vld [tilespmem:s10+$0x14340];
	v32 =	vadd.f32 v26, v29  }
0x125: {  	v18 =	vld [tilespmem:s10+$0x14350]  }
0x126: {  	v29 =	vld [tilespmem:s10+$0x10280]  }
0x127: {  	v31 =	vld [tilespmem:s10+$0x10290]  }
0x128: {  	v28 =	vld [tilespmem:s10+$0x102A0]  }
0x129: {  	v30 =	vld [tilespmem:s10+$0x102B0]  }
0x12a: {  	v19 =	vld [tilespmem:s10+$0x102C0]  }
0x12b: {  	v20 =	vld [tilespmem:s10+$0x102D0]  }
0x12c: {  	v40 =	vld [tilespmem:s10+$0xC200]  }
0x12d: {  	v41 =	vld [tilespmem:s10+$0xC210]  }
0x12e: {  	v48 =	vld [tilespmem:s10+$0xC220]  }
0x12f: {  	v49 =	vld [tilespmem:s10+$0xC230]  }
0x130: {  	v22 =	vld [tilespmem:s10+$0xC240]  }
0x131: {  	v26 =	vld [tilespmem:s10+$0xC250]  }
0x132: {  	v38 =	vld [tilespmem:s10+$0x8180]  }
0x133: {  	v39 =	vld [tilespmem:s10+$0x8190]  }
0x134: {  	v36 =	vld [tilespmem:s10+$0x4100]  }
0x135: {  	v37 =	vld [tilespmem:s10+$0x4110]  }
0x136: {  	v35 =	vld [tilespmem:s10+$0x80]  }
0x137: {  	v42 =	vld [tilespmem:s10+$0x90]  }
0x138: {  	v43 =	vld [tilespmem:s10+$0xA0]  }
0x139: {  	v50 =	vld [tilespmem:s10+$0xB0]  }
0x13a: {  	v51 =	vld [tilespmem:s10+$0x4120]  }
0x13b: {  	v52 =	vld [tilespmem:s10+$0x4130]  }
0x13c: {  	v53 =	vld [tilespmem:s10+$0x81A0]  }
0x13d: {  	v44 =	vadd.f32 v35, v44;
	v42 =	vadd.f32 v42, v45;
	v45 =	vld [tilespmem:s10+$0x81B0]  }
0x13e: {  	v43 =	vadd.f32 v43, v46;
	v46 =	vadd.f32 v50, v47;
	v35 =	vld [tilespmem:s10+$0x81C0]  }
0x13f: {  	v44 =	vadd.f32 v36, v44;
	v42 =	vadd.f32 v37, v42;
	v36 =	vld [tilespmem:s10+$0x81D0]  }
.Ltmp2:
0x140: {  	v43 =	vadd.f32 v51, v43;
	v46 =	vadd.f32 v52, v46;
	v37 =	vld [tilespmem:s10+$0x4140];
	(pc) =	sbr.rel @p0 .LBB2_6-.Ltmp2, $4  }
0x141: {  	v44 =	vadd.f32 v38, v44;
	v47 =	vadd.f32 v39, v42;
	v38 =	vld [tilespmem:s10+$0x4150]  }
0x142: {  	v50 =	vadd.f32 v53, v43;
	v45 =	vadd.f32 v45, v46;
	v39 =	vld [tilespmem:s10+$0xC0]  }
0x143: {  	v42 =	vadd.f32 v40, v44;
	v43 =	vadd.f32 v41, v47;
	v40 =	vld [tilespmem:s10+$0xD0]  }
0x144: {  	s11 =	sadd.s32 $0x200, s11;
	v44 =	vadd.f32 v48, v50;
	v45 =	vadd.f32 v49, v45;
	v41 =	vld [tilespmem:s10+$0xE0]  }
0x145: {  	v29 =	vadd.f32 v29, v42;
	v8 =	vmul.f32 v8, v0  }
0x146: {  	v31 =	vadd.f32 v31, v43;
	v7 =	vmul.f32 v7, v0;
	v6 =	vmul.f32 v6, v0  }
0x147: {  	v5 =	vmul.f32 v5, v0;
	v28 =	vadd.f32 v28, v44;
	v30 =	vadd.f32 v30, v45  }
0x148: {  	v4 =	vmul.f32 v4, v0;
	v21 =	vadd.f32 v21, v29;
	v23 =	vadd.f32 v23, v31  }
0x149: {  	v3 =	vmul.f32 v3, v0;
	v27 =	vadd.f32 v39, v27;
	v8 =	vsub.f32 v16, v8  }
0x14a: {  	v2 =	vmul.f32 v2, v0;
	v7 =	vsub.f32 v15, v7;
	v6 =	vsub.f32 v14, v6  }
0x14b: {  	v1 =	vmul.f32 v1, v0;
	v5 =	vsub.f32 v13, v5;
	v4 =	vsub.f32 v12, v4  }
0x14c: {  	v48 =	vld [tilespmem:s10+$0xF0];
	v3 =	vsub.f32 v11, v3;
	v2 =	vsub.f32 v10, v2  }
0x14d: {  	v1 =	vsub.f32 v9, v1;
	v24 =	vadd.f32 v24, v28  }
0x14e: {  	v49 =	vld [tilespmem:s10+$0x4160];
	v25 =	vadd.f32 v25, v30;
	v52 =	vadd.f32 v40, v34  }
0x14f: {  	v50 =	vld [tilespmem:s10+$0x4170];
	v33 =	vadd.f32 v41, v33;
	v27 =	vadd.f32 v37, v27  }
0x150: {  	v51 =	vld [tilespmem:s10+$0x81E0];
	v8 =	vsub.f32 v21, v8;
	v7 =	vsub.f32 v23, v7  }
0x151: {  	v53 =	vld [tilespmem:s10+$0x81F0];
	v32 =	vadd.f32 v48, v32;
	v30 =	vadd.f32 v38, v52  }
0x152: {  	v54 =	vld [tilespmem:s10+$0xC260];
	v6 =	vsub.f32 v24, v6;
	v5 =	vsub.f32 v25, v5  }
0x153: {  	v55 =	vld [tilespmem:s10+$0xC270];
	v33 =	vadd.f32 v49, v33;
	v27 =	vadd.f32 v35, v27  }
0x154: {  	v56 =	vld [tilespmem:s10+$0x102E0];
	v29 =	vadd.f32 v50, v32;
	v30 =	vadd.f32 v36, v30  }
0x155: {  	v57 =	vld [tilespmem:s10+$0x102F0];
	v28 =	vadd.f32 v51, v33;
	v22 =	vadd.f32 v22, v27  }
0x156: {  	v58 =	vld [tilespmem:s10+$0x14360];
	v29 =	vadd.f32 v53, v29;
	v26 =	vadd.f32 v26, v30  }
0x157: {  	v59 =	vld [tilespmem:s10+$0x14370];
	v28 =	vadd.f32 v54, v28;
	v19 =	vadd.f32 v19, v22  }
0x158: {  	v29 =	vadd.f32 v55, v29;
	v20 =	vadd.f32 v20, v26  }
0x159: {  	[tilespmem:$0x18300] =	vst v8;
	v60 =	vadd.f32 v56, v28;
	v17 =	vadd.f32 v17, v19  }
0x15a: {  	[tilespmem:$0x18310] =	vst v7;
	v61 =	vadd.f32 v57, v29;
	v18 =	vadd.f32 v18, v20  }
0x15b: {  	[tilespmem:$0x18320] =	vst v6;
	v62 =	vadd.f32 v58, v60;
	v4 =	vsub.f32 v17, v4  }
0x15c: {  	[tilespmem:$0x18330] =	vst v5;
	v63 =	vadd.f32 v59, v61;
	v3 =	vsub.f32 v18, v3  }
0x15d: {  	[tilespmem:$0x18340] =	vst v4;
	v2 =	vsub.f32 v62, v2  }
0x15e: {  	s9 =	sadd.s32 $0x1, s9;
	[tilespmem:$0x18350] =	vst v3;
	v1 =	vsub.f32 v63, v1  }
0x15f: {  	p0 =	sne.s32 s9, s16;
	[tilespmem:$0x18360] =	vst v2  }
.Ltmp3:
0x160: {  	s13 =	simm.s32 $0x18300;
	[tilespmem:$0x18370] =	vst v1;
	(pc) =	sbr.rel @p0 .LBB2_1-.Ltmp3, $4  }
0x161: {  	[hbm4b:s15+s4] =	stream.linear.scatter [tilespmem:s13], [sflag:$0x7], $0x80, $0x38;
	[tilespmem:$0x18380] =	vst v63  }
0x162: {  	_ =	swait.ge [sflag:s18], $0x80  }
0x163: {  	[sflag:s18] =	ssyncset.done $0x0  }
0x164: {  	[sflag:s18] =	ssyncadd.s32 $0xFFFFFF80  }
0x165: {  	_ =	sfence.sel $0x180000  }
0x166: {  	[bflag:$0x0] =	sbarrier.arrive $0xFFFF  }
0x167: {  	_ =	strace $0x90000047  }
0x168: {  	s0 =	stileid.u32;
	[bflag:$0x2] =	sbarrier.arrive $0xFFFF  }
0x169: {  	p0 =	sne.s32 s0, $0x0;
	s0 =	rddreg [dreg:$0x4]  }
0x16a: {  	s0 =	sadd.s32 @!p0 $0x100000, s0  }
0x16b: {  	[sflag:s0] =	ssyncadd.tile.s32 @!p0 $0x1;
	_ =	shalt  }
.Lfunc_end2:
_tile_overlayer_lowered:
.L_overlay_start_2:
0x16c: {  	(tag) =	ssettag $0x2  }
0x16d: {  	s0 =	rddreg [dreg:$0x0];
	s2 =	stileid.u32  }
0x16e: {  	s1 =	rddreg [dreg:$0x1];
	p0 =	sne.s32 s2, $0x0  }
0x16f: {  	s3 =	rddreg [dreg:$0x2];
	[bflag:$0x3] =	sbarrier.arrive $0xFFFF;
	s2 =	simm.s32 @!p0 $0x1C07  }
0x170: {  	[timem:s3], [sflag:s2] =	dma.local @!p0 [hbm:s0], s1  }
0x171: {  	s0 =	simm.s32 @!p0 $0x7  }
0x172: {  	_ =	swait.ge @!p0 [sflag:s0], s1  }
0x173: {  	s1 =	ssub.s32 @!p0 $0x0, s1;
	[sflag:s0] =	ssyncset.done @!p0 $0x0  }
0x174: {  	[sflag:s0] =	ssyncadd.s32 @!p0 s1  }
0x175: {  	[bflag:$0x3] =	sbarrier.arrive $0xFFFF  }
0x176: {  	_ =	shalt  }

</sc_bundles>
